<compile_context>
chip_gen: v7x
topology: tpu7x:2x2x1
jax: 0.10.2.dev20260603
libtpu: 0.0.44.dev20260713+nightly
codegen_flags: <defaults>
</compile_context>

<pallas_src>
import jax
import jax.numpy as jnp
from jax import lax
from jax.experimental import pallas as pl
from jax.experimental.pallas import tpu as pltpu
from jax.experimental.pallas import tpu_sc as plsc

B = 4
H = 224
W = 224
HW = H * W
C = 96
NSEG = 100
NPIX = B * HW
NC = 2
NS = 16
NW = NC * NS
HPW = H * B // NW
SCH = 112
SPERW = W // SCH
NIDXR = NPIX // SCH
IPW = NIDXR // NW
PARTS_PER_B = NW // B
ACC_ROWS = 512
HB = 32


def _sc_body(img_hbm, slic_hbm, psum_hbm, pcnt_hbm,
             slic_v, idx_v, img_v, ind_v, ones_v, zacc_v, acc_s, acc_c,
             sem_in, sem_sum, sem_cnt):
    c = lax.axis_index("c")
    s = lax.axis_index("s")
    wid = s * NC + c
    b = wid // PARTS_PER_B
    h_base = (wid % PARTS_PER_B) * HPW

    h0 = pl.multiple_of(lax.bitwise_and(h_base, ~7), 8)
    hoff = h_base - h0
    pltpu.sync_copy(slic_hbm.at[b, pl.ds(h0, HPW + 4)], slic_v)

    def idx_body(j, _):
        for k in range(SPERW):
            for t in range(SCH // 16):
                v = slic_v[hoff + j, pl.ds(k * SCH + t * 16, 16)]
                ix = jnp.where(v == 0, 400 + b, v * 4 + (b - 4))
                idx_v[j * SPERW + k, pl.ds(t * 16, 16)] = ix
        return 0
    lax.fori_loop(0, HPW, idx_body, 0)

    one = jnp.full((16,), 1.0, jnp.float32)
    zero = jnp.zeros((16,), jnp.float32)

    def fill_body(r, _):
        for k in range(C // 16):
            img_v[0, r, pl.ds(k * 16, 16)] = zero
        return 0
    lax.fori_loop(0, 128, fill_body, 0)

    def ones_body(r, _):
        for k in range(C // 16):
            ones_v[r, pl.ds(k * 16, 16)] = one
        return 0
    lax.fori_loop(0, SCH, ones_body, 0)

    @pl.when(s < 8)
    def _():
        row0 = pl.multiple_of((s % 4) * 128, 128)

        @pl.when(s < 4)
        def _():
            pltpu.sync_copy(img_v.at[0, pl.ds(0, 128)],
                            acc_s.at[pl.ds(row0, 128)])

        @pl.when(s >= 4)
        def _():
            pltpu.sync_copy(img_v.at[0, pl.ds(0, 128)],
                            acc_c.at[pl.ds(row0, 128)])

    plsc.subcore_barrier()

    pltpu.async_copy(img_hbm.at[b, h_base], img_v.at[0], sem_in.at[0])

    def slab_body(j, npend):
        buf = j % 2
        nbuf = (j + 1) % 2

        pltpu.make_async_copy(img_hbm.at[b, h_base], img_v.at[buf],
                              sem_in.at[buf]).wait()

        for k in range(SPERW):
            pltpu.async_copy(img_v.at[buf, pl.ds(k * SCH, SCH)],
                            acc_s.at[idx_v.at[j * SPERW + k]],
                            sem_sum.at[buf, k], add=True)

        @pl.when(j >= 1)
        def _():
            for k in range(SPERW):
                pltpu.make_async_copy(
                    img_v.at[nbuf, pl.ds(k * SCH, SCH)],
                    acc_s.at[idx_v.at[(j - 1) * SPERW + k]],
                    sem_sum.at[nbuf, k]).wait()

        @pl.when(j < HPW - 1)
        def _():
            pltpu.async_copy(img_hbm.at[b, h_base + j + 1],
                             img_v.at[nbuf], sem_in.at[nbuf])

        zacc_v[pl.ds(0, 16)] = jnp.zeros((16,), jnp.int32)

        def z_body(i, _):
            r0 = i * 8
            zacc = zacc_v[pl.ds(0, 16)]
            for dr in range(8):
                for k in range(C // 16):
                    x = img_v[buf, r0 + dr, pl.ds(k * 16, 16)]
                    zacc = zacc | jnp.where(x == 0.0, 1, 0)
            zacc_v[pl.ds(0, 16)] = zacc
            return 0
        lax.fori_loop(0, W // 8, z_body, 0)
        nz = zacc_v[pl.ds(0, 16)]
        any_zero = nz[0]
        for l in range(1, 16):
            any_zero = any_zero | nz[l]

        @pl.when(any_zero == 0)
        def _():
            for k in range(SPERW):
                pltpu.async_copy(ones_v,
                                 acc_c.at[idx_v.at[j * SPERW + k]],
                                 sem_cnt, add=True)

        @pl.when(any_zero > 0)
        def _():
            def ind_body(r, _):
                for k in range(C // 16):
                    x = img_v[buf, r, pl.ds(k * 16, 16)]
                    ind_v[r, pl.ds(k * 16, 16)] = jnp.where(
                        x != 0.0, 1.0, 0.0).astype(jnp.float32)
                return 0
            lax.fori_loop(0, W, ind_body, 0)
            for k in range(SPERW):
                pltpu.sync_copy(ind_v.at[pl.ds(k * SCH, SCH)],
                                acc_c.at[idx_v.at[j * SPERW + k]], add=True)

        return npend + jnp.where(any_zero == 0, 2, 0)

    npend = lax.fori_loop(0, HPW, slab_body, 0)

    for k in range(SPERW):
        pltpu.make_async_copy(
            img_v.at[(HPW - 1) % 2, pl.ds(k * SCH, SCH)],
            acc_s.at[idx_v.at[(HPW - 1) * SPERW + k]],
            sem_sum.at[(HPW - 1) % 2, k]).wait()

    def drain_body(i, _):
        pltpu.make_async_copy(ones_v, acc_c.at[idx_v.at[0]], sem_cnt).wait()
        return 0
    lax.fori_loop(0, npend, drain_body, 0)

    plsc.subcore_barrier()

    @pl.when(s == 0)
    def _():
        pltpu.sync_copy(acc_s, psum_hbm.at[c])
        pltpu.sync_copy(acc_c, pcnt_hbm.at[c])


@jax.jit
def _sc_call(img4d, slic3d):
    mesh = plsc.VectorSubcoreMesh(core_axis_name="c", subcore_axis_name="s")
    f = pl.kernel(
        _sc_body,
        out_type=(
            jax.ShapeDtypeStruct((NC, ACC_ROWS, C), jnp.float32),
            jax.ShapeDtypeStruct((NC, ACC_ROWS, C), jnp.float32),
        ),
        mesh=mesh,
        compiler_params=pltpu.CompilerParams(use_tc_tiling_on_sc=True),
        scratch_types=[
            pltpu.VMEM((HPW + 4, W), jnp.int32),
            pltpu.VMEM((IPW, SCH), jnp.int32),
            pltpu.VMEM((2, W, C), jnp.float32),
            pltpu.VMEM((W, C), jnp.float32),
            pltpu.VMEM((SCH, C), jnp.float32),
            pltpu.VMEM((16,), jnp.int32),
            pltpu.VMEM_SHARED((ACC_ROWS, C), jnp.float32),
            pltpu.VMEM_SHARED((ACC_ROWS, C), jnp.float32),
            pltpu.SemaphoreType.DMA((2,)),
            pltpu.SemaphoreType.DMA((2, SPERW)),
            pltpu.SemaphoreType.DMA,
        ],
    )
    return f(img4d, slic3d)


def _combine_body(ps_ref, pc_ref, o_ref):
    ssum = ps_ref[0, 0:NSEG * B, :] + ps_ref[1, 0:NSEG * B, :]
    scnt = pc_ref[0, 0:NSEG * B, :] + pc_ref[1, 0:NSEG * B, :]
    o_ref[...] = ssum / scnt


@jax.jit
def _combine_call(psum, pcnt):
    return pl.pallas_call(
        _combine_body,
        out_shape=jax.ShapeDtypeStruct((NSEG * B, C), jnp.float32),
    )(psum, pcnt)


def kernel(image_output, slic_output):
    psum, pcnt = _sc_call(image_output, jnp.squeeze(slic_output, -1))
    out2d = _combine_call(psum, pcnt)
    return out2d.reshape(NSEG, B, C)

# --- scband reference (transcript-rebuilt; emitter-appended) ---
"""Pipeline reference for scband-confidence-layer-37263136260910 (READ-ONLY COPY).

The authoritative reference and input builder live on the scoring server;
editing this copy changes nothing except your own understanding.
"""

import jax, jax.numpy as jnp
import numpy as np

N_SEGMENTS = 100

def setup_inputs(seed: int = 0) -> dict:
    key = jax.random.key(seed)
    k1, k2 = jax.random.split(key)
    image_output = jax.random.normal(k1, (4, 224, 224, 96), dtype=jnp.float32)
    slic_output = jax.random.randint(k2, (4, 224, 224, 1), 0, 101, dtype=jnp.int32)
    return {"image_output": image_output, "slic_output": slic_output}

def reference(image_output, slic_output):
    # Faithful translation of ConfidenceLayer.call:
    # slic_transposed starts at slic_output - 1 and is decremented each cycle,
    # so cycle s selects pixels where (slic_output - 1 - s) == 0, i.e. slic_output == s + 1.
    slic_t = slic_output - 1  # [B, H, W, 1]

    def per_segment(s):
        mask = ((slic_t - s) == 0).astype(jnp.float32)  # [B, H, W, 1]
        segment = image_output * mask                    # [B, H, W, C]
        # tf.math.count_nonzero(segment, axis=[1,2], dtype='float32') -> [B, C]
        count = jnp.sum(segment != 0, axis=(1, 2)).astype(jnp.float32)
        avg = jnp.sum(segment, axis=(1, 2)) / count      # [B, C]
        return avg

    # tf.stack(cycles_list) -> [n_segments, B, C]
    out = jax.lax.map(per_segment, jnp.arange(N_SEGMENTS, dtype=jnp.int32))
    return out

if __name__ == "__main__":
    import jax
    _d = setup_inputs()
    print(jax.jit(kernel)(*tuple(_d.values())))

</pallas_src>

<mosaic_0001>
#map = affine_map<(d0, d1) -> (0, 0, 0, 0)>
#map1 = affine_map<(d0, d1) -> (0, 0, 0)>
module attributes {stable_mosaic.version = 14 : i64} {
  func.func @_sc_body(%arg0: i32, %arg1: i32, %arg2: memref<4x224x224x96xf32, #tpu.memory_space<hbm>>, %arg3: memref<4x224x224xi32, #tpu.memory_space<hbm>>, %arg4: memref<2x512x96xf32, #tpu.memory_space<hbm>>, %arg5: memref<2x512x96xf32, #tpu.memory_space<hbm>>, %arg6: memref<32x224xi32, #tpu.memory_space<vmem>>, %arg7: memref<56x112xi32, #tpu.memory_space<vmem>>, %arg8: memref<2x224x96xf32, #tpu.memory_space<vmem>>, %arg9: memref<224x96xf32, #tpu.memory_space<vmem>>, %arg10: memref<112x96xf32, #tpu.memory_space<vmem>>, %arg11: memref<16xi32, #tpu.memory_space<vmem>>, %arg12: memref<512x96xf32, #tpu.memory_space<vmem_shared>>, %arg13: memref<512x96xf32, #tpu.memory_space<vmem_shared>>, %arg14: memref<2x!tpu.dma_semaphore, #tpu.memory_space<semaphore_mem>>, %arg15: memref<2x2x!tpu.dma_semaphore, #tpu.memory_space<semaphore_mem>>, %arg16: memref<!tpu.dma_semaphore, #tpu.memory_space<semaphore_mem>>) attributes {dimension_semantics = [#tpu.dimension_semantics<core_parallel>, #tpu.dimension_semantics<subcore_parallel>], iteration_bounds = array<i64: 2, 16>, scalar_prefetch = 0 : i64, scratch_operands = 11 : i64, tpu.core_type = #tpu.core_type<sc_vector_subcore>, window_params = [{transform_indices = #map}, {transform_indices = #map1}, {transform_indices = #map1}, {transform_indices = #map1}]} {
    %mul3A = arith.constant 2 : i32
    %mul3A_0 = arith.muli %arg1, %mul3A : i32
    %add3A = arith.addi %mul3A_0, %arg0 : i32
    %jit3A = arith.constant 8 : i32
    %div3A = arith.divsi %add3A, %jit3A : i32
    %sign3A = arith.constant 0 : i32
    %sign3A_1 = arith.cmpi sgt, %add3A, %sign3A : i32
    %sign3A_2 = arith.extui %sign3A_1 : i1 to i32
    %sign3A_3 = arith.constant 0 : i32
    %sign3A_4 = arith.cmpi slt, %add3A, %sign3A_3 : i32
    %sign3A_5 = arith.extui %sign3A_4 : i1 to i32
    %sign3A_6 = arith.subi %sign3A_2, %sign3A_5 : i32
    %sign3A_7 = arith.constant 0 : i32
    %sign3A_8 = arith.cmpi sgt, %jit3A, %sign3A_7 : i32
    %sign3A_9 = arith.extui %sign3A_8 : i1 to i32
    %sign3A_10 = arith.constant 0 : i32
    %sign3A_11 = arith.cmpi slt, %jit3A, %sign3A_10 : i32
    %sign3A_12 = arith.extui %sign3A_11 : i1 to i32
    %sign3A_13 = arith.subi %sign3A_9, %sign3A_12 : i32
    %ne3A = arith.cmpi ne, %sign3A_6, %sign3A_13 : i32
    %rem3A = arith.remsi %add3A, %jit3A : i32
    %ne3A_14 = arith.constant 0 : i32
    %ne3A_15 = arith.cmpi ne, %rem3A, %ne3A_14 : i32
    %and3A = arith.andi %ne3A, %ne3A_15 : i1
    %sub3A = arith.constant 1 : i32
    %sub3A_16 = arith.subi %div3A, %sub3A : i32
    %select_n3A = arith.select %and3A, %sub3A_16, %div3A : i32
    %jit3A_17 = arith.constant 8 : i32
    %eq3A = arith.constant 0 : i32
    %eq3A_18 = arith.cmpi eq, %jit3A_17, %eq3A : i32
    %jit3A_19 = arith.constant 1 : i32
    %select_n3A_20 = arith.select %eq3A_18, %jit3A_19, %jit3A_17 : i32
    %rem3A_21 = arith.remsi %add3A, %select_n3A_20 : i32
    %ne3A_22 = arith.constant 0 : i32
    %ne3A_23 = arith.cmpi ne, %rem3A_21, %ne3A_22 : i32
    %lt3A = arith.constant 0 : i32
    %lt3A_24 = arith.cmpi slt, %rem3A_21, %lt3A : i32
    %lt3A_25 = arith.constant 0 : i32
    %lt3A_26 = arith.cmpi slt, %select_n3A_20, %lt3A_25 : i32
    %ne3A_27 = arith.xori %lt3A_24, %lt3A_26 : i1
    %and3A_28 = arith.andi %ne3A_27, %ne3A_23 : i1
    %add3A_29 = arith.addi %rem3A_21, %select_n3A_20 : i32
    %select_n3A_30 = arith.select %and3A_28, %add3A_29, %rem3A_21 : i32
    %mul3A_31 = arith.constant 28 : i32
    %mul3A_32 = arith.muli %select_n3A_30, %mul3A_31 : i32
    %and3A_33 = arith.constant -8 : i32
    %and3A_34 = arith.andi %mul3A_32, %and3A_33 : i32
    %multiple_of3A = tpu.assume_multiple %and3A_34, 8 : i32
    %sub3A_35 = arith.subi %mul3A_32, %multiple_of3A : i32
    "tpu.region"() ({
      %run_scoped3A = tpu.sem_alloc : memref<!tpu.dma_semaphore, #tpu.memory_space<semaphore_mem>>
      %dma_start3A_136 = arith.constant 0 : i32
      %dma_start3A_137 = tpu.memref_slice %arg3[%select_n3A, %multiple_of3A, %dma_start3A_136] : memref<4x224x224xi32, #tpu.memory_space<hbm>> -> memref<1x32x224xi32, #tpu.memory_space<hbm>>
      %dma_start3A_138 = tpu.memref_squeeze %dma_start3A_137 : memref<1x32x224xi32, #tpu.memory_space<hbm>> -> memref<32x224xi32, #tpu.memory_space<hbm>>
      %dma_start3A_139 = arith.constant 0 : i32
      %dma_start3A_140 = tpu.memref_slice %arg3[%select_n3A, %multiple_of3A, %dma_start3A_139] : memref<4x224x224xi32, #tpu.memory_space<hbm>> -> memref<1x32x224xi32, #tpu.memory_space<hbm>>
      %dma_start3A_141 = tpu.memref_squeeze %dma_start3A_140 : memref<1x32x224xi32, #tpu.memory_space<hbm>> -> memref<32x224xi32, #tpu.memory_space<hbm>>
      tpu.enqueue_dma source(%dma_start3A_141 : memref<32x224xi32, #tpu.memory_space<hbm>>) target(%arg6 : memref<32x224xi32, #tpu.memory_space<vmem>>) target_semaphore(%run_scoped3A : memref<!tpu.dma_semaphore, #tpu.memory_space<semaphore_mem>>)
      %dma_wait3A_142 = arith.constant 0 : i32
      %dma_wait3A_143 = tpu.memref_slice %arg3[%select_n3A, %multiple_of3A, %dma_wait3A_142] : memref<4x224x224xi32, #tpu.memory_space<hbm>> -> memref<1x32x224xi32, #tpu.memory_space<hbm>>
      %dma_wait3A_144 = tpu.memref_squeeze %dma_wait3A_143 : memref<1x32x224xi32, #tpu.memory_space<hbm>> -> memref<32x224xi32, #tpu.memory_space<hbm>>
      %dma_wait3A_145 = arith.constant 0 : i32
      %dma_wait3A_146 = tpu.memref_slice %arg3[%select_n3A, %multiple_of3A, %dma_wait3A_145] : memref<4x224x224xi32, #tpu.memory_space<hbm>> -> memref<1x32x224xi32, #tpu.memory_space<hbm>>
      %dma_wait3A_147 = tpu.memref_squeeze %dma_wait3A_146 : memref<1x32x224xi32, #tpu.memory_space<hbm>> -> memref<32x224xi32, #tpu.memory_space<hbm>>
      tpu.wait_dma2 semaphore(%run_scoped3A : memref<!tpu.dma_semaphore, #tpu.memory_space<semaphore_mem>>) src(%dma_wait3A_147 : memref<32x224xi32, #tpu.memory_space<hbm>>) dst(%arg6 : memref<32x224xi32, #tpu.memory_space<vmem>>)
      tpu.yield
    }) : () -> ()
    %scan3A = arith.constant 0 : i32
    %scan3A_36 = arith.constant 0 : i32
    %scan3A_37 = arith.constant 28 : i32
    %scan3A_38 = arith.addi %scan3A_36, %scan3A_37 : i32
    %scan3A_39 = arith.constant 1 : i32
    %scan3A_40 = scf.for %scan3A_136 = %scan3A_36 to %scan3A_38 step %scan3A_39 iter_args(%scan3A_137 = %scan3A) -> (i32)  : i32 {
      %add3A_138 = arith.addi %sub3A_35, %scan3A_136 : i32
      %get3A = arith.index_cast %add3A_138 : i32 to index
      %get3A_139 = arith.constant 0 : index
      %get3A_140 = tpu.vector_load %arg6[%get3A, %get3A_139] {strides = array<i32>} : memref<32x224xi32, #tpu.memory_space<vmem>>, vector<1x16xi32>,
      %get3A_141 = vector.shape_cast %get3A_140 : vector<1x16xi32> to vector<16xi32>
      %eq3A_142 = arith.constant 0 : i32
      %eq3A_143 = vector.broadcast %eq3A_142 : i32 to vector<16xi32>
      %eq3A_144 = arith.cmpi eq, %get3A_141, %eq3A_143 : vector<16xi32>
      %add3A_145 = arith.constant 400 : i32
      %add3A_146 = arith.addi %add3A_145, %select_n3A : i32
      %mul3A_147 = arith.constant 4 : i32
      %mul3A_148 = vector.broadcast %mul3A_147 : i32 to vector<16xi32>
      %mul3A_149 = arith.muli %get3A_141, %mul3A_148 : vector<16xi32>
      %sub3A_150 = arith.constant 4 : i32
      %sub3A_151 = arith.subi %select_n3A, %sub3A_150 : i32
      %add3A_152 = vector.broadcast %sub3A_151 : i32 to vector<16xi32>
      %add3A_153 = arith.addi %mul3A_149, %add3A_152 : vector<16xi32>
      %broadcast_in_dim3A_154 = vector.broadcast %add3A_146 : i32 to vector<16xi32>
      %select_n3A_155 = arith.select %eq3A_144, %broadcast_in_dim3A_154, %add3A_153 : vector<16xi1>, vector<16xi32>
      %mul3A_156 = arith.constant 2 : i32
      %mul3A_157 = arith.muli %scan3A_136, %mul3A_156 : i32
      %add3A_158 = arith.constant 0 : i32
      %add3A_159 = arith.addi %mul3A_157, %add3A_158 : i32
      %swap3A = arith.index_cast %add3A_159 : i32 to index
      %swap3A_160 = arith.constant 0 : index
      %swap3A_161 = tpu.vector_load %arg7[%swap3A, %swap3A_160] {strides = array<i32>} : memref<56x112xi32, #tpu.memory_space<vmem>>, vector<1x16xi32>,
      %swap3A_162 = vector.shape_cast %swap3A_161 : vector<1x16xi32> to vector<16xi32>
      %swap3A_163 = vector.shape_cast %select_n3A_155 : vector<16xi32> to vector<1x16xi32>
      tpu.vector_store %arg7[%swap3A, %swap3A_160], %swap3A_163 {strides = array<i32>} : memref<56x112xi32, #tpu.memory_space<vmem>>, vector<1x16xi32>,
      %add3A_164 = arith.addi %sub3A_35, %scan3A_136 : i32
      %get3A_165 = arith.index_cast %add3A_164 : i32 to index
      %get3A_166 = arith.constant 16 : index
      %get3A_167 = tpu.vector_load %arg6[%get3A_165, %get3A_166] {strides = array<i32>} : memref<32x224xi32, #tpu.memory_space<vmem>>, vector<1x16xi32>,
      %get3A_168 = vector.shape_cast %get3A_167 : vector<1x16xi32> to vector<16xi32>
      %eq3A_169 = arith.constant 0 : i32
      %eq3A_170 = vector.broadcast %eq3A_169 : i32 to vector<16xi32>
      %eq3A_171 = arith.cmpi eq, %get3A_168, %eq3A_170 : vector<16xi32>
      %add3A_172 = arith.constant 400 : i32
      %add3A_173 = arith.addi %add3A_172, %select_n3A : i32
      %mul3A_174 = arith.constant 4 : i32
      %mul3A_175 = vector.broadcast %mul3A_174 : i32 to vector<16xi32>
      %mul3A_176 = arith.muli %get3A_168, %mul3A_175 : vector<16xi32>
      %sub3A_177 = arith.constant 4 : i32
      %sub3A_178 = arith.subi %select_n3A, %sub3A_177 : i32
      %add3A_179 = vector.broadcast %sub3A_178 : i32 to vector<16xi32>
      %add3A_180 = arith.addi %mul3A_176, %add3A_179 : vector<16xi32>
      %broadcast_in_dim3A_181 = vector.broadcast %add3A_173 : i32 to vector<16xi32>
      %select_n3A_182 = arith.select %eq3A_171, %broadcast_in_dim3A_181, %add3A_180 : vector<16xi1>, vector<16xi32>
      %mul3A_183 = arith.constant 2 : i32
      %mul3A_184 = arith.muli %scan3A_136, %mul3A_183 : i32
      %add3A_185 = arith.constant 0 : i32
      %add3A_186 = arith.addi %mul3A_184, %add3A_185 : i32
      %swap3A_187 = arith.index_cast %add3A_186 : i32 to index
      %swap3A_188 = arith.constant 16 : index
      %swap3A_189 = tpu.vector_load %arg7[%swap3A_187, %swap3A_188] {strides = array<i32>} : memref<56x112xi32, #tpu.memory_space<vmem>>, vector<1x16xi32>,
      %swap3A_190 = vector.shape_cast %swap3A_189 : vector<1x16xi32> to vector<16xi32>
      %swap3A_191 = vector.shape_cast %select_n3A_182 : vector<16xi32> to vector<1x16xi32>
      tpu.vector_store %arg7[%swap3A_187, %swap3A_188], %swap3A_191 {strides = array<i32>} : memref<56x112xi32, #tpu.memory_space<vmem>>, vector<1x16xi32>,
      %add3A_192 = arith.addi %sub3A_35, %scan3A_136 : i32
      %get3A_193 = arith.index_cast %add3A_192 : i32 to index
      %get3A_194 = arith.constant 32 : index
      %get3A_195 = tpu.vector_load %arg6[%get3A_193, %get3A_194] {strides = array<i32>} : memref<32x224xi32, #tpu.memory_space<vmem>>, vector<1x16xi32>,
      %get3A_196 = vector.shape_cast %get3A_195 : vector<1x16xi32> to vector<16xi32>
      %eq3A_197 = arith.constant 0 : i32
      %eq3A_198 = vector.broadcast %eq3A_197 : i32 to vector<16xi32>
      %eq3A_199 = arith.cmpi eq, %get3A_196, %eq3A_198 : vector<16xi32>
      %add3A_200 = arith.constant 400 : i32
      %add3A_201 = arith.addi %add3A_200, %select_n3A : i32
      %mul3A_202 = arith.constant 4 : i32
      %mul3A_203 = vector.broadcast %mul3A_202 : i32 to vector<16xi32>
      %mul3A_204 = arith.muli %get3A_196, %mul3A_203 : vector<16xi32>
      %sub3A_205 = arith.constant 4 : i32
      %sub3A_206 = arith.subi %select_n3A, %sub3A_205 : i32
      %add3A_207 = vector.broadcast %sub3A_206 : i32 to vector<16xi32>
      %add3A_208 = arith.addi %mul3A_204, %add3A_207 : vector<16xi32>
      %broadcast_in_dim3A_209 = vector.broadcast %add3A_201 : i32 to vector<16xi32>
      %select_n3A_210 = arith.select %eq3A_199, %broadcast_in_dim3A_209, %add3A_208 : vector<16xi1>, vector<16xi32>
      %mul3A_211 = arith.constant 2 : i32
      %mul3A_212 = arith.muli %scan3A_136, %mul3A_211 : i32
      %add3A_213 = arith.constant 0 : i32
      %add3A_214 = arith.addi %mul3A_212, %add3A_213 : i32
      %swap3A_215 = arith.index_cast %add3A_214 : i32 to index
      %swap3A_216 = arith.constant 32 : index
      %swap3A_217 = tpu.vector_load %arg7[%swap3A_215, %swap3A_216] {strides = array<i32>} : memref<56x112xi32, #tpu.memory_space<vmem>>, vector<1x16xi32>,
      %swap3A_218 = vector.shape_cast %swap3A_217 : vector<1x16xi32> to vector<16xi32>
      %swap3A_219 = vector.shape_cast %select_n3A_210 : vector<16xi32> to vector<1x16xi32>
      tpu.vector_store %arg7[%swap3A_215, %swap3A_216], %swap3A_219 {strides = array<i32>} : memref<56x112xi32, #tpu.memory_space<vmem>>, vector<1x16xi32>,
      %add3A_220 = arith.addi %sub3A_35, %scan3A_136 : i32
      %get3A_221 = arith.index_cast %add3A_220 : i32 to index
      %get3A_222 = arith.constant 48 : index
      %get3A_223 = tpu.vector_load %arg6[%get3A_221, %get3A_222] {strides = array<i32>} : memref<32x224xi32, #tpu.memory_space<vmem>>, vector<1x16xi32>,
      %get3A_224 = vector.shape_cast %get3A_223 : vector<1x16xi32> to vector<16xi32>
      %eq3A_225 = arith.constant 0 : i32
      %eq3A_226 = vector.broadcast %eq3A_225 : i32 to vector<16xi32>
      %eq3A_227 = arith.cmpi eq, %get3A_224, %eq3A_226 : vector<16xi32>
      %add3A_228 = arith.constant 400 : i32
      %add3A_229 = arith.addi %add3A_228, %select_n3A : i32
      %mul3A_230 = arith.constant 4 : i32
      %mul3A_231 = vector.broadcast %mul3A_230 : i32 to vector<16xi32>
      %mul3A_232 = arith.muli %get3A_224, %mul3A_231 : vector<16xi32>
      %sub3A_233 = arith.constant 4 : i32
      %sub3A_234 = arith.subi %select_n3A, %sub3A_233 : i32
      %add3A_235 = vector.broadcast %sub3A_234 : i32 to vector<16xi32>
      %add3A_236 = arith.addi %mul3A_232, %add3A_235 : vector<16xi32>
      %broadcast_in_dim3A_237 = vector.broadcast %add3A_229 : i32 to vector<16xi32>
      %select_n3A_238 = arith.select %eq3A_227, %broadcast_in_dim3A_237, %add3A_236 : vector<16xi1>, vector<16xi32>
      %mul3A_239 = arith.constant 2 : i32
      %mul3A_240 = arith.muli %scan3A_136, %mul3A_239 : i32
      %add3A_241 = arith.constant 0 : i32
      %add3A_242 = arith.addi %mul3A_240, %add3A_241 : i32
      %swap3A_243 = arith.index_cast %add3A_242 : i32 to index
      %swap3A_244 = arith.constant 48 : index
      %swap3A_245 = tpu.vector_load %arg7[%swap3A_243, %swap3A_244] {strides = array<i32>} : memref<56x112xi32, #tpu.memory_space<vmem>>, vector<1x16xi32>,
      %swap3A_246 = vector.shape_cast %swap3A_245 : vector<1x16xi32> to vector<16xi32>
      %swap3A_247 = vector.shape_cast %select_n3A_238 : vector<16xi32> to vector<1x16xi32>
      tpu.vector_store %arg7[%swap3A_243, %swap3A_244], %swap3A_247 {strides = array<i32>} : memref<56x112xi32, #tpu.memory_space<vmem>>, vector<1x16xi32>,
      %add3A_248 = arith.addi %sub3A_35, %scan3A_136 : i32
      %get3A_249 = arith.index_cast %add3A_248 : i32 to index
      %get3A_250 = arith.constant 64 : index
      %get3A_251 = tpu.vector_load %arg6[%get3A_249, %get3A_250] {strides = array<i32>} : memref<32x224xi32, #tpu.memory_space<vmem>>, vector<1x16xi32>,
      %get3A_252 = vector.shape_cast %get3A_251 : vector<1x16xi32> to vector<16xi32>
      %eq3A_253 = arith.constant 0 : i32
      %eq3A_254 = vector.broadcast %eq3A_253 : i32 to vector<16xi32>
      %eq3A_255 = arith.cmpi eq, %get3A_252, %eq3A_254 : vector<16xi32>
      %add3A_256 = arith.constant 400 : i32
      %add3A_257 = arith.addi %add3A_256, %select_n3A : i32
      %mul3A_258 = arith.constant 4 : i32
      %mul3A_259 = vector.broadcast %mul3A_258 : i32 to vector<16xi32>
      %mul3A_260 = arith.muli %get3A_252, %mul3A_259 : vector<16xi32>
      %sub3A_261 = arith.constant 4 : i32
      %sub3A_262 = arith.subi %select_n3A, %sub3A_261 : i32
      %add3A_263 = vector.broadcast %sub3A_262 : i32 to vector<16xi32>
      %add3A_264 = arith.addi %mul3A_260, %add3A_263 : vector<16xi32>
      %broadcast_in_dim3A_265 = vector.broadcast %add3A_257 : i32 to vector<16xi32>
      %select_n3A_266 = arith.select %eq3A_255, %broadcast_in_dim3A_265, %add3A_264 : vector<16xi1>, vector<16xi32>
      %mul3A_267 = arith.constant 2 : i32
      %mul3A_268 = arith.muli %scan3A_136, %mul3A_267 : i32
      %add3A_269 = arith.constant 0 : i32
      %add3A_270 = arith.addi %mul3A_268, %add3A_269 : i32
      %swap3A_271 = arith.index_cast %add3A_270 : i32 to index
      %swap3A_272 = arith.constant 64 : index
      %swap3A_273 = tpu.vector_load %arg7[%swap3A_271, %swap3A_272] {strides = array<i32>} : memref<56x112xi32, #tpu.memory_space<vmem>>, vector<1x16xi32>,
      %swap3A_274 = vector.shape_cast %swap3A_273 : vector<1x16xi32> to vector<16xi32>
      %swap3A_275 = vector.shape_cast %select_n3A_266 : vector<16xi32> to vector<1x16xi32>
      tpu.vector_store %arg7[%swap3A_271, %swap3A_272], %swap3A_275 {strides = array<i32>} : memref<56x112xi32, #tpu.memory_space<vmem>>, vector<1x16xi32>,
      %add3A_276 = arith.addi %sub3A_35, %scan3A_136 : i32
      %get3A_277 = arith.index_cast %add3A_276 : i32 to index
      %get3A_278 = arith.constant 80 : index
      %get3A_279 = tpu.vector_load %arg6[%get3A_277, %get3A_278] {strides = array<i32>} : memref<32x224xi32, #tpu.memory_space<vmem>>, vector<1x16xi32>,
      %get3A_280 = vector.shape_cast %get3A_279 : vector<1x16xi32> to vector<16xi32>
      %eq3A_281 = arith.constant 0 : i32
      %eq3A_282 = vector.broadcast %eq3A_281 : i32 to vector<16xi32>
      %eq3A_283 = arith.cmpi eq, %get3A_280, %eq3A_282 : vector<16xi32>
      %add3A_284 = arith.constant 400 : i32
      %add3A_285 = arith.addi %add3A_284, %select_n3A : i32
      %mul3A_286 = arith.constant 4 : i32
      %mul3A_287 = vector.broadcast %mul3A_286 : i32 to vector<16xi32>
      %mul3A_288 = arith.muli %get3A_280, %mul3A_287 : vector<16xi32>
      %sub3A_289 = arith.constant 4 : i32
      %sub3A_290 = arith.subi %select_n3A, %sub3A_289 : i32
      %add3A_291 = vector.broadcast %sub3A_290 : i32 to vector<16xi32>
      %add3A_292 = arith.addi %mul3A_288, %add3A_291 : vector<16xi32>
      %broadcast_in_dim3A_293 = vector.broadcast %add3A_285 : i32 to vector<16xi32>
      %select_n3A_294 = arith.select %eq3A_283, %broadcast_in_dim3A_293, %add3A_292 : vector<16xi1>, vector<16xi32>
      %mul3A_295 = arith.constant 2 : i32
      %mul3A_296 = arith.muli %scan3A_136, %mul3A_295 : i32
      %add3A_297 = arith.constant 0 : i32
      %add3A_298 = arith.addi %mul3A_296, %add3A_297 : i32
      %swap3A_299 = arith.index_cast %add3A_298 : i32 to index
      %swap3A_300 = arith.constant 80 : index
      %swap3A_301 = tpu.vector_load %arg7[%swap3A_299, %swap3A_300] {strides = array<i32>} : memref<56x112xi32, #tpu.memory_space<vmem>>, vector<1x16xi32>,
      %swap3A_302 = vector.shape_cast %swap3A_301 : vector<1x16xi32> to vector<16xi32>
      %swap3A_303 = vector.shape_cast %select_n3A_294 : vector<16xi32> to vector<1x16xi32>
      tpu.vector_store %arg7[%swap3A_299, %swap3A_300], %swap3A_303 {strides = array<i32>} : memref<56x112xi32, #tpu.memory_space<vmem>>, vector<1x16xi32>,
      %add3A_304 = arith.addi %sub3A_35, %scan3A_136 : i32
      %get3A_305 = arith.index_cast %add3A_304 : i32 to index
      %get3A_306 = arith.constant 96 : index
      %get3A_307 = tpu.vector_load %arg6[%get3A_305, %get3A_306] {strides = array<i32>} : memref<32x224xi32, #tpu.memory_space<vmem>>, vector<1x16xi32>,
      %get3A_308 = vector.shape_cast %get3A_307 : vector<1x16xi32> to vector<16xi32>
      %eq3A_309 = arith.constant 0 : i32
      %eq3A_310 = vector.broadcast %eq3A_309 : i32 to vector<16xi32>
      %eq3A_311 = arith.cmpi eq, %get3A_308, %eq3A_310 : vector<16xi32>
      %add3A_312 = arith.constant 400 : i32
      %add3A_313 = arith.addi %add3A_312, %select_n3A : i32
      %mul3A_314 = arith.constant 4 : i32
      %mul3A_315 = vector.broadcast %mul3A_314 : i32 to vector<16xi32>
      %mul3A_316 = arith.muli %get3A_308, %mul3A_315 : vector<16xi32>
      %sub3A_317 = arith.constant 4 : i32
      %sub3A_318 = arith.subi %select_n3A, %sub3A_317 : i32
      %add3A_319 = vector.broadcast %sub3A_318 : i32 to vector<16xi32>
      %add3A_320 = arith.addi %mul3A_316, %add3A_319 : vector<16xi32>
      %broadcast_in_dim3A_321 = vector.broadcast %add3A_313 : i32 to vector<16xi32>
      %select_n3A_322 = arith.select %eq3A_311, %broadcast_in_dim3A_321, %add3A_320 : vector<16xi1>, vector<16xi32>
      %mul3A_323 = arith.constant 2 : i32
      %mul3A_324 = arith.muli %scan3A_136, %mul3A_323 : i32
      %add3A_325 = arith.constant 0 : i32
      %add3A_326 = arith.addi %mul3A_324, %add3A_325 : i32
      %swap3A_327 = arith.index_cast %add3A_326 : i32 to index
      %swap3A_328 = arith.constant 96 : index
      %swap3A_329 = tpu.vector_load %arg7[%swap3A_327, %swap3A_328] {strides = array<i32>} : memref<56x112xi32, #tpu.memory_space<vmem>>, vector<1x16xi32>,
      %swap3A_330 = vector.shape_cast %swap3A_329 : vector<1x16xi32> to vector<16xi32>
      %swap3A_331 = vector.shape_cast %select_n3A_322 : vector<16xi32> to vector<1x16xi32>
      tpu.vector_store %arg7[%swap3A_327, %swap3A_328], %swap3A_331 {strides = array<i32>} : memref<56x112xi32, #tpu.memory_space<vmem>>, vector<1x16xi32>,
      %add3A_332 = arith.addi %sub3A_35, %scan3A_136 : i32
      %get3A_333 = arith.index_cast %add3A_332 : i32 to index
      %get3A_334 = arith.constant 112 : index
      %get3A_335 = tpu.vector_load %arg6[%get3A_333, %get3A_334] {strides = array<i32>} : memref<32x224xi32, #tpu.memory_space<vmem>>, vector<1x16xi32>,
      %get3A_336 = vector.shape_cast %get3A_335 : vector<1x16xi32> to vector<16xi32>
      %eq3A_337 = arith.constant 0 : i32
      %eq3A_338 = vector.broadcast %eq3A_337 : i32 to vector<16xi32>
      %eq3A_339 = arith.cmpi eq, %get3A_336, %eq3A_338 : vector<16xi32>
      %add3A_340 = arith.constant 400 : i32
      %add3A_341 = arith.addi %add3A_340, %select_n3A : i32
      %mul3A_342 = arith.constant 4 : i32
      %mul3A_343 = vector.broadcast %mul3A_342 : i32 to vector<16xi32>
      %mul3A_344 = arith.muli %get3A_336, %mul3A_343 : vector<16xi32>
      %sub3A_345 = arith.constant 4 : i32
      %sub3A_346 = arith.subi %select_n3A, %sub3A_345 : i32
      %add3A_347 = vector.broadcast %sub3A_346 : i32 to vector<16xi32>
      %add3A_348 = arith.addi %mul3A_344, %add3A_347 : vector<16xi32>
      %broadcast_in_dim3A_349 = vector.broadcast %add3A_341 : i32 to vector<16xi32>
      %select_n3A_350 = arith.select %eq3A_339, %broadcast_in_dim3A_349, %add3A_348 : vector<16xi1>, vector<16xi32>
      %mul3A_351 = arith.constant 2 : i32
      %mul3A_352 = arith.muli %scan3A_136, %mul3A_351 : i32
      %add3A_353 = arith.constant 1 : i32
      %add3A_354 = arith.addi %mul3A_352, %add3A_353 : i32
      %swap3A_355 = arith.index_cast %add3A_354 : i32 to index
      %swap3A_356 = arith.constant 0 : index
      %swap3A_357 = tpu.vector_load %arg7[%swap3A_355, %swap3A_356] {strides = array<i32>} : memref<56x112xi32, #tpu.memory_space<vmem>>, vector<1x16xi32>,
      %swap3A_358 = vector.shape_cast %swap3A_357 : vector<1x16xi32> to vector<16xi32>
      %swap3A_359 = vector.shape_cast %select_n3A_350 : vector<16xi32> to vector<1x16xi32>
      tpu.vector_store %arg7[%swap3A_355, %swap3A_356], %swap3A_359 {strides = array<i32>} : memref<56x112xi32, #tpu.memory_space<vmem>>, vector<1x16xi32>,
      %add3A_360 = arith.addi %sub3A_35, %scan3A_136 : i32
      %get3A_361 = arith.index_cast %add3A_360 : i32 to index
      %get3A_362 = arith.constant 128 : index
      %get3A_363 = tpu.vector_load %arg6[%get3A_361, %get3A_362] {strides = array<i32>} : memref<32x224xi32, #tpu.memory_space<vmem>>, vector<1x16xi32>,
      %get3A_364 = vector.shape_cast %get3A_363 : vector<1x16xi32> to vector<16xi32>
      %eq3A_365 = arith.constant 0 : i32
      %eq3A_366 = vector.broadcast %eq3A_365 : i32 to vector<16xi32>
      %eq3A_367 = arith.cmpi eq, %get3A_364, %eq3A_366 : vector<16xi32>
      %add3A_368 = arith.constant 400 : i32
      %add3A_369 = arith.addi %add3A_368, %select_n3A : i32
      %mul3A_370 = arith.constant 4 : i32
      %mul3A_371 = vector.broadcast %mul3A_370 : i32 to vector<16xi32>
      %mul3A_372 = arith.muli %get3A_364, %mul3A_371 : vector<16xi32>
      %sub3A_373 = arith.constant 4 : i32
      %sub3A_374 = arith.subi %select_n3A, %sub3A_373 : i32
      %add3A_375 = vector.broadcast %sub3A_374 : i32 to vector<16xi32>
      %add3A_376 = arith.addi %mul3A_372, %add3A_375 : vector<16xi32>
      %broadcast_in_dim3A_377 = vector.broadcast %add3A_369 : i32 to vector<16xi32>
      %select_n3A_378 = arith.select %eq3A_367, %broadcast_in_dim3A_377, %add3A_376 : vector<16xi1>, vector<16xi32>
      %mul3A_379 = arith.constant 2 : i32
      %mul3A_380 = arith.muli %scan3A_136, %mul3A_379 : i32
      %add3A_381 = arith.constant 1 : i32
      %add3A_382 = arith.addi %mul3A_380, %add3A_381 : i32
      %swap3A_383 = arith.index_cast %add3A_382 : i32 to index
      %swap3A_384 = arith.constant 16 : index
      %swap3A_385 = tpu.vector_load %arg7[%swap3A_383, %swap3A_384] {strides = array<i32>} : memref<56x112xi32, #tpu.memory_space<vmem>>, vector<1x16xi32>,
      %swap3A_386 = vector.shape_cast %swap3A_385 : vector<1x16xi32> to vector<16xi32>
      %swap3A_387 = vector.shape_cast %select_n3A_378 : vector<16xi32> to vector<1x16xi32>
      tpu.vector_store %arg7[%swap3A_383, %swap3A_384], %swap3A_387 {strides = array<i32>} : memref<56x112xi32, #tpu.memory_space<vmem>>, vector<1x16xi32>,
      %add3A_388 = arith.addi %sub3A_35, %scan3A_136 : i32
      %get3A_389 = arith.index_cast %add3A_388 : i32 to index
      %get3A_390 = arith.constant 144 : index
      %get3A_391 = tpu.vector_load %arg6[%get3A_389, %get3A_390] {strides = array<i32>} : memref<32x224xi32, #tpu.memory_space<vmem>>, vector<1x16xi32>,
      %get3A_392 = vector.shape_cast %get3A_391 : vector<1x16xi32> to vector<16xi32>
      %eq3A_393 = arith.constant 0 : i32
      %eq3A_394 = vector.broadcast %eq3A_393 : i32 to vector<16xi32>
      %eq3A_395 = arith.cmpi eq, %get3A_392, %eq3A_394 : vector<16xi32>
      %add3A_396 = arith.constant 400 : i32
      %add3A_397 = arith.addi %add3A_396, %select_n3A : i32
      %mul3A_398 = arith.constant 4 : i32
      %mul3A_399 = vector.broadcast %mul3A_398 : i32 to vector<16xi32>
      %mul3A_400 = arith.muli %get3A_392, %mul3A_399 : vector<16xi32>
      %sub3A_401 = arith.constant 4 : i32
      %sub3A_402 = arith.subi %select_n3A, %sub3A_401 : i32
      %add3A_403 = vector.broadcast %sub3A_402 : i32 to vector<16xi32>
      %add3A_404 = arith.addi %mul3A_400, %add3A_403 : vector<16xi32>
      %broadcast_in_dim3A_405 = vector.broadcast %add3A_397 : i32 to vector<16xi32>
      %select_n3A_406 = arith.select %eq3A_395, %broadcast_in_dim3A_405, %add3A_404 : vector<16xi1>, vector<16xi32>
      %mul3A_407 = arith.constant 2 : i32
      %mul3A_408 = arith.muli %scan3A_136, %mul3A_407 : i32
      %add3A_409 = arith.constant 1 : i32
      %add3A_410 = arith.addi %mul3A_408, %add3A_409 : i32
      %swap3A_411 = arith.index_cast %add3A_410 : i32 to index
      %swap3A_412 = arith.constant 32 : index
      %swap3A_413 = tpu.vector_load %arg7[%swap3A_411, %swap3A_412] {strides = array<i32>} : memref<56x112xi32, #tpu.memory_space<vmem>>, vector<1x16xi32>,
      %swap3A_414 = vector.shape_cast %swap3A_413 : vector<1x16xi32> to vector<16xi32>
      %swap3A_415 = vector.shape_cast %select_n3A_406 : vector<16xi32> to vector<1x16xi32>
      tpu.vector_store %arg7[%swap3A_411, %swap3A_412], %swap3A_415 {strides = array<i32>} : memref<56x112xi32, #tpu.memory_space<vmem>>, vector<1x16xi32>,
      %add3A_416 = arith.addi %sub3A_35, %scan3A_136 : i32
      %get3A_417 = arith.index_cast %add3A_416 : i32 to index
      %get3A_418 = arith.constant 160 : index
      %get3A_419 = tpu.vector_load %arg6[%get3A_417, %get3A_418] {strides = array<i32>} : memref<32x224xi32, #tpu.memory_space<vmem>>, vector<1x16xi32>,
      %get3A_420 = vector.shape_cast %get3A_419 : vector<1x16xi32> to vector<16xi32>
      %eq3A_421 = arith.constant 0 : i32
      %eq3A_422 = vector.broadcast %eq3A_421 : i32 to vector<16xi32>
      %eq3A_423 = arith.cmpi eq, %get3A_420, %eq3A_422 : vector<16xi32>
      %add3A_424 = arith.constant 400 : i32
      %add3A_425 = arith.addi %add3A_424, %select_n3A : i32
      %mul3A_426 = arith.constant 4 : i32
      %mul3A_427 = vector.broadcast %mul3A_426 : i32 to vector<16xi32>
      %mul3A_428 = arith.muli %get3A_420, %mul3A_427 : vector<16xi32>
      %sub3A_429 = arith.constant 4 : i32
      %sub3A_430 = arith.subi %select_n3A, %sub3A_429 : i32
      %add3A_431 = vector.broadcast %sub3A_430 : i32 to vector<16xi32>
      %add3A_432 = arith.addi %mul3A_428, %add3A_431 : vector<16xi32>
      %broadcast_in_dim3A_433 = vector.broadcast %add3A_425 : i32 to vector<16xi32>
      %select_n3A_434 = arith.select %eq3A_423, %broadcast_in_dim3A_433, %add3A_432 : vector<16xi1>, vector<16xi32>
      %mul3A_435 = arith.constant 2 : i32
      %mul3A_436 = arith.muli %scan3A_136, %mul3A_435 : i32
      %add3A_437 = arith.constant 1 : i32
      %add3A_438 = arith.addi %mul3A_436, %add3A_437 : i32
      %swap3A_439 = arith.index_cast %add3A_438 : i32 to index
      %swap3A_440 = arith.constant 48 : index
      %swap3A_441 = tpu.vector_load %arg7[%swap3A_439, %swap3A_440] {strides = array<i32>} : memref<56x112xi32, #tpu.memory_space<vmem>>, vector<1x16xi32>,
      %swap3A_442 = vector.shape_cast %swap3A_441 : vector<1x16xi32> to vector<16xi32>
      %swap3A_443 = vector.shape_cast %select_n3A_434 : vector<16xi32> to vector<1x16xi32>
      tpu.vector_store %arg7[%swap3A_439, %swap3A_440], %swap3A_443 {strides = array<i32>} : memref<56x112xi32, #tpu.memory_space<vmem>>, vector<1x16xi32>,
      %add3A_444 = arith.addi %sub3A_35, %scan3A_136 : i32
      %get3A_445 = arith.index_cast %add3A_444 : i32 to index
      %get3A_446 = arith.constant 176 : index
      %get3A_447 = tpu.vector_load %arg6[%get3A_445, %get3A_446] {strides = array<i32>} : memref<32x224xi32, #tpu.memory_space<vmem>>, vector<1x16xi32>,
      %get3A_448 = vector.shape_cast %get3A_447 : vector<1x16xi32> to vector<16xi32>
      %eq3A_449 = arith.constant 0 : i32
      %eq3A_450 = vector.broadcast %eq3A_449 : i32 to vector<16xi32>
      %eq3A_451 = arith.cmpi eq, %get3A_448, %eq3A_450 : vector<16xi32>
      %add3A_452 = arith.constant 400 : i32
      %add3A_453 = arith.addi %add3A_452, %select_n3A : i32
      %mul3A_454 = arith.constant 4 : i32
      %mul3A_455 = vector.broadcast %mul3A_454 : i32 to vector<16xi32>
      %mul3A_456 = arith.muli %get3A_448, %mul3A_455 : vector<16xi32>
      %sub3A_457 = arith.constant 4 : i32
      %sub3A_458 = arith.subi %select_n3A, %sub3A_457 : i32
      %add3A_459 = vector.broadcast %sub3A_458 : i32 to vector<16xi32>
      %add3A_460 = arith.addi %mul3A_456, %add3A_459 : vector<16xi32>
      %broadcast_in_dim3A_461 = vector.broadcast %add3A_453 : i32 to vector<16xi32>
      %select_n3A_462 = arith.select %eq3A_451, %broadcast_in_dim3A_461, %add3A_460 : vector<16xi1>, vector<16xi32>
      %mul3A_463 = arith.constant 2 : i32
      %mul3A_464 = arith.muli %scan3A_136, %mul3A_463 : i32
      %add3A_465 = arith.constant 1 : i32
      %add3A_466 = arith.addi %mul3A_464, %add3A_465 : i32
      %swap3A_467 = arith.index_cast %add3A_466 : i32 to index
      %swap3A_468 = arith.constant 64 : index
      %swap3A_469 = tpu.vector_load %arg7[%swap3A_467, %swap3A_468] {strides = array<i32>} : memref<56x112xi32, #tpu.memory_space<vmem>>, vector<1x16xi32>,
      %swap3A_470 = vector.shape_cast %swap3A_469 : vector<1x16xi32> to vector<16xi32>
      %swap3A_471 = vector.shape_cast %select_n3A_462 : vector<16xi32> to vector<1x16xi32>
      tpu.vector_store %arg7[%swap3A_467, %swap3A_468], %swap3A_471 {strides = array<i32>} : memref<56x112xi32, #tpu.memory_space<vmem>>, vector<1x16xi32>,
      %add3A_472 = arith.addi %sub3A_35, %scan3A_136 : i32
      %get3A_473 = arith.index_cast %add3A_472 : i32 to index
      %get3A_474 = arith.constant 192 : index
      %get3A_475 = tpu.vector_load %arg6[%get3A_473, %get3A_474] {strides = array<i32>} : memref<32x224xi32, #tpu.memory_space<vmem>>, vector<1x16xi32>,
      %get3A_476 = vector.shape_cast %get3A_475 : vector<1x16xi32> to vector<16xi32>
      %eq3A_477 = arith.constant 0 : i32
      %eq3A_478 = vector.broadcast %eq3A_477 : i32 to vector<16xi32>
      %eq3A_479 = arith.cmpi eq, %get3A_476, %eq3A_478 : vector<16xi32>
      %add3A_480 = arith.constant 400 : i32
      %add3A_481 = arith.addi %add3A_480, %select_n3A : i32
      %mul3A_482 = arith.constant 4 : i32
      %mul3A_483 = vector.broadcast %mul3A_482 : i32 to vector<16xi32>
      %mul3A_484 = arith.muli %get3A_476, %mul3A_483 : vector<16xi32>
      %sub3A_485 = arith.constant 4 : i32
      %sub3A_486 = arith.subi %select_n3A, %sub3A_485 : i32
      %add3A_487 = vector.broadcast %sub3A_486 : i32 to vector<16xi32>
      %add3A_488 = arith.addi %mul3A_484, %add3A_487 : vector<16xi32>
      %broadcast_in_dim3A_489 = vector.broadcast %add3A_481 : i32 to vector<16xi32>
      %select_n3A_490 = arith.select %eq3A_479, %broadcast_in_dim3A_489, %add3A_488 : vector<16xi1>, vector<16xi32>
      %mul3A_491 = arith.constant 2 : i32
      %mul3A_492 = arith.muli %scan3A_136, %mul3A_491 : i32
      %add3A_493 = arith.constant 1 : i32
      %add3A_494 = arith.addi %mul3A_492, %add3A_493 : i32
      %swap3A_495 = arith.index_cast %add3A_494 : i32 to index
      %swap3A_496 = arith.constant 80 : index
      %swap3A_497 = tpu.vector_load %arg7[%swap3A_495, %swap3A_496] {strides = array<i32>} : memref<56x112xi32, #tpu.memory_space<vmem>>, vector<1x16xi32>,
      %swap3A_498 = vector.shape_cast %swap3A_497 : vector<1x16xi32> to vector<16xi32>
      %swap3A_499 = vector.shape_cast %select_n3A_490 : vector<16xi32> to vector<1x16xi32>
      tpu.vector_store %arg7[%swap3A_495, %swap3A_496], %swap3A_499 {strides = array<i32>} : memref<56x112xi32, #tpu.memory_space<vmem>>, vector<1x16xi32>,
      %add3A_500 = arith.addi %sub3A_35, %scan3A_136 : i32
      %get3A_501 = arith.index_cast %add3A_500 : i32 to index
      %get3A_502 = arith.constant 208 : index
      %get3A_503 = tpu.vector_load %arg6[%get3A_501, %get3A_502] {strides = array<i32>} : memref<32x224xi32, #tpu.memory_space<vmem>>, vector<1x16xi32>,
      %get3A_504 = vector.shape_cast %get3A_503 : vector<1x16xi32> to vector<16xi32>
      %eq3A_505 = arith.constant 0 : i32
      %eq3A_506 = vector.broadcast %eq3A_505 : i32 to vector<16xi32>
      %eq3A_507 = arith.cmpi eq, %get3A_504, %eq3A_506 : vector<16xi32>
      %add3A_508 = arith.constant 400 : i32
      %add3A_509 = arith.addi %add3A_508, %select_n3A : i32
      %mul3A_510 = arith.constant 4 : i32
      %mul3A_511 = vector.broadcast %mul3A_510 : i32 to vector<16xi32>
      %mul3A_512 = arith.muli %get3A_504, %mul3A_511 : vector<16xi32>
      %sub3A_513 = arith.constant 4 : i32
      %sub3A_514 = arith.subi %select_n3A, %sub3A_513 : i32
      %add3A_515 = vector.broadcast %sub3A_514 : i32 to vector<16xi32>
      %add3A_516 = arith.addi %mul3A_512, %add3A_515 : vector<16xi32>
      %broadcast_in_dim3A_517 = vector.broadcast %add3A_509 : i32 to vector<16xi32>
      %select_n3A_518 = arith.select %eq3A_507, %broadcast_in_dim3A_517, %add3A_516 : vector<16xi1>, vector<16xi32>
      %mul3A_519 = arith.constant 2 : i32
      %mul3A_520 = arith.muli %scan3A_136, %mul3A_519 : i32
      %add3A_521 = arith.constant 1 : i32
      %add3A_522 = arith.addi %mul3A_520, %add3A_521 : i32
      %swap3A_523 = arith.index_cast %add3A_522 : i32 to index
      %swap3A_524 = arith.constant 96 : index
      %swap3A_525 = tpu.vector_load %arg7[%swap3A_523, %swap3A_524] {strides = array<i32>} : memref<56x112xi32, #tpu.memory_space<vmem>>, vector<1x16xi32>,
      %swap3A_526 = vector.shape_cast %swap3A_525 : vector<1x16xi32> to vector<16xi32>
      %swap3A_527 = vector.shape_cast %select_n3A_518 : vector<16xi32> to vector<1x16xi32>
      tpu.vector_store %arg7[%swap3A_523, %swap3A_524], %swap3A_527 {strides = array<i32>} : memref<56x112xi32, #tpu.memory_space<vmem>>, vector<1x16xi32>,
      %scan3A_528 = arith.constant 0 : i32
      scf.yield %scan3A_528 : i32
    }
    %scan3A_41 = arith.constant 28 : i32
    %broadcast_in_dim3A = arith.constant 1.000000e+00 : f32
    %broadcast_in_dim3A_42 = vector.broadcast %broadcast_in_dim3A : f32 to vector<16xf32>
    %broadcast_in_dim3A_43 = arith.constant 0.000000e+00 : f32
    %broadcast_in_dim3A_44 = vector.broadcast %broadcast_in_dim3A_43 : f32 to vector<16xf32>
    %scan3A_45 = arith.constant 0 : i32
    %scan3A_46 = arith.constant 0 : i32
    %scan3A_47 = arith.constant 128 : i32
    %scan3A_48 = arith.addi %scan3A_46, %scan3A_47 : i32
    %scan3A_49 = arith.constant 1 : i32
    %scan3A_50 = scf.for %scan3A_136 = %scan3A_46 to %scan3A_48 step %scan3A_49 iter_args(%scan3A_137 = %scan3A_45) -> (i32)  : i32 {
      %swap3A = arith.constant 0 : i32
      %swap3A_138 = arith.index_cast %swap3A : i32 to index
      %swap3A_139 = arith.index_cast %scan3A_136 : i32 to index
      %swap3A_140 = arith.constant 0 : index
      %swap3A_141 = tpu.vector_load %arg8[%swap3A_138, %swap3A_139, %swap3A_140] {strides = array<i32>} : memref<2x224x96xf32, #tpu.memory_space<vmem>>, vector<1x1x16xf32>,
      %swap3A_142 = vector.shape_cast %swap3A_141 : vector<1x1x16xf32> to vector<16xf32>
      %swap3A_143 = vector.shape_cast %broadcast_in_dim3A_44 : vector<16xf32> to vector<1x1x16xf32>
      tpu.vector_store %arg8[%swap3A_138, %swap3A_139, %swap3A_140], %swap3A_143 {strides = array<i32>} : memref<2x224x96xf32, #tpu.memory_space<vmem>>, vector<1x1x16xf32>,
      %swap3A_144 = arith.constant 0 : i32
      %swap3A_145 = arith.index_cast %swap3A_144 : i32 to index
      %swap3A_146 = arith.index_cast %scan3A_136 : i32 to index
      %swap3A_147 = arith.constant 16 : index
      %swap3A_148 = tpu.vector_load %arg8[%swap3A_145, %swap3A_146, %swap3A_147] {strides = array<i32>} : memref<2x224x96xf32, #tpu.memory_space<vmem>>, vector<1x1x16xf32>,
      %swap3A_149 = vector.shape_cast %swap3A_148 : vector<1x1x16xf32> to vector<16xf32>
      %swap3A_150 = vector.shape_cast %broadcast_in_dim3A_44 : vector<16xf32> to vector<1x1x16xf32>
      tpu.vector_store %arg8[%swap3A_145, %swap3A_146, %swap3A_147], %swap3A_150 {strides = array<i32>} : memref<2x224x96xf32, #tpu.memory_space<vmem>>, vector<1x1x16xf32>,
      %swap3A_151 = arith.constant 0 : i32
      %swap3A_152 = arith.index_cast %swap3A_151 : i32 to index
      %swap3A_153 = arith.index_cast %scan3A_136 : i32 to index
      %swap3A_154 = arith.constant 32 : index
      %swap3A_155 = tpu.vector_load %arg8[%swap3A_152, %swap3A_153, %swap3A_154] {strides = array<i32>} : memref<2x224x96xf32, #tpu.memory_space<vmem>>, vector<1x1x16xf32>,
      %swap3A_156 = vector.shape_cast %swap3A_155 : vector<1x1x16xf32> to vector<16xf32>
      %swap3A_157 = vector.shape_cast %broadcast_in_dim3A_44 : vector<16xf32> to vector<1x1x16xf32>
      tpu.vector_store %arg8[%swap3A_152, %swap3A_153, %swap3A_154], %swap3A_157 {strides = array<i32>} : memref<2x224x96xf32, #tpu.memory_space<vmem>>, vector<1x1x16xf32>,
      %swap3A_158 = arith.constant 0 : i32
      %swap3A_159 = arith.index_cast %swap3A_158 : i32 to index
      %swap3A_160 = arith.index_cast %scan3A_136 : i32 to index
      %swap3A_161 = arith.constant 48 : index
      %swap3A_162 = tpu.vector_load %arg8[%swap3A_159, %swap3A_160, %swap3A_161] {strides = array<i32>} : memref<2x224x96xf32, #tpu.memory_space<vmem>>, vector<1x1x16xf32>,
      %swap3A_163 = vector.shape_cast %swap3A_162 : vector<1x1x16xf32> to vector<16xf32>
      %swap3A_164 = vector.shape_cast %broadcast_in_dim3A_44 : vector<16xf32> to vector<1x1x16xf32>
      tpu.vector_store %arg8[%swap3A_159, %swap3A_160, %swap3A_161], %swap3A_164 {strides = array<i32>} : memref<2x224x96xf32, #tpu.memory_space<vmem>>, vector<1x1x16xf32>,
      %swap3A_165 = arith.constant 0 : i32
      %swap3A_166 = arith.index_cast %swap3A_165 : i32 to index
      %swap3A_167 = arith.index_cast %scan3A_136 : i32 to index
      %swap3A_168 = arith.constant 64 : index
      %swap3A_169 = tpu.vector_load %arg8[%swap3A_166, %swap3A_167, %swap3A_168] {strides = array<i32>} : memref<2x224x96xf32, #tpu.memory_space<vmem>>, vector<1x1x16xf32>,
      %swap3A_170 = vector.shape_cast %swap3A_169 : vector<1x1x16xf32> to vector<16xf32>
      %swap3A_171 = vector.shape_cast %broadcast_in_dim3A_44 : vector<16xf32> to vector<1x1x16xf32>
      tpu.vector_store %arg8[%swap3A_166, %swap3A_167, %swap3A_168], %swap3A_171 {strides = array<i32>} : memref<2x224x96xf32, #tpu.memory_space<vmem>>, vector<1x1x16xf32>,
      %swap3A_172 = arith.constant 0 : i32
      %swap3A_173 = arith.index_cast %swap3A_172 : i32 to index
      %swap3A_174 = arith.index_cast %scan3A_136 : i32 to index
      %swap3A_175 = arith.constant 80 : index
      %swap3A_176 = tpu.vector_load %arg8[%swap3A_173, %swap3A_174, %swap3A_175] {strides = array<i32>} : memref<2x224x96xf32, #tpu.memory_space<vmem>>, vector<1x1x16xf32>,
      %swap3A_177 = vector.shape_cast %swap3A_176 : vector<1x1x16xf32> to vector<16xf32>
      %swap3A_178 = vector.shape_cast %broadcast_in_dim3A_44 : vector<16xf32> to vector<1x1x16xf32>
      tpu.vector_store %arg8[%swap3A_173, %swap3A_174, %swap3A_175], %swap3A_178 {strides = array<i32>} : memref<2x224x96xf32, #tpu.memory_space<vmem>>, vector<1x1x16xf32>,
      %scan3A_179 = arith.constant 0 : i32
      scf.yield %scan3A_179 : i32
    }
    %scan3A_51 = arith.constant 128 : i32
    %scan3A_52 = arith.constant 0 : i32
    %scan3A_53 = arith.constant 0 : i32
    %scan3A_54 = arith.constant 112 : i32
    %scan3A_55 = arith.addi %scan3A_53, %scan3A_54 : i32
    %scan3A_56 = arith.constant 1 : i32
    %scan3A_57 = scf.for %scan3A_136 = %scan3A_53 to %scan3A_55 step %scan3A_56 iter_args(%scan3A_137 = %scan3A_52) -> (i32)  : i32 {
      %swap3A = arith.index_cast %scan3A_136 : i32 to index
      %swap3A_138 = arith.constant 0 : index
      %swap3A_139 = tpu.vector_load %arg10[%swap3A, %swap3A_138] {strides = array<i32>} : memref<112x96xf32, #tpu.memory_space<vmem>>, vector<1x16xf32>,
      %swap3A_140 = vector.shape_cast %swap3A_139 : vector<1x16xf32> to vector<16xf32>
      %swap3A_141 = vector.shape_cast %broadcast_in_dim3A_42 : vector<16xf32> to vector<1x16xf32>
      tpu.vector_store %arg10[%swap3A, %swap3A_138], %swap3A_141 {strides = array<i32>} : memref<112x96xf32, #tpu.memory_space<vmem>>, vector<1x16xf32>,
      %swap3A_142 = arith.index_cast %scan3A_136 : i32 to index
      %swap3A_143 = arith.constant 16 : index
      %swap3A_144 = tpu.vector_load %arg10[%swap3A_142, %swap3A_143] {strides = array<i32>} : memref<112x96xf32, #tpu.memory_space<vmem>>, vector<1x16xf32>,
      %swap3A_145 = vector.shape_cast %swap3A_144 : vector<1x16xf32> to vector<16xf32>
      %swap3A_146 = vector.shape_cast %broadcast_in_dim3A_42 : vector<16xf32> to vector<1x16xf32>
      tpu.vector_store %arg10[%swap3A_142, %swap3A_143], %swap3A_146 {strides = array<i32>} : memref<112x96xf32, #tpu.memory_space<vmem>>, vector<1x16xf32>,
      %swap3A_147 = arith.index_cast %scan3A_136 : i32 to index
      %swap3A_148 = arith.constant 32 : index
      %swap3A_149 = tpu.vector_load %arg10[%swap3A_147, %swap3A_148] {strides = array<i32>} : memref<112x96xf32, #tpu.memory_space<vmem>>, vector<1x16xf32>,
      %swap3A_150 = vector.shape_cast %swap3A_149 : vector<1x16xf32> to vector<16xf32>
      %swap3A_151 = vector.shape_cast %broadcast_in_dim3A_42 : vector<16xf32> to vector<1x16xf32>
      tpu.vector_store %arg10[%swap3A_147, %swap3A_148], %swap3A_151 {strides = array<i32>} : memref<112x96xf32, #tpu.memory_space<vmem>>, vector<1x16xf32>,
      %swap3A_152 = arith.index_cast %scan3A_136 : i32 to index
      %swap3A_153 = arith.constant 48 : index
      %swap3A_154 = tpu.vector_load %arg10[%swap3A_152, %swap3A_153] {strides = array<i32>} : memref<112x96xf32, #tpu.memory_space<vmem>>, vector<1x16xf32>,
      %swap3A_155 = vector.shape_cast %swap3A_154 : vector<1x16xf32> to vector<16xf32>
      %swap3A_156 = vector.shape_cast %broadcast_in_dim3A_42 : vector<16xf32> to vector<1x16xf32>
      tpu.vector_store %arg10[%swap3A_152, %swap3A_153], %swap3A_156 {strides = array<i32>} : memref<112x96xf32, #tpu.memory_space<vmem>>, vector<1x16xf32>,
      %swap3A_157 = arith.index_cast %scan3A_136 : i32 to index
      %swap3A_158 = arith.constant 64 : index
      %swap3A_159 = tpu.vector_load %arg10[%swap3A_157, %swap3A_158] {strides = array<i32>} : memref<112x96xf32, #tpu.memory_space<vmem>>, vector<1x16xf32>,
      %swap3A_160 = vector.shape_cast %swap3A_159 : vector<1x16xf32> to vector<16xf32>
      %swap3A_161 = vector.shape_cast %broadcast_in_dim3A_42 : vector<16xf32> to vector<1x16xf32>
      tpu.vector_store %arg10[%swap3A_157, %swap3A_158], %swap3A_161 {strides = array<i32>} : memref<112x96xf32, #tpu.memory_space<vmem>>, vector<1x16xf32>,
      %swap3A_162 = arith.index_cast %scan3A_136 : i32 to index
      %swap3A_163 = arith.constant 80 : index
      %swap3A_164 = tpu.vector_load %arg10[%swap3A_162, %swap3A_163] {strides = array<i32>} : memref<112x96xf32, #tpu.memory_space<vmem>>, vector<1x16xf32>,
      %swap3A_165 = vector.shape_cast %swap3A_164 : vector<1x16xf32> to vector<16xf32>
      %swap3A_166 = vector.shape_cast %broadcast_in_dim3A_42 : vector<16xf32> to vector<1x16xf32>
      tpu.vector_store %arg10[%swap3A_162, %swap3A_163], %swap3A_166 {strides = array<i32>} : memref<112x96xf32, #tpu.memory_space<vmem>>, vector<1x16xf32>,
      %scan3A_167 = arith.constant 0 : i32
      scf.yield %scan3A_167 : i32
    }
    %scan3A_58 = arith.constant 112 : i32
    %lt3A_59 = arith.constant 8 : i32
    %lt3A_60 = arith.cmpi slt, %arg1, %lt3A_59 : i32
    %convert_element_type3A = arith.extui %lt3A_60 : i1 to i32
    %cond3A = arith.constant 0 : i32
    %cond3A_61 = arith.cmpi ne, %convert_element_type3A, %cond3A : i32
    scf.if %cond3A_61 {
      %jit3A_136 = arith.constant 4 : i32
      %eq3A_137 = arith.constant 0 : i32
      %eq3A_138 = arith.cmpi eq, %jit3A_136, %eq3A_137 : i32
      %jit3A_139 = arith.constant 1 : i32
      %select_n3A_140 = arith.select %eq3A_138, %jit3A_139, %jit3A_136 : i32
      %rem3A_141 = arith.remsi %arg1, %select_n3A_140 : i32
      %ne3A_142 = arith.constant 0 : i32
      %ne3A_143 = arith.cmpi ne, %rem3A_141, %ne3A_142 : i32
      %lt3A_144 = arith.constant 0 : i32
      %lt3A_145 = arith.cmpi slt, %rem3A_141, %lt3A_144 : i32
      %lt3A_146 = arith.constant 0 : i32
      %lt3A_147 = arith.cmpi slt, %select_n3A_140, %lt3A_146 : i32
      %ne3A_148 = arith.xori %lt3A_145, %lt3A_147 : i1
      %and3A_149 = arith.andi %ne3A_148, %ne3A_143 : i1
      %add3A_150 = arith.addi %rem3A_141, %select_n3A_140 : i32
      %select_n3A_151 = arith.select %and3A_149, %add3A_150, %rem3A_141 : i32
      %mul3A_152 = arith.constant 128 : i32
      %mul3A_153 = arith.muli %select_n3A_151, %mul3A_152 : i32
      %multiple_of3A_154 = tpu.assume_multiple %mul3A_153, 128 : i32
      %lt3A_155 = arith.constant 4 : i32
      %lt3A_156 = arith.cmpi slt, %arg1, %lt3A_155 : i32
      %convert_element_type3A_157 = arith.extui %lt3A_156 : i1 to i32
      %cond3A_158 = arith.constant 0 : i32
      %cond3A_159 = arith.cmpi ne, %convert_element_type3A_157, %cond3A_158 : i32
      scf.if %cond3A_159 {
        %run_scoped3A = arith.constant 0 : i32
        "tpu.region"() ({
          %run_scoped3A_164 = tpu.sem_alloc : memref<!tpu.dma_semaphore, #tpu.memory_space<semaphore_mem>>
          %dma_start3A_165 = arith.constant 0 : i32
          %dma_start3A_166 = arith.constant 0 : i32
          %dma_start3A_167 = tpu.memref_slice %arg8[%run_scoped3A, %dma_start3A_165, %dma_start3A_166] : memref<2x224x96xf32, #tpu.memory_space<vmem>> -> memref<1x128x96xf32, #tpu.memory_space<vmem>>
          %dma_start3A_168 = tpu.memref_squeeze %dma_start3A_167 : memref<1x128x96xf32, #tpu.memory_space<vmem>> -> memref<128x96xf32, #tpu.memory_space<vmem>>
          %dma_start3A_169 = arith.constant 0 : i32
          %dma_start3A_170 = tpu.memref_slice %arg12[%multiple_of3A_154, %dma_start3A_169] : memref<512x96xf32, #tpu.memory_space<vmem_shared>> -> memref<128x96xf32, #tpu.memory_space<vmem_shared>>
          %dma_start3A_171 = arith.constant 0 : i32
          %dma_start3A_172 = tpu.memref_slice %arg12[%multiple_of3A_154, %dma_start3A_171] : memref<512x96xf32, #tpu.memory_space<vmem_shared>> -> memref<128x96xf32, #tpu.memory_space<vmem_shared>>
          %dma_start3A_173 = arith.constant 0 : i32
          %dma_start3A_174 = arith.constant 0 : i32
          %dma_start3A_175 = tpu.memref_slice %arg8[%run_scoped3A, %dma_start3A_173, %dma_start3A_174] : memref<2x224x96xf32, #tpu.memory_space<vmem>> -> memref<1x128x96xf32, #tpu.memory_space<vmem>>
          %dma_start3A_176 = tpu.memref_squeeze %dma_start3A_175 : memref<1x128x96xf32, #tpu.memory_space<vmem>> -> memref<128x96xf32, #tpu.memory_space<vmem>>
          tpu.enqueue_dma source(%dma_start3A_176 : memref<128x96xf32, #tpu.memory_space<vmem>>) target(%dma_start3A_172 : memref<128x96xf32, #tpu.memory_space<vmem_shared>>) target_semaphore(%run_scoped3A_164 : memref<!tpu.dma_semaphore, #tpu.memory_space<semaphore_mem>>)
          %dma_wait3A_177 = arith.constant 0 : i32
          %dma_wait3A_178 = arith.constant 0 : i32
          %dma_wait3A_179 = tpu.memref_slice %arg8[%run_scoped3A, %dma_wait3A_177, %dma_wait3A_178] : memref<2x224x96xf32, #tpu.memory_space<vmem>> -> memref<1x128x96xf32, #tpu.memory_space<vmem>>
          %dma_wait3A_180 = tpu.memref_squeeze %dma_wait3A_179 : memref<1x128x96xf32, #tpu.memory_space<vmem>> -> memref<128x96xf32, #tpu.memory_space<vmem>>
          %dma_wait3A_181 = arith.constant 0 : i32
          %dma_wait3A_182 = tpu.memref_slice %arg12[%multiple_of3A_154, %dma_wait3A_181] : memref<512x96xf32, #tpu.memory_space<vmem_shared>> -> memref<128x96xf32, #tpu.memory_space<vmem_shared>>
          %dma_wait3A_183 = arith.constant 0 : i32
          %dma_wait3A_184 = tpu.memref_slice %arg12[%multiple_of3A_154, %dma_wait3A_183] : memref<512x96xf32, #tpu.memory_space<vmem_shared>> -> memref<128x96xf32, #tpu.memory_space<vmem_shared>>
          %dma_wait3A_185 = arith.constant 0 : i32
          %dma_wait3A_186 = arith.constant 0 : i32
          %dma_wait3A_187 = tpu.memref_slice %arg8[%run_scoped3A, %dma_wait3A_185, %dma_wait3A_186] : memref<2x224x96xf32, #tpu.memory_space<vmem>> -> memref<1x128x96xf32, #tpu.memory_space<vmem>>
          %dma_wait3A_188 = tpu.memref_squeeze %dma_wait3A_187 : memref<1x128x96xf32, #tpu.memory_space<vmem>> -> memref<128x96xf32, #tpu.memory_space<vmem>>
          tpu.wait_dma2 semaphore(%run_scoped3A_164 : memref<!tpu.dma_semaphore, #tpu.memory_space<semaphore_mem>>) src(%dma_wait3A_188 : memref<128x96xf32, #tpu.memory_space<vmem>>) dst(%dma_wait3A_184 : memref<128x96xf32, #tpu.memory_space<vmem_shared>>)
          tpu.yield
        }) : () -> ()
      } else {
      }
      %ge3A = arith.constant 4 : i32
      %ge3A_160 = arith.cmpi sge, %arg1, %ge3A : i32
      %convert_element_type3A_161 = arith.extui %ge3A_160 : i1 to i32
      %cond3A_162 = arith.constant 0 : i32
      %cond3A_163 = arith.cmpi ne, %convert_element_type3A_161, %cond3A_162 : i32
      scf.if %cond3A_163 {
        %run_scoped3A = arith.constant 0 : i32
        "tpu.region"() ({
          %run_scoped3A_164 = tpu.sem_alloc : memref<!tpu.dma_semaphore, #tpu.memory_space<semaphore_mem>>
          %dma_start3A_165 = arith.constant 0 : i32
          %dma_start3A_166 = arith.constant 0 : i32
          %dma_start3A_167 = tpu.memref_slice %arg8[%run_scoped3A, %dma_start3A_165, %dma_start3A_166] : memref<2x224x96xf32, #tpu.memory_space<vmem>> -> memref<1x128x96xf32, #tpu.memory_space<vmem>>
          %dma_start3A_168 = tpu.memref_squeeze %dma_start3A_167 : memref<1x128x96xf32, #tpu.memory_space<vmem>> -> memref<128x96xf32, #tpu.memory_space<vmem>>
          %dma_start3A_169 = arith.constant 0 : i32
          %dma_start3A_170 = tpu.memref_slice %arg13[%multiple_of3A_154, %dma_start3A_169] : memref<512x96xf32, #tpu.memory_space<vmem_shared>> -> memref<128x96xf32, #tpu.memory_space<vmem_shared>>
          %dma_start3A_171 = arith.constant 0 : i32
          %dma_start3A_172 = tpu.memref_slice %arg13[%multiple_of3A_154, %dma_start3A_171] : memref<512x96xf32, #tpu.memory_space<vmem_shared>> -> memref<128x96xf32, #tpu.memory_space<vmem_shared>>
          %dma_start3A_173 = arith.constant 0 : i32
          %dma_start3A_174 = arith.constant 0 : i32
          %dma_start3A_175 = tpu.memref_slice %arg8[%run_scoped3A, %dma_start3A_173, %dma_start3A_174] : memref<2x224x96xf32, #tpu.memory_space<vmem>> -> memref<1x128x96xf32, #tpu.memory_space<vmem>>
          %dma_start3A_176 = tpu.memref_squeeze %dma_start3A_175 : memref<1x128x96xf32, #tpu.memory_space<vmem>> -> memref<128x96xf32, #tpu.memory_space<vmem>>
          tpu.enqueue_dma source(%dma_start3A_176 : memref<128x96xf32, #tpu.memory_space<vmem>>) target(%dma_start3A_172 : memref<128x96xf32, #tpu.memory_space<vmem_shared>>) target_semaphore(%run_scoped3A_164 : memref<!tpu.dma_semaphore, #tpu.memory_space<semaphore_mem>>)
          %dma_wait3A_177 = arith.constant 0 : i32
          %dma_wait3A_178 = arith.constant 0 : i32
          %dma_wait3A_179 = tpu.memref_slice %arg8[%run_scoped3A, %dma_wait3A_177, %dma_wait3A_178] : memref<2x224x96xf32, #tpu.memory_space<vmem>> -> memref<1x128x96xf32, #tpu.memory_space<vmem>>
          %dma_wait3A_180 = tpu.memref_squeeze %dma_wait3A_179 : memref<1x128x96xf32, #tpu.memory_space<vmem>> -> memref<128x96xf32, #tpu.memory_space<vmem>>
          %dma_wait3A_181 = arith.constant 0 : i32
          %dma_wait3A_182 = tpu.memref_slice %arg13[%multiple_of3A_154, %dma_wait3A_181] : memref<512x96xf32, #tpu.memory_space<vmem_shared>> -> memref<128x96xf32, #tpu.memory_space<vmem_shared>>
          %dma_wait3A_183 = arith.constant 0 : i32
          %dma_wait3A_184 = tpu.memref_slice %arg13[%multiple_of3A_154, %dma_wait3A_183] : memref<512x96xf32, #tpu.memory_space<vmem_shared>> -> memref<128x96xf32, #tpu.memory_space<vmem_shared>>
          %dma_wait3A_185 = arith.constant 0 : i32
          %dma_wait3A_186 = arith.constant 0 : i32
          %dma_wait3A_187 = tpu.memref_slice %arg8[%run_scoped3A, %dma_wait3A_185, %dma_wait3A_186] : memref<2x224x96xf32, #tpu.memory_space<vmem>> -> memref<1x128x96xf32, #tpu.memory_space<vmem>>
          %dma_wait3A_188 = tpu.memref_squeeze %dma_wait3A_187 : memref<1x128x96xf32, #tpu.memory_space<vmem>> -> memref<128x96xf32, #tpu.memory_space<vmem>>
          tpu.wait_dma2 semaphore(%run_scoped3A_164 : memref<!tpu.dma_semaphore, #tpu.memory_space<semaphore_mem>>) src(%dma_wait3A_188 : memref<128x96xf32, #tpu.memory_space<vmem>>) dst(%dma_wait3A_184 : memref<128x96xf32, #tpu.memory_space<vmem_shared>>)
          tpu.yield
        }) : () -> ()
      } else {
      }
    } else {
    }
    %barrier3A = arith.constant 0 : index
    tpu.barrier barrier_id(%barrier3A)
    %dma_start3A = arith.constant 0 : i32
    %dma_start3A_62 = arith.constant 0 : i32
    %dma_start3A_63 = arith.constant 0 : i32
    %dma_start3A_64 = arith.constant 0 : i32
    %dma_start3A_65 = tpu.memref_slice %arg8[%dma_start3A, %dma_start3A_63, %dma_start3A_64] : memref<2x224x96xf32, #tpu.memory_space<vmem>> -> memref<1x224x96xf32, #tpu.memory_space<vmem>>
    %dma_start3A_66 = tpu.memref_squeeze %dma_start3A_65 : memref<1x224x96xf32, #tpu.memory_space<vmem>> -> memref<224x96xf32, #tpu.memory_space<vmem>>
    %dma_start3A_67 = arith.constant 0 : i32
    %dma_start3A_68 = arith.constant 0 : i32
    %dma_start3A_69 = tpu.memref_slice %arg2[%select_n3A, %mul3A_32, %dma_start3A_67, %dma_start3A_68] : memref<4x224x224x96xf32, #tpu.memory_space<hbm>> -> memref<1x1x224x96xf32, #tpu.memory_space<hbm>>
    %dma_start3A_70 = tpu.memref_squeeze %dma_start3A_69 : memref<1x1x224x96xf32, #tpu.memory_space<hbm>> -> memref<224x96xf32, #tpu.memory_space<hbm>>
    %dma_start3A_71 = tpu.memref_slice %arg14[%dma_start3A_62] : memref<2x!tpu.dma_semaphore, #tpu.memory_space<semaphore_mem>> -> memref<1x!tpu.dma_semaphore, #tpu.memory_space<semaphore_mem>>
    %dma_start3A_72 = tpu.memref_squeeze %dma_start3A_71 : memref<1x!tpu.dma_semaphore, #tpu.memory_space<semaphore_mem>> -> memref<!tpu.dma_semaphore, #tpu.memory_space<semaphore_mem>>
    %dma_start3A_73 = arith.constant 0 : i32
    %dma_start3A_74 = arith.constant 0 : i32
    %dma_start3A_75 = tpu.memref_slice %arg8[%dma_start3A, %dma_start3A_73, %dma_start3A_74] : memref<2x224x96xf32, #tpu.memory_space<vmem>> -> memref<1x224x96xf32, #tpu.memory_space<vmem>>
    %dma_start3A_76 = tpu.memref_squeeze %dma_start3A_75 : memref<1x224x96xf32, #tpu.memory_space<vmem>> -> memref<224x96xf32, #tpu.memory_space<vmem>>
    %dma_start3A_77 = arith.constant 0 : i32
    %dma_start3A_78 = arith.constant 0 : i32
    %dma_start3A_79 = tpu.memref_slice %arg2[%select_n3A, %mul3A_32, %dma_start3A_77, %dma_start3A_78] : memref<4x224x224x96xf32, #tpu.memory_space<hbm>> -> memref<1x1x224x96xf32, #tpu.memory_space<hbm>>
    %dma_start3A_80 = tpu.memref_squeeze %dma_start3A_79 : memref<1x1x224x96xf32, #tpu.memory_space<hbm>> -> memref<224x96xf32, #tpu.memory_space<hbm>>
    tpu.enqueue_dma source(%dma_start3A_80 : memref<224x96xf32, #tpu.memory_space<hbm>>) target(%dma_start3A_76 : memref<224x96xf32, #tpu.memory_space<vmem>>) target_semaphore(%dma_start3A_72 : memref<!tpu.dma_semaphore, #tpu.memory_space<semaphore_mem>>)
    %scan3A_81 = arith.constant 0 : i32
    %scan3A_82 = arith.constant 0 : i32
    %scan3A_83 = arith.constant 28 : i32
    %scan3A_84 = arith.addi %scan3A_82, %scan3A_83 : i32
    %scan3A_85 = arith.constant 1 : i32
    %scan3A_86 = scf.for %scan3A_136 = %scan3A_82 to %scan3A_84 step %scan3A_85 iter_args(%scan3A_137 = %scan3A_81) -> (i32)  : i32 {
      %jit3A_138 = arith.constant 2 : i32
      %eq3A_139 = arith.constant 0 : i32
      %eq3A_140 = arith.cmpi eq, %jit3A_138, %eq3A_139 : i32
      %jit3A_141 = arith.constant 1 : i32
      %select_n3A_142 = arith.select %eq3A_140, %jit3A_141, %jit3A_138 : i32
      %rem3A_143 = arith.remsi %scan3A_136, %select_n3A_142 : i32
      %ne3A_144 = arith.constant 0 : i32
      %ne3A_145 = arith.cmpi ne, %rem3A_143, %ne3A_144 : i32
      %lt3A_146 = arith.constant 0 : i32
      %lt3A_147 = arith.cmpi slt, %rem3A_143, %lt3A_146 : i32
      %lt3A_148 = arith.constant 0 : i32
      %lt3A_149 = arith.cmpi slt, %select_n3A_142, %lt3A_148 : i32
      %ne3A_150 = arith.xori %lt3A_147, %lt3A_149 : i1
      %and3A_151 = arith.andi %ne3A_150, %ne3A_145 : i1
      %add3A_152 = arith.addi %rem3A_143, %select_n3A_142 : i32
      %select_n3A_153 = arith.select %and3A_151, %add3A_152, %rem3A_143 : i32
      %add3A_154 = arith.constant 1 : i32
      %add3A_155 = arith.addi %scan3A_136, %add3A_154 : i32
      %jit3A_156 = arith.constant 2 : i32
      %eq3A_157 = arith.constant 0 : i32
      %eq3A_158 = arith.cmpi eq, %jit3A_156, %eq3A_157 : i32
      %jit3A_159 = arith.constant 1 : i32
      %select_n3A_160 = arith.select %eq3A_158, %jit3A_159, %jit3A_156 : i32
      %rem3A_161 = arith.remsi %add3A_155, %select_n3A_160 : i32
      %ne3A_162 = arith.constant 0 : i32
      %ne3A_163 = arith.cmpi ne, %rem3A_161, %ne3A_162 : i32
      %lt3A_164 = arith.constant 0 : i32
      %lt3A_165 = arith.cmpi slt, %rem3A_161, %lt3A_164 : i32
      %lt3A_166 = arith.constant 0 : i32
      %lt3A_167 = arith.cmpi slt, %select_n3A_160, %lt3A_166 : i32
      %ne3A_168 = arith.xori %lt3A_165, %lt3A_167 : i1
      %and3A_169 = arith.andi %ne3A_168, %ne3A_163 : i1
      %add3A_170 = arith.addi %rem3A_161, %select_n3A_160 : i32
      %select_n3A_171 = arith.select %and3A_169, %add3A_170, %rem3A_161 : i32
      %dma_wait3A_172 = arith.constant 0 : i32
      %dma_wait3A_173 = arith.constant 0 : i32
      %dma_wait3A_174 = tpu.memref_slice %arg8[%select_n3A_153, %dma_wait3A_172, %dma_wait3A_173] : memref<2x224x96xf32, #tpu.memory_space<vmem>> -> memref<1x224x96xf32, #tpu.memory_space<vmem>>
      %dma_wait3A_175 = tpu.memref_squeeze %dma_wait3A_174 : memref<1x224x96xf32, #tpu.memory_space<vmem>> -> memref<224x96xf32, #tpu.memory_space<vmem>>
      %dma_wait3A_176 = arith.constant 0 : i32
      %dma_wait3A_177 = arith.constant 0 : i32
      %dma_wait3A_178 = tpu.memref_slice %arg2[%select_n3A, %mul3A_32, %dma_wait3A_176, %dma_wait3A_177] : memref<4x224x224x96xf32, #tpu.memory_space<hbm>> -> memref<1x1x224x96xf32, #tpu.memory_space<hbm>>
      %dma_wait3A_179 = tpu.memref_squeeze %dma_wait3A_178 : memref<1x1x224x96xf32, #tpu.memory_space<hbm>> -> memref<224x96xf32, #tpu.memory_space<hbm>>
      %dma_wait3A_180 = tpu.memref_slice %arg14[%select_n3A_153] : memref<2x!tpu.dma_semaphore, #tpu.memory_space<semaphore_mem>> -> memref<1x!tpu.dma_semaphore, #tpu.memory_space<semaphore_mem>>
      %dma_wait3A_181 = tpu.memref_squeeze %dma_wait3A_180 : memref<1x!tpu.dma_semaphore, #tpu.memory_space<semaphore_mem>> -> memref<!tpu.dma_semaphore, #tpu.memory_space<semaphore_mem>>
      %dma_wait3A_182 = arith.constant 0 : i32
      %dma_wait3A_183 = arith.constant 0 : i32
      %dma_wait3A_184 = tpu.memref_slice %arg8[%select_n3A_153, %dma_wait3A_182, %dma_wait3A_183] : memref<2x224x96xf32, #tpu.memory_space<vmem>> -> memref<1x224x96xf32, #tpu.memory_space<vmem>>
      %dma_wait3A_185 = tpu.memref_squeeze %dma_wait3A_184 : memref<1x224x96xf32, #tpu.memory_space<vmem>> -> memref<224x96xf32, #tpu.memory_space<vmem>>
      %dma_wait3A_186 = arith.constant 0 : i32
      %dma_wait3A_187 = arith.constant 0 : i32
      %dma_wait3A_188 = tpu.memref_slice %arg2[%select_n3A, %mul3A_32, %dma_wait3A_186, %dma_wait3A_187] : memref<4x224x224x96xf32, #tpu.memory_space<hbm>> -> memref<1x1x224x96xf32, #tpu.memory_space<hbm>>
      %dma_wait3A_189 = tpu.memref_squeeze %dma_wait3A_188 : memref<1x1x224x96xf32, #tpu.memory_space<hbm>> -> memref<224x96xf32, #tpu.memory_space<hbm>>
      tpu.wait_dma2 semaphore(%dma_wait3A_181 : memref<!tpu.dma_semaphore, #tpu.memory_space<semaphore_mem>>) src(%dma_wait3A_189 : memref<224x96xf32, #tpu.memory_space<hbm>>) dst(%dma_wait3A_185 : memref<224x96xf32, #tpu.memory_space<vmem>>)
      %mul3A_190 = arith.constant 2 : i32
      %mul3A_191 = arith.muli %scan3A_136, %mul3A_190 : i32
      %add3A_192 = arith.constant 0 : i32
      %add3A_193 = arith.addi %mul3A_191, %add3A_192 : i32
      %dma_start3A_194 = arith.constant 0 : i32
      %dma_start3A_195 = arith.constant 0 : i32
      %dma_start3A_196 = arith.constant 0 : i32
      %dma_start3A_197 = tpu.memref_slice %arg8[%select_n3A_153, %dma_start3A_195, %dma_start3A_196] : memref<2x224x96xf32, #tpu.memory_space<vmem>> -> memref<1x112x96xf32, #tpu.memory_space<vmem>>
      %dma_start3A_198 = tpu.memref_squeeze %dma_start3A_197 : memref<1x112x96xf32, #tpu.memory_space<vmem>> -> memref<112x96xf32, #tpu.memory_space<vmem>>
      %dma_start3A_199 = arith.constant 0 : i32
      %dma_start3A_200 = tpu.memref_slice %arg7[%add3A_193, %dma_start3A_199] : memref<56x112xi32, #tpu.memory_space<vmem>> -> memref<1x112xi32, #tpu.memory_space<vmem>>
      %dma_start3A_201 = tpu.memref_squeeze %dma_start3A_200 : memref<1x112xi32, #tpu.memory_space<vmem>> -> memref<112xi32, #tpu.memory_space<vmem>>
      %dma_start3A_202 = arith.constant 0 : i32
      %dma_start3A_203 = arith.constant 0 : i32
      %dma_start3A_204 = tpu.memref_slice %arg12[%dma_start3A_202, %dma_start3A_203] : memref<512x96xf32, #tpu.memory_space<vmem_shared>> -> memref<512x96xf32, #tpu.memory_space<vmem_shared>>
      %dma_start3A_205 = tpu.memref_slice %arg15[%select_n3A_153, %dma_start3A_194] : memref<2x2x!tpu.dma_semaphore, #tpu.memory_space<semaphore_mem>> -> memref<1x1x!tpu.dma_semaphore, #tpu.memory_space<semaphore_mem>>
      %dma_start3A_206 = tpu.memref_squeeze %dma_start3A_205 : memref<1x1x!tpu.dma_semaphore, #tpu.memory_space<semaphore_mem>> -> memref<!tpu.dma_semaphore, #tpu.memory_space<semaphore_mem>>
      tpu.enqueue_indirect_dma source(%dma_start3A_198 : memref<112x96xf32, #tpu.memory_space<vmem>>) target(%dma_start3A_204 : memref<512x96xf32, #tpu.memory_space<vmem_shared>>) offsets(%dma_start3A_201 : memref<112xi32, #tpu.memory_space<vmem>>) semaphore(%dma_start3A_206 : memref<!tpu.dma_semaphore, #tpu.memory_space<semaphore_mem>>) {add = true}
      %mul3A_207 = arith.constant 2 : i32
      %mul3A_208 = arith.muli %scan3A_136, %mul3A_207 : i32
      %add3A_209 = arith.constant 1 : i32
      %add3A_210 = arith.addi %mul3A_208, %add3A_209 : i32
      %dma_start3A_211 = arith.constant 1 : i32
      %dma_start3A_212 = arith.constant 112 : i32
      %dma_start3A_213 = arith.constant 0 : i32
      %dma_start3A_214 = tpu.memref_slice %arg8[%select_n3A_153, %dma_start3A_212, %dma_start3A_213] : memref<2x224x96xf32, #tpu.memory_space<vmem>> -> memref<1x112x96xf32, #tpu.memory_space<vmem>>
      %dma_start3A_215 = tpu.memref_squeeze %dma_start3A_214 : memref<1x112x96xf32, #tpu.memory_space<vmem>> -> memref<112x96xf32, #tpu.memory_space<vmem>>
      %dma_start3A_216 = arith.constant 0 : i32
      %dma_start3A_217 = tpu.memref_slice %arg7[%add3A_210, %dma_start3A_216] : memref<56x112xi32, #tpu.memory_space<vmem>> -> memref<1x112xi32, #tpu.memory_space<vmem>>
      %dma_start3A_218 = tpu.memref_squeeze %dma_start3A_217 : memref<1x112xi32, #tpu.memory_space<vmem>> -> memref<112xi32, #tpu.memory_space<vmem>>
      %dma_start3A_219 = arith.constant 0 : i32
      %dma_start3A_220 = arith.constant 0 : i32
      %dma_start3A_221 = tpu.memref_slice %arg12[%dma_start3A_219, %dma_start3A_220] : memref<512x96xf32, #tpu.memory_space<vmem_shared>> -> memref<512x96xf32, #tpu.memory_space<vmem_shared>>
      %dma_start3A_222 = tpu.memref_slice %arg15[%select_n3A_153, %dma_start3A_211] : memref<2x2x!tpu.dma_semaphore, #tpu.memory_space<semaphore_mem>> -> memref<1x1x!tpu.dma_semaphore, #tpu.memory_space<semaphore_mem>>
      %dma_start3A_223 = tpu.memref_squeeze %dma_start3A_222 : memref<1x1x!tpu.dma_semaphore, #tpu.memory_space<semaphore_mem>> -> memref<!tpu.dma_semaphore, #tpu.memory_space<semaphore_mem>>
      tpu.enqueue_indirect_dma source(%dma_start3A_215 : memref<112x96xf32, #tpu.memory_space<vmem>>) target(%dma_start3A_221 : memref<512x96xf32, #tpu.memory_space<vmem_shared>>) offsets(%dma_start3A_218 : memref<112xi32, #tpu.memory_space<vmem>>) semaphore(%dma_start3A_223 : memref<!tpu.dma_semaphore, #tpu.memory_space<semaphore_mem>>) {add = true}
      %ge3A = arith.constant 1 : i32
      %ge3A_224 = arith.cmpi sge, %scan3A_136, %ge3A : i32
      %convert_element_type3A_225 = arith.extui %ge3A_224 : i1 to i32
      %cond3A_226 = arith.constant 0 : i32
      %cond3A_227 = arith.cmpi ne, %convert_element_type3A_225, %cond3A_226 : i32
      scf.if %cond3A_227 {
        %sub3A_306 = arith.constant 1 : i32
        %sub3A_307 = arith.subi %scan3A_136, %sub3A_306 : i32
        %mul3A_308 = arith.constant 2 : i32
        %mul3A_309 = arith.muli %sub3A_307, %mul3A_308 : i32
        %add3A_310 = arith.constant 0 : i32
        %add3A_311 = arith.addi %mul3A_309, %add3A_310 : i32
        %dma_wait3A_312 = arith.constant 0 : i32
        %dma_wait3A_313 = arith.constant 0 : i32
        %dma_wait3A_314 = arith.constant 0 : i32
        %dma_wait3A_315 = tpu.memref_slice %arg8[%select_n3A_171, %dma_wait3A_313, %dma_wait3A_314] : memref<2x224x96xf32, #tpu.memory_space<vmem>> -> memref<1x112x96xf32, #tpu.memory_space<vmem>>
        %dma_wait3A_316 = tpu.memref_squeeze %dma_wait3A_315 : memref<1x112x96xf32, #tpu.memory_space<vmem>> -> memref<112x96xf32, #tpu.memory_space<vmem>>
        %dma_wait3A_317 = arith.constant 0 : i32
        %dma_wait3A_318 = tpu.memref_slice %arg7[%add3A_311, %dma_wait3A_317] : memref<56x112xi32, #tpu.memory_space<vmem>> -> memref<1x112xi32, #tpu.memory_space<vmem>>
        %dma_wait3A_319 = tpu.memref_squeeze %dma_wait3A_318 : memref<1x112xi32, #tpu.memory_space<vmem>> -> memref<112xi32, #tpu.memory_space<vmem>>
        %dma_wait3A_320 = arith.constant 0 : i32
        %dma_wait3A_321 = arith.constant 0 : i32
        %dma_wait3A_322 = tpu.memref_slice %arg12[%dma_wait3A_320, %dma_wait3A_321] : memref<512x96xf32, #tpu.memory_space<vmem_shared>> -> memref<512x96xf32, #tpu.memory_space<vmem_shared>>
        %dma_wait3A_323 = tpu.memref_slice %arg15[%select_n3A_171, %dma_wait3A_312] : memref<2x2x!tpu.dma_semaphore, #tpu.memory_space<semaphore_mem>> -> memref<1x1x!tpu.dma_semaphore, #tpu.memory_space<semaphore_mem>>
        %dma_wait3A_324 = tpu.memref_squeeze %dma_wait3A_323 : memref<1x1x!tpu.dma_semaphore, #tpu.memory_space<semaphore_mem>> -> memref<!tpu.dma_semaphore, #tpu.memory_space<semaphore_mem>>
        tpu.wait_indirect_dma semaphore(%dma_wait3A_324 : memref<!tpu.dma_semaphore, #tpu.memory_space<semaphore_mem>>) src(%dma_wait3A_316 : memref<112x96xf32, #tpu.memory_space<vmem>>) dst(%dma_wait3A_322 : memref<512x96xf32, #tpu.memory_space<vmem_shared>>)
        %sub3A_325 = arith.constant 1 : i32
        %sub3A_326 = arith.subi %scan3A_136, %sub3A_325 : i32
        %mul3A_327 = arith.constant 2 : i32
        %mul3A_328 = arith.muli %sub3A_326, %mul3A_327 : i32
        %add3A_329 = arith.constant 1 : i32
        %add3A_330 = arith.addi %mul3A_328, %add3A_329 : i32
        %dma_wait3A_331 = arith.constant 1 : i32
        %dma_wait3A_332 = arith.constant 112 : i32
        %dma_wait3A_333 = arith.constant 0 : i32
        %dma_wait3A_334 = tpu.memref_slice %arg8[%select_n3A_171, %dma_wait3A_332, %dma_wait3A_333] : memref<2x224x96xf32, #tpu.memory_space<vmem>> -> memref<1x112x96xf32, #tpu.memory_space<vmem>>
        %dma_wait3A_335 = tpu.memref_squeeze %dma_wait3A_334 : memref<1x112x96xf32, #tpu.memory_space<vmem>> -> memref<112x96xf32, #tpu.memory_space<vmem>>
        %dma_wait3A_336 = arith.constant 0 : i32
        %dma_wait3A_337 = tpu.memref_slice %arg7[%add3A_330, %dma_wait3A_336] : memref<56x112xi32, #tpu.memory_space<vmem>> -> memref<1x112xi32, #tpu.memory_space<vmem>>
        %dma_wait3A_338 = tpu.memref_squeeze %dma_wait3A_337 : memref<1x112xi32, #tpu.memory_space<vmem>> -> memref<112xi32, #tpu.memory_space<vmem>>
        %dma_wait3A_339 = arith.constant 0 : i32
        %dma_wait3A_340 = arith.constant 0 : i32
        %dma_wait3A_341 = tpu.memref_slice %arg12[%dma_wait3A_339, %dma_wait3A_340] : memref<512x96xf32, #tpu.memory_space<vmem_shared>> -> memref<512x96xf32, #tpu.memory_space<vmem_shared>>
        %dma_wait3A_342 = tpu.memref_slice %arg15[%select_n3A_171, %dma_wait3A_331] : memref<2x2x!tpu.dma_semaphore, #tpu.memory_space<semaphore_mem>> -> memref<1x1x!tpu.dma_semaphore, #tpu.memory_space<semaphore_mem>>
        %dma_wait3A_343 = tpu.memref_squeeze %dma_wait3A_342 : memref<1x1x!tpu.dma_semaphore, #tpu.memory_space<semaphore_mem>> -> memref<!tpu.dma_semaphore, #tpu.memory_space<semaphore_mem>>
        tpu.wait_indirect_dma semaphore(%dma_wait3A_343 : memref<!tpu.dma_semaphore, #tpu.memory_space<semaphore_mem>>) src(%dma_wait3A_335 : memref<112x96xf32, #tpu.memory_space<vmem>>) dst(%dma_wait3A_341 : memref<512x96xf32, #tpu.memory_space<vmem_shared>>)
      } else {
      }
      %lt3A_228 = arith.constant 27 : i32
      %lt3A_229 = arith.cmpi slt, %scan3A_136, %lt3A_228 : i32
      %convert_element_type3A_230 = arith.extui %lt3A_229 : i1 to i32
      %cond3A_231 = arith.constant 0 : i32
      %cond3A_232 = arith.cmpi ne, %convert_element_type3A_230, %cond3A_231 : i32
      scf.if %cond3A_232 {
        %add3A_306 = arith.addi %mul3A_32, %scan3A_136 : i32
        %add3A_307 = arith.constant 1 : i32
        %add3A_308 = arith.addi %add3A_306, %add3A_307 : i32
        %dma_start3A_309 = arith.constant 0 : i32
        %dma_start3A_310 = arith.constant 0 : i32
        %dma_start3A_311 = tpu.memref_slice %arg8[%select_n3A_171, %dma_start3A_309, %dma_start3A_310] : memref<2x224x96xf32, #tpu.memory_space<vmem>> -> memref<1x224x96xf32, #tpu.memory_space<vmem>>
        %dma_start3A_312 = tpu.memref_squeeze %dma_start3A_311 : memref<1x224x96xf32, #tpu.memory_space<vmem>> -> memref<224x96xf32, #tpu.memory_space<vmem>>
        %dma_start3A_313 = arith.constant 0 : i32
        %dma_start3A_314 = arith.constant 0 : i32
        %dma_start3A_315 = tpu.memref_slice %arg2[%select_n3A, %add3A_308, %dma_start3A_313, %dma_start3A_314] : memref<4x224x224x96xf32, #tpu.memory_space<hbm>> -> memref<1x1x224x96xf32, #tpu.memory_space<hbm>>
        %dma_start3A_316 = tpu.memref_squeeze %dma_start3A_315 : memref<1x1x224x96xf32, #tpu.memory_space<hbm>> -> memref<224x96xf32, #tpu.memory_space<hbm>>
        %dma_start3A_317 = tpu.memref_slice %arg14[%select_n3A_171] : memref<2x!tpu.dma_semaphore, #tpu.memory_space<semaphore_mem>> -> memref<1x!tpu.dma_semaphore, #tpu.memory_space<semaphore_mem>>
        %dma_start3A_318 = tpu.memref_squeeze %dma_start3A_317 : memref<1x!tpu.dma_semaphore, #tpu.memory_space<semaphore_mem>> -> memref<!tpu.dma_semaphore, #tpu.memory_space<semaphore_mem>>
        %dma_start3A_319 = arith.constant 0 : i32
        %dma_start3A_320 = arith.constant 0 : i32
        %dma_start3A_321 = tpu.memref_slice %arg8[%select_n3A_171, %dma_start3A_319, %dma_start3A_320] : memref<2x224x96xf32, #tpu.memory_space<vmem>> -> memref<1x224x96xf32, #tpu.memory_space<vmem>>
        %dma_start3A_322 = tpu.memref_squeeze %dma_start3A_321 : memref<1x224x96xf32, #tpu.memory_space<vmem>> -> memref<224x96xf32, #tpu.memory_space<vmem>>
        %dma_start3A_323 = arith.constant 0 : i32
        %dma_start3A_324 = arith.constant 0 : i32
        %dma_start3A_325 = tpu.memref_slice %arg2[%select_n3A, %add3A_308, %dma_start3A_323, %dma_start3A_324] : memref<4x224x224x96xf32, #tpu.memory_space<hbm>> -> memref<1x1x224x96xf32, #tpu.memory_space<hbm>>
        %dma_start3A_326 = tpu.memref_squeeze %dma_start3A_325 : memref<1x1x224x96xf32, #tpu.memory_space<hbm>> -> memref<224x96xf32, #tpu.memory_space<hbm>>
        tpu.enqueue_dma source(%dma_start3A_326 : memref<224x96xf32, #tpu.memory_space<hbm>>) target(%dma_start3A_322 : memref<224x96xf32, #tpu.memory_space<vmem>>) target_semaphore(%dma_start3A_318 : memref<!tpu.dma_semaphore, #tpu.memory_space<semaphore_mem>>)
      } else {
      }
      %broadcast_in_dim3A_233 = arith.constant 0 : i32
      %broadcast_in_dim3A_234 = vector.broadcast %broadcast_in_dim3A_233 : i32 to vector<16xi32>
      %swap3A = arith.constant 0 : index
      %swap3A_235 = tpu.vector_load %arg11[%swap3A] {strides = array<i32>} : memref<16xi32, #tpu.memory_space<vmem>>, vector<16xi32>,
      %swap3A_236 = vector.shape_cast %swap3A_235 : vector<16xi32> to vector<16xi32>
      %swap3A_237 = vector.shape_cast %broadcast_in_dim3A_234 : vector<16xi32> to vector<16xi32>
      tpu.vector_store %arg11[%swap3A], %swap3A_237 {strides = array<i32>} : memref<16xi32, #tpu.memory_space<vmem>>, vector<16xi32>,
      %scan3A_238 = arith.constant 0 : i32
      %scan3A_239 = arith.constant 0 : i32
      %scan3A_240 = arith.constant 28 : i32
      %scan3A_241 = arith.addi %scan3A_239, %scan3A_240 : i32
      %scan3A_242 = arith.constant 1 : i32
      %scan3A_243 = scf.for %scan3A_306 = %scan3A_239 to %scan3A_241 step %scan3A_242 iter_args(%scan3A_307 = %scan3A_238) -> (i32)  : i32 {
        %mul3A_308 = arith.constant 8 : i32
        %mul3A_309 = arith.muli %scan3A_306, %mul3A_308 : i32
        %get3A_310 = arith.constant 0 : index
        %get3A_311 = tpu.vector_load %arg11[%get3A_310] {strides = array<i32>} : memref<16xi32, #tpu.memory_space<vmem>>, vector<16xi32>,
        %get3A_312 = vector.shape_cast %get3A_311 : vector<16xi32> to vector<16xi32>
        %add3A_313 = arith.constant 0 : i32
        %add3A_314 = arith.addi %mul3A_309, %add3A_313 : i32
        %get3A_315 = arith.index_cast %select_n3A_153 : i32 to index
        %get3A_316 = arith.index_cast %add3A_314 : i32 to index
        %get3A_317 = arith.constant 0 : index
        %get3A_318 = tpu.vector_load %arg8[%get3A_315, %get3A_316, %get3A_317] {strides = array<i32>} : memref<2x224x96xf32, #tpu.memory_space<vmem>>, vector<1x1x16xf32>,
        %get3A_319 = vector.shape_cast %get3A_318 : vector<1x1x16xf32> to vector<16xf32>
        %eq3A_320 = arith.constant 0.000000e+00 : f32
        %eq3A_321 = vector.broadcast %eq3A_320 : f32 to vector<16xf32>
        %eq3A_322 = arith.cmpf oeq, %get3A_319, %eq3A_321 : vector<16xf32>
        %jit3A_323 = arith.constant 1 : i32
        %jit3A_324 = arith.constant 0 : i32
        %broadcast_in_dim3A_325 = vector.broadcast %jit3A_323 : i32 to vector<16xi32>
        %broadcast_in_dim3A_326 = vector.broadcast %jit3A_324 : i32 to vector<16xi32>
        %select_n3A_327 = arith.select %eq3A_322, %broadcast_in_dim3A_325, %broadcast_in_dim3A_326 : vector<16xi1>, vector<16xi32>
        %or3A_328 = arith.ori %get3A_312, %select_n3A_327 : vector<16xi32>
        %add3A_329 = arith.constant 0 : i32
        %add3A_330 = arith.addi %mul3A_309, %add3A_329 : i32
        %get3A_331 = arith.index_cast %select_n3A_153 : i32 to index
        %get3A_332 = arith.index_cast %add3A_330 : i32 to index
        %get3A_333 = arith.constant 16 : index
        %get3A_334 = tpu.vector_load %arg8[%get3A_331, %get3A_332, %get3A_333] {strides = array<i32>} : memref<2x224x96xf32, #tpu.memory_space<vmem>>, vector<1x1x16xf32>,
        %get3A_335 = vector.shape_cast %get3A_334 : vector<1x1x16xf32> to vector<16xf32>
        %eq3A_336 = arith.constant 0.000000e+00 : f32
        %eq3A_337 = vector.broadcast %eq3A_336 : f32 to vector<16xf32>
        %eq3A_338 = arith.cmpf oeq, %get3A_335, %eq3A_337 : vector<16xf32>
        %jit3A_339 = arith.constant 1 : i32
        %jit3A_340 = arith.constant 0 : i32
        %broadcast_in_dim3A_341 = vector.broadcast %jit3A_339 : i32 to vector<16xi32>
        %broadcast_in_dim3A_342 = vector.broadcast %jit3A_340 : i32 to vector<16xi32>
        %select_n3A_343 = arith.select %eq3A_338, %broadcast_in_dim3A_341, %broadcast_in_dim3A_342 : vector<16xi1>, vector<16xi32>
        %or3A_344 = arith.ori %or3A_328, %select_n3A_343 : vector<16xi32>
        %add3A_345 = arith.constant 0 : i32
        %add3A_346 = arith.addi %mul3A_309, %add3A_345 : i32
        %get3A_347 = arith.index_cast %select_n3A_153 : i32 to index
        %get3A_348 = arith.index_cast %add3A_346 : i32 to index
        %get3A_349 = arith.constant 32 : index
        %get3A_350 = tpu.vector_load %arg8[%get3A_347, %get3A_348, %get3A_349] {strides = array<i32>} : memref<2x224x96xf32, #tpu.memory_space<vmem>>, vector<1x1x16xf32>,
        %get3A_351 = vector.shape_cast %get3A_350 : vector<1x1x16xf32> to vector<16xf32>
        %eq3A_352 = arith.constant 0.000000e+00 : f32
        %eq3A_353 = vector.broadcast %eq3A_352 : f32 to vector<16xf32>
        %eq3A_354 = arith.cmpf oeq, %get3A_351, %eq3A_353 : vector<16xf32>
        %jit3A_355 = arith.constant 1 : i32
        %jit3A_356 = arith.constant 0 : i32
        %broadcast_in_dim3A_357 = vector.broadcast %jit3A_355 : i32 to vector<16xi32>
        %broadcast_in_dim3A_358 = vector.broadcast %jit3A_356 : i32 to vector<16xi32>
        %select_n3A_359 = arith.select %eq3A_354, %broadcast_in_dim3A_357, %broadcast_in_dim3A_358 : vector<16xi1>, vector<16xi32>
        %or3A_360 = arith.ori %or3A_344, %select_n3A_359 : vector<16xi32>
        %add3A_361 = arith.constant 0 : i32
        %add3A_362 = arith.addi %mul3A_309, %add3A_361 : i32
        %get3A_363 = arith.index_cast %select_n3A_153 : i32 to index
        %get3A_364 = arith.index_cast %add3A_362 : i32 to index
        %get3A_365 = arith.constant 48 : index
        %get3A_366 = tpu.vector_load %arg8[%get3A_363, %get3A_364, %get3A_365] {strides = array<i32>} : memref<2x224x96xf32, #tpu.memory_space<vmem>>, vector<1x1x16xf32>,
        %get3A_367 = vector.shape_cast %get3A_366 : vector<1x1x16xf32> to vector<16xf32>
        %eq3A_368 = arith.constant 0.000000e+00 : f32
        %eq3A_369 = vector.broadcast %eq3A_368 : f32 to vector<16xf32>
        %eq3A_370 = arith.cmpf oeq, %get3A_367, %eq3A_369 : vector<16xf32>
        %jit3A_371 = arith.constant 1 : i32
        %jit3A_372 = arith.constant 0 : i32
        %broadcast_in_dim3A_373 = vector.broadcast %jit3A_371 : i32 to vector<16xi32>
        %broadcast_in_dim3A_374 = vector.broadcast %jit3A_372 : i32 to vector<16xi32>
        %select_n3A_375 = arith.select %eq3A_370, %broadcast_in_dim3A_373, %broadcast_in_dim3A_374 : vector<16xi1>, vector<16xi32>
        %or3A_376 = arith.ori %or3A_360, %select_n3A_375 : vector<16xi32>
        %add3A_377 = arith.constant 0 : i32
        %add3A_378 = arith.addi %mul3A_309, %add3A_377 : i32
        %get3A_379 = arith.index_cast %select_n3A_153 : i32 to index
        %get3A_380 = arith.index_cast %add3A_378 : i32 to index
        %get3A_381 = arith.constant 64 : index
        %get3A_382 = tpu.vector_load %arg8[%get3A_379, %get3A_380, %get3A_381] {strides = array<i32>} : memref<2x224x96xf32, #tpu.memory_space<vmem>>, vector<1x1x16xf32>,
        %get3A_383 = vector.shape_cast %get3A_382 : vector<1x1x16xf32> to vector<16xf32>
        %eq3A_384 = arith.constant 0.000000e+00 : f32
        %eq3A_385 = vector.broadcast %eq3A_384 : f32 to vector<16xf32>
        %eq3A_386 = arith.cmpf oeq, %get3A_383, %eq3A_385 : vector<16xf32>
        %jit3A_387 = arith.constant 1 : i32
        %jit3A_388 = arith.constant 0 : i32
        %broadcast_in_dim3A_389 = vector.broadcast %jit3A_387 : i32 to vector<16xi32>
        %broadcast_in_dim3A_390 = vector.broadcast %jit3A_388 : i32 to vector<16xi32>
        %select_n3A_391 = arith.select %eq3A_386, %broadcast_in_dim3A_389, %broadcast_in_dim3A_390 : vector<16xi1>, vector<16xi32>
        %or3A_392 = arith.ori %or3A_376, %select_n3A_391 : vector<16xi32>
        %add3A_393 = arith.constant 0 : i32
        %add3A_394 = arith.addi %mul3A_309, %add3A_393 : i32
        %get3A_395 = arith.index_cast %select_n3A_153 : i32 to index
        %get3A_396 = arith.index_cast %add3A_394 : i32 to index
        %get3A_397 = arith.constant 80 : index
        %get3A_398 = tpu.vector_load %arg8[%get3A_395, %get3A_396, %get3A_397] {strides = array<i32>} : memref<2x224x96xf32, #tpu.memory_space<vmem>>, vector<1x1x16xf32>,
        %get3A_399 = vector.shape_cast %get3A_398 : vector<1x1x16xf32> to vector<16xf32>
        %eq3A_400 = arith.constant 0.000000e+00 : f32
        %eq3A_401 = vector.broadcast %eq3A_400 : f32 to vector<16xf32>
        %eq3A_402 = arith.cmpf oeq, %get3A_399, %eq3A_401 : vector<16xf32>
        %jit3A_403 = arith.constant 1 : i32
        %jit3A_404 = arith.constant 0 : i32
        %broadcast_in_dim3A_405 = vector.broadcast %jit3A_403 : i32 to vector<16xi32>
        %broadcast_in_dim3A_406 = vector.broadcast %jit3A_404 : i32 to vector<16xi32>
        %select_n3A_407 = arith.select %eq3A_402, %broadcast_in_dim3A_405, %broadcast_in_dim3A_406 : vector<16xi1>, vector<16xi32>
        %or3A_408 = arith.ori %or3A_392, %select_n3A_407 : vector<16xi32>
        %add3A_409 = arith.constant 1 : i32
        %add3A_410 = arith.addi %mul3A_309, %add3A_409 : i32
        %get3A_411 = arith.index_cast %select_n3A_153 : i32 to index
        %get3A_412 = arith.index_cast %add3A_410 : i32 to index
        %get3A_413 = arith.constant 0 : index
        %get3A_414 = tpu.vector_load %arg8[%get3A_411, %get3A_412, %get3A_413] {strides = array<i32>} : memref<2x224x96xf32, #tpu.memory_space<vmem>>, vector<1x1x16xf32>,
        %get3A_415 = vector.shape_cast %get3A_414 : vector<1x1x16xf32> to vector<16xf32>
        %eq3A_416 = arith.constant 0.000000e+00 : f32
        %eq3A_417 = vector.broadcast %eq3A_416 : f32 to vector<16xf32>
        %eq3A_418 = arith.cmpf oeq, %get3A_415, %eq3A_417 : vector<16xf32>
        %jit3A_419 = arith.constant 1 : i32
        %jit3A_420 = arith.constant 0 : i32
        %broadcast_in_dim3A_421 = vector.broadcast %jit3A_419 : i32 to vector<16xi32>
        %broadcast_in_dim3A_422 = vector.broadcast %jit3A_420 : i32 to vector<16xi32>
        %select_n3A_423 = arith.select %eq3A_418, %broadcast_in_dim3A_421, %broadcast_in_dim3A_422 : vector<16xi1>, vector<16xi32>
        %or3A_424 = arith.ori %or3A_408, %select_n3A_423 : vector<16xi32>
        %add3A_425 = arith.constant 1 : i32
        %add3A_426 = arith.addi %mul3A_309, %add3A_425 : i32
        %get3A_427 = arith.index_cast %select_n3A_153 : i32 to index
        %get3A_428 = arith.index_cast %add3A_426 : i32 to index
        %get3A_429 = arith.constant 16 : index
        %get3A_430 = tpu.vector_load %arg8[%get3A_427, %get3A_428, %get3A_429] {strides = array<i32>} : memref<2x224x96xf32, #tpu.memory_space<vmem>>, vector<1x1x16xf32>,
        %get3A_431 = vector.shape_cast %get3A_430 : vector<1x1x16xf32> to vector<16xf32>
        %eq3A_432 = arith.constant 0.000000e+00 : f32
        %eq3A_433 = vector.broadcast %eq3A_432 : f32 to vector<16xf32>
        %eq3A_434 = arith.cmpf oeq, %get3A_431, %eq3A_433 : vector<16xf32>
        %jit3A_435 = arith.constant 1 : i32
        %jit3A_436 = arith.constant 0 : i32
        %broadcast_in_dim3A_437 = vector.broadcast %jit3A_435 : i32 to vector<16xi32>
        %broadcast_in_dim3A_438 = vector.broadcast %jit3A_436 : i32 to vector<16xi32>
        %select_n3A_439 = arith.select %eq3A_434, %broadcast_in_dim3A_437, %broadcast_in_dim3A_438 : vector<16xi1>, vector<16xi32>
        %or3A_440 = arith.ori %or3A_424, %select_n3A_439 : vector<16xi32>
        %add3A_441 = arith.constant 1 : i32
        %add3A_442 = arith.addi %mul3A_309, %add3A_441 : i32
        %get3A_443 = arith.index_cast %select_n3A_153 : i32 to index
        %get3A_444 = arith.index_cast %add3A_442 : i32 to index
        %get3A_445 = arith.constant 32 : index
        %get3A_446 = tpu.vector_load %arg8[%get3A_443, %get3A_444, %get3A_445] {strides = array<i32>} : memref<2x224x96xf32, #tpu.memory_space<vmem>>, vector<1x1x16xf32>,
        %get3A_447 = vector.shape_cast %get3A_446 : vector<1x1x16xf32> to vector<16xf32>
        %eq3A_448 = arith.constant 0.000000e+00 : f32
        %eq3A_449 = vector.broadcast %eq3A_448 : f32 to vector<16xf32>
        %eq3A_450 = arith.cmpf oeq, %get3A_447, %eq3A_449 : vector<16xf32>
        %jit3A_451 = arith.constant 1 : i32
        %jit3A_452 = arith.constant 0 : i32
        %broadcast_in_dim3A_453 = vector.broadcast %jit3A_451 : i32 to vector<16xi32>
        %broadcast_in_dim3A_454 = vector.broadcast %jit3A_452 : i32 to vector<16xi32>
        %select_n3A_455 = arith.select %eq3A_450, %broadcast_in_dim3A_453, %broadcast_in_dim3A_454 : vector<16xi1>, vector<16xi32>
        %or3A_456 = arith.ori %or3A_440, %select_n3A_455 : vector<16xi32>
        %add3A_457 = arith.constant 1 : i32
        %add3A_458 = arith.addi %mul3A_309, %add3A_457 : i32
        %get3A_459 = arith.index_cast %select_n3A_153 : i32 to index
        %get3A_460 = arith.index_cast %add3A_458 : i32 to index
        %get3A_461 = arith.constant 48 : index
        %get3A_462 = tpu.vector_load %arg8[%get3A_459, %get3A_460, %get3A_461] {strides = array<i32>} : memref<2x224x96xf32, #tpu.memory_space<vmem>>, vector<1x1x16xf32>,
        %get3A_463 = vector.shape_cast %get3A_462 : vector<1x1x16xf32> to vector<16xf32>
        %eq3A_464 = arith.constant 0.000000e+00 : f32
        %eq3A_465 = vector.broadcast %eq3A_464 : f32 to vector<16xf32>
        %eq3A_466 = arith.cmpf oeq, %get3A_463, %eq3A_465 : vector<16xf32>
        %jit3A_467 = arith.constant 1 : i32
        %jit3A_468 = arith.constant 0 : i32
        %broadcast_in_dim3A_469 = vector.broadcast %jit3A_467 : i32 to vector<16xi32>
        %broadcast_in_dim3A_470 = vector.broadcast %jit3A_468 : i32 to vector<16xi32>
        %select_n3A_471 = arith.select %eq3A_466, %broadcast_in_dim3A_469, %broadcast_in_dim3A_470 : vector<16xi1>, vector<16xi32>
        %or3A_472 = arith.ori %or3A_456, %select_n3A_471 : vector<16xi32>
        %add3A_473 = arith.constant 1 : i32
        %add3A_474 = arith.addi %mul3A_309, %add3A_473 : i32
        %get3A_475 = arith.index_cast %select_n3A_153 : i32 to index
        %get3A_476 = arith.index_cast %add3A_474 : i32 to index
        %get3A_477 = arith.constant 64 : index
        %get3A_478 = tpu.vector_load %arg8[%get3A_475, %get3A_476, %get3A_477] {strides = array<i32>} : memref<2x224x96xf32, #tpu.memory_space<vmem>>, vector<1x1x16xf32>,
        %get3A_479 = vector.shape_cast %get3A_478 : vector<1x1x16xf32> to vector<16xf32>
        %eq3A_480 = arith.constant 0.000000e+00 : f32
        %eq3A_481 = vector.broadcast %eq3A_480 : f32 to vector<16xf32>
        %eq3A_482 = arith.cmpf oeq, %get3A_479, %eq3A_481 : vector<16xf32>
        %jit3A_483 = arith.constant 1 : i32
        %jit3A_484 = arith.constant 0 : i32
        %broadcast_in_dim3A_485 = vector.broadcast %jit3A_483 : i32 to vector<16xi32>
        %broadcast_in_dim3A_486 = vector.broadcast %jit3A_484 : i32 to vector<16xi32>
        %select_n3A_487 = arith.select %eq3A_482, %broadcast_in_dim3A_485, %broadcast_in_dim3A_486 : vector<16xi1>, vector<16xi32>
        %or3A_488 = arith.ori %or3A_472, %select_n3A_487 : vector<16xi32>
        %add3A_489 = arith.constant 1 : i32
        %add3A_490 = arith.addi %mul3A_309, %add3A_489 : i32
        %get3A_491 = arith.index_cast %select_n3A_153 : i32 to index
        %get3A_492 = arith.index_cast %add3A_490 : i32 to index
        %get3A_493 = arith.constant 80 : index
        %get3A_494 = tpu.vector_load %arg8[%get3A_491, %get3A_492, %get3A_493] {strides = array<i32>} : memref<2x224x96xf32, #tpu.memory_space<vmem>>, vector<1x1x16xf32>,
        %get3A_495 = vector.shape_cast %get3A_494 : vector<1x1x16xf32> to vector<16xf32>
        %eq3A_496 = arith.constant 0.000000e+00 : f32
        %eq3A_497 = vector.broadcast %eq3A_496 : f32 to vector<16xf32>
        %eq3A_498 = arith.cmpf oeq, %get3A_495, %eq3A_497 : vector<16xf32>
        %jit3A_499 = arith.constant 1 : i32
        %jit3A_500 = arith.constant 0 : i32
        %broadcast_in_dim3A_501 = vector.broadcast %jit3A_499 : i32 to vector<16xi32>
        %broadcast_in_dim3A_502 = vector.broadcast %jit3A_500 : i32 to vector<16xi32>
        %select_n3A_503 = arith.select %eq3A_498, %broadcast_in_dim3A_501, %broadcast_in_dim3A_502 : vector<16xi1>, vector<16xi32>
        %or3A_504 = arith.ori %or3A_488, %select_n3A_503 : vector<16xi32>
        %add3A_505 = arith.constant 2 : i32
        %add3A_506 = arith.addi %mul3A_309, %add3A_505 : i32
        %get3A_507 = arith.index_cast %select_n3A_153 : i32 to index
        %get3A_508 = arith.index_cast %add3A_506 : i32 to index
        %get3A_509 = arith.constant 0 : index
        %get3A_510 = tpu.vector_load %arg8[%get3A_507, %get3A_508, %get3A_509] {strides = array<i32>} : memref<2x224x96xf32, #tpu.memory_space<vmem>>, vector<1x1x16xf32>,
        %get3A_511 = vector.shape_cast %get3A_510 : vector<1x1x16xf32> to vector<16xf32>
        %eq3A_512 = arith.constant 0.000000e+00 : f32
        %eq3A_513 = vector.broadcast %eq3A_512 : f32 to vector<16xf32>
        %eq3A_514 = arith.cmpf oeq, %get3A_511, %eq3A_513 : vector<16xf32>
        %jit3A_515 = arith.constant 1 : i32
        %jit3A_516 = arith.constant 0 : i32
        %broadcast_in_dim3A_517 = vector.broadcast %jit3A_515 : i32 to vector<16xi32>
        %broadcast_in_dim3A_518 = vector.broadcast %jit3A_516 : i32 to vector<16xi32>
        %select_n3A_519 = arith.select %eq3A_514, %broadcast_in_dim3A_517, %broadcast_in_dim3A_518 : vector<16xi1>, vector<16xi32>
        %or3A_520 = arith.ori %or3A_504, %select_n3A_519 : vector<16xi32>
        %add3A_521 = arith.constant 2 : i32
        %add3A_522 = arith.addi %mul3A_309, %add3A_521 : i32
        %get3A_523 = arith.index_cast %select_n3A_153 : i32 to index
        %get3A_524 = arith.index_cast %add3A_522 : i32 to index
        %get3A_525 = arith.constant 16 : index
        %get3A_526 = tpu.vector_load %arg8[%get3A_523, %get3A_524, %get3A_525] {strides = array<i32>} : memref<2x224x96xf32, #tpu.memory_space<vmem>>, vector<1x1x16xf32>,
        %get3A_527 = vector.shape_cast %get3A_526 : vector<1x1x16xf32> to vector<16xf32>
        %eq3A_528 = arith.constant 0.000000e+00 : f32
        %eq3A_529 = vector.broadcast %eq3A_528 : f32 to vector<16xf32>
        %eq3A_530 = arith.cmpf oeq, %get3A_527, %eq3A_529 : vector<16xf32>
        %jit3A_531 = arith.constant 1 : i32
        %jit3A_532 = arith.constant 0 : i32
        %broadcast_in_dim3A_533 = vector.broadcast %jit3A_531 : i32 to vector<16xi32>
        %broadcast_in_dim3A_534 = vector.broadcast %jit3A_532 : i32 to vector<16xi32>
        %select_n3A_535 = arith.select %eq3A_530, %broadcast_in_dim3A_533, %broadcast_in_dim3A_534 : vector<16xi1>, vector<16xi32>
        %or3A_536 = arith.ori %or3A_520, %select_n3A_535 : vector<16xi32>
        %add3A_537 = arith.constant 2 : i32
        %add3A_538 = arith.addi %mul3A_309, %add3A_537 : i32
        %get3A_539 = arith.index_cast %select_n3A_153 : i32 to index
        %get3A_540 = arith.index_cast %add3A_538 : i32 to index
        %get3A_541 = arith.constant 32 : index
        %get3A_542 = tpu.vector_load %arg8[%get3A_539, %get3A_540, %get3A_541] {strides = array<i32>} : memref<2x224x96xf32, #tpu.memory_space<vmem>>, vector<1x1x16xf32>,
        %get3A_543 = vector.shape_cast %get3A_542 : vector<1x1x16xf32> to vector<16xf32>
        %eq3A_544 = arith.constant 0.000000e+00 : f32
        %eq3A_545 = vector.broadcast %eq3A_544 : f32 to vector<16xf32>
        %eq3A_546 = arith.cmpf oeq, %get3A_543, %eq3A_545 : vector<16xf32>
        %jit3A_547 = arith.constant 1 : i32
        %jit3A_548 = arith.constant 0 : i32
        %broadcast_in_dim3A_549 = vector.broadcast %jit3A_547 : i32 to vector<16xi32>
        %broadcast_in_dim3A_550 = vector.broadcast %jit3A_548 : i32 to vector<16xi32>
        %select_n3A_551 = arith.select %eq3A_546, %broadcast_in_dim3A_549, %broadcast_in_dim3A_550 : vector<16xi1>, vector<16xi32>
        %or3A_552 = arith.ori %or3A_536, %select_n3A_551 : vector<16xi32>
        %add3A_553 = arith.constant 2 : i32
        %add3A_554 = arith.addi %mul3A_309, %add3A_553 : i32
        %get3A_555 = arith.index_cast %select_n3A_153 : i32 to index
        %get3A_556 = arith.index_cast %add3A_554 : i32 to index
        %get3A_557 = arith.constant 48 : index
        %get3A_558 = tpu.vector_load %arg8[%get3A_555, %get3A_556, %get3A_557] {strides = array<i32>} : memref<2x224x96xf32, #tpu.memory_space<vmem>>, vector<1x1x16xf32>,
        %get3A_559 = vector.shape_cast %get3A_558 : vector<1x1x16xf32> to vector<16xf32>
        %eq3A_560 = arith.constant 0.000000e+00 : f32
        %eq3A_561 = vector.broadcast %eq3A_560 : f32 to vector<16xf32>
        %eq3A_562 = arith.cmpf oeq, %get3A_559, %eq3A_561 : vector<16xf32>
        %jit3A_563 = arith.constant 1 : i32
        %jit3A_564 = arith.constant 0 : i32
        %broadcast_in_dim3A_565 = vector.broadcast %jit3A_563 : i32 to vector<16xi32>
        %broadcast_in_dim3A_566 = vector.broadcast %jit3A_564 : i32 to vector<16xi32>
        %select_n3A_567 = arith.select %eq3A_562, %broadcast_in_dim3A_565, %broadcast_in_dim3A_566 : vector<16xi1>, vector<16xi32>
        %or3A_568 = arith.ori %or3A_552, %select_n3A_567 : vector<16xi32>
        %add3A_569 = arith.constant 2 : i32
        %add3A_570 = arith.addi %mul3A_309, %add3A_569 : i32
        %get3A_571 = arith.index_cast %select_n3A_153 : i32 to index
        %get3A_572 = arith.index_cast %add3A_570 : i32 to index
        %get3A_573 = arith.constant 64 : index
        %get3A_574 = tpu.vector_load %arg8[%get3A_571, %get3A_572, %get3A_573] {strides = array<i32>} : memref<2x224x96xf32, #tpu.memory_space<vmem>>, vector<1x1x16xf32>,
        %get3A_575 = vector.shape_cast %get3A_574 : vector<1x1x16xf32> to vector<16xf32>
        %eq3A_576 = arith.constant 0.000000e+00 : f32
        %eq3A_577 = vector.broadcast %eq3A_576 : f32 to vector<16xf32>
        %eq3A_578 = arith.cmpf oeq, %get3A_575, %eq3A_577 : vector<16xf32>
        %jit3A_579 = arith.constant 1 : i32
        %jit3A_580 = arith.constant 0 : i32
        %broadcast_in_dim3A_581 = vector.broadcast %jit3A_579 : i32 to vector<16xi32>
        %broadcast_in_dim3A_582 = vector.broadcast %jit3A_580 : i32 to vector<16xi32>
        %select_n3A_583 = arith.select %eq3A_578, %broadcast_in_dim3A_581, %broadcast_in_dim3A_582 : vector<16xi1>, vector<16xi32>
        %or3A_584 = arith.ori %or3A_568, %select_n3A_583 : vector<16xi32>
        %add3A_585 = arith.constant 2 : i32
        %add3A_586 = arith.addi %mul3A_309, %add3A_585 : i32
        %get3A_587 = arith.index_cast %select_n3A_153 : i32 to index
        %get3A_588 = arith.index_cast %add3A_586 : i32 to index
        %get3A_589 = arith.constant 80 : index
        %get3A_590 = tpu.vector_load %arg8[%get3A_587, %get3A_588, %get3A_589] {strides = array<i32>} : memref<2x224x96xf32, #tpu.memory_space<vmem>>, vector<1x1x16xf32>,
        %get3A_591 = vector.shape_cast %get3A_590 : vector<1x1x16xf32> to vector<16xf32>
        %eq3A_592 = arith.constant 0.000000e+00 : f32
        %eq3A_593 = vector.broadcast %eq3A_592 : f32 to vector<16xf32>
        %eq3A_594 = arith.cmpf oeq, %get3A_591, %eq3A_593 : vector<16xf32>
        %jit3A_595 = arith.constant 1 : i32
        %jit3A_596 = arith.constant 0 : i32
        %broadcast_in_dim3A_597 = vector.broadcast %jit3A_595 : i32 to vector<16xi32>
        %broadcast_in_dim3A_598 = vector.broadcast %jit3A_596 : i32 to vector<16xi32>
        %select_n3A_599 = arith.select %eq3A_594, %broadcast_in_dim3A_597, %broadcast_in_dim3A_598 : vector<16xi1>, vector<16xi32>
        %or3A_600 = arith.ori %or3A_584, %select_n3A_599 : vector<16xi32>
        %add3A_601 = arith.constant 3 : i32
        %add3A_602 = arith.addi %mul3A_309, %add3A_601 : i32
        %get3A_603 = arith.index_cast %select_n3A_153 : i32 to index
        %get3A_604 = arith.index_cast %add3A_602 : i32 to index
        %get3A_605 = arith.constant 0 : index
        %get3A_606 = tpu.vector_load %arg8[%get3A_603, %get3A_604, %get3A_605] {strides = array<i32>} : memref<2x224x96xf32, #tpu.memory_space<vmem>>, vector<1x1x16xf32>,
        %get3A_607 = vector.shape_cast %get3A_606 : vector<1x1x16xf32> to vector<16xf32>
        %eq3A_608 = arith.constant 0.000000e+00 : f32
        %eq3A_609 = vector.broadcast %eq3A_608 : f32 to vector<16xf32>
        %eq3A_610 = arith.cmpf oeq, %get3A_607, %eq3A_609 : vector<16xf32>
        %jit3A_611 = arith.constant 1 : i32
        %jit3A_612 = arith.constant 0 : i32
        %broadcast_in_dim3A_613 = vector.broadcast %jit3A_611 : i32 to vector<16xi32>
        %broadcast_in_dim3A_614 = vector.broadcast %jit3A_612 : i32 to vector<16xi32>
        %select_n3A_615 = arith.select %eq3A_610, %broadcast_in_dim3A_613, %broadcast_in_dim3A_614 : vector<16xi1>, vector<16xi32>
        %or3A_616 = arith.ori %or3A_600, %select_n3A_615 : vector<16xi32>
        %add3A_617 = arith.constant 3 : i32
        %add3A_618 = arith.addi %mul3A_309, %add3A_617 : i32
        %get3A_619 = arith.index_cast %select_n3A_153 : i32 to index
        %get3A_620 = arith.index_cast %add3A_618 : i32 to index
        %get3A_621 = arith.constant 16 : index
        %get3A_622 = tpu.vector_load %arg8[%get3A_619, %get3A_620, %get3A_621] {strides = array<i32>} : memref<2x224x96xf32, #tpu.memory_space<vmem>>, vector<1x1x16xf32>,
        %get3A_623 = vector.shape_cast %get3A_622 : vector<1x1x16xf32> to vector<16xf32>
        %eq3A_624 = arith.constant 0.000000e+00 : f32
        %eq3A_625 = vector.broadcast %eq3A_624 : f32 to vector<16xf32>
        %eq3A_626 = arith.cmpf oeq, %get3A_623, %eq3A_625 : vector<16xf32>
        %jit3A_627 = arith.constant 1 : i32
        %jit3A_628 = arith.constant 0 : i32
        %broadcast_in_dim3A_629 = vector.broadcast %jit3A_627 : i32 to vector<16xi32>
        %broadcast_in_dim3A_630 = vector.broadcast %jit3A_628 : i32 to vector<16xi32>
        %select_n3A_631 = arith.select %eq3A_626, %broadcast_in_dim3A_629, %broadcast_in_dim3A_630 : vector<16xi1>, vector<16xi32>
        %or3A_632 = arith.ori %or3A_616, %select_n3A_631 : vector<16xi32>
        %add3A_633 = arith.constant 3 : i32
        %add3A_634 = arith.addi %mul3A_309, %add3A_633 : i32
        %get3A_635 = arith.index_cast %select_n3A_153 : i32 to index
        %get3A_636 = arith.index_cast %add3A_634 : i32 to index
        %get3A_637 = arith.constant 32 : index
        %get3A_638 = tpu.vector_load %arg8[%get3A_635, %get3A_636, %get3A_637] {strides = array<i32>} : memref<2x224x96xf32, #tpu.memory_space<vmem>>, vector<1x1x16xf32>,
        %get3A_639 = vector.shape_cast %get3A_638 : vector<1x1x16xf32> to vector<16xf32>
        %eq3A_640 = arith.constant 0.000000e+00 : f32
        %eq3A_641 = vector.broadcast %eq3A_640 : f32 to vector<16xf32>
        %eq3A_642 = arith.cmpf oeq, %get3A_639, %eq3A_641 : vector<16xf32>
        %jit3A_643 = arith.constant 1 : i32
        %jit3A_644 = arith.constant 0 : i32
        %broadcast_in_dim3A_645 = vector.broadcast %jit3A_643 : i32 to vector<16xi32>
        %broadcast_in_dim3A_646 = vector.broadcast %jit3A_644 : i32 to vector<16xi32>
        %select_n3A_647 = arith.select %eq3A_642, %broadcast_in_dim3A_645, %broadcast_in_dim3A_646 : vector<16xi1>, vector<16xi32>
        %or3A_648 = arith.ori %or3A_632, %select_n3A_647 : vector<16xi32>
        %add3A_649 = arith.constant 3 : i32
        %add3A_650 = arith.addi %mul3A_309, %add3A_649 : i32
        %get3A_651 = arith.index_cast %select_n3A_153 : i32 to index
        %get3A_652 = arith.index_cast %add3A_650 : i32 to index
        %get3A_653 = arith.constant 48 : index
        %get3A_654 = tpu.vector_load %arg8[%get3A_651, %get3A_652, %get3A_653] {strides = array<i32>} : memref<2x224x96xf32, #tpu.memory_space<vmem>>, vector<1x1x16xf32>,
        %get3A_655 = vector.shape_cast %get3A_654 : vector<1x1x16xf32> to vector<16xf32>
        %eq3A_656 = arith.constant 0.000000e+00 : f32
        %eq3A_657 = vector.broadcast %eq3A_656 : f32 to vector<16xf32>
        %eq3A_658 = arith.cmpf oeq, %get3A_655, %eq3A_657 : vector<16xf32>
        %jit3A_659 = arith.constant 1 : i32
        %jit3A_660 = arith.constant 0 : i32
        %broadcast_in_dim3A_661 = vector.broadcast %jit3A_659 : i32 to vector<16xi32>
        %broadcast_in_dim3A_662 = vector.broadcast %jit3A_660 : i32 to vector<16xi32>
        %select_n3A_663 = arith.select %eq3A_658, %broadcast_in_dim3A_661, %broadcast_in_dim3A_662 : vector<16xi1>, vector<16xi32>
        %or3A_664 = arith.ori %or3A_648, %select_n3A_663 : vector<16xi32>
        %add3A_665 = arith.constant 3 : i32
        %add3A_666 = arith.addi %mul3A_309, %add3A_665 : i32
        %get3A_667 = arith.index_cast %select_n3A_153 : i32 to index
        %get3A_668 = arith.index_cast %add3A_666 : i32 to index
        %get3A_669 = arith.constant 64 : index
        %get3A_670 = tpu.vector_load %arg8[%get3A_667, %get3A_668, %get3A_669] {strides = array<i32>} : memref<2x224x96xf32, #tpu.memory_space<vmem>>, vector<1x1x16xf32>,
        %get3A_671 = vector.shape_cast %get3A_670 : vector<1x1x16xf32> to vector<16xf32>
        %eq3A_672 = arith.constant 0.000000e+00 : f32
        %eq3A_673 = vector.broadcast %eq3A_672 : f32 to vector<16xf32>
        %eq3A_674 = arith.cmpf oeq, %get3A_671, %eq3A_673 : vector<16xf32>
        %jit3A_675 = arith.constant 1 : i32
        %jit3A_676 = arith.constant 0 : i32
        %broadcast_in_dim3A_677 = vector.broadcast %jit3A_675 : i32 to vector<16xi32>
        %broadcast_in_dim3A_678 = vector.broadcast %jit3A_676 : i32 to vector<16xi32>
        %select_n3A_679 = arith.select %eq3A_674, %broadcast_in_dim3A_677, %broadcast_in_dim3A_678 : vector<16xi1>, vector<16xi32>
        %or3A_680 = arith.ori %or3A_664, %select_n3A_679 : vector<16xi32>
        %add3A_681 = arith.constant 3 : i32
        %add3A_682 = arith.addi %mul3A_309, %add3A_681 : i32
        %get3A_683 = arith.index_cast %select_n3A_153 : i32 to index
        %get3A_684 = arith.index_cast %add3A_682 : i32 to index
        %get3A_685 = arith.constant 80 : index
        %get3A_686 = tpu.vector_load %arg8[%get3A_683, %get3A_684, %get3A_685] {strides = array<i32>} : memref<2x224x96xf32, #tpu.memory_space<vmem>>, vector<1x1x16xf32>,
        %get3A_687 = vector.shape_cast %get3A_686 : vector<1x1x16xf32> to vector<16xf32>
        %eq3A_688 = arith.constant 0.000000e+00 : f32
        %eq3A_689 = vector.broadcast %eq3A_688 : f32 to vector<16xf32>
        %eq3A_690 = arith.cmpf oeq, %get3A_687, %eq3A_689 : vector<16xf32>
        %jit3A_691 = arith.constant 1 : i32
        %jit3A_692 = arith.constant 0 : i32
        %broadcast_in_dim3A_693 = vector.broadcast %jit3A_691 : i32 to vector<16xi32>
        %broadcast_in_dim3A_694 = vector.broadcast %jit3A_692 : i32 to vector<16xi32>
        %select_n3A_695 = arith.select %eq3A_690, %broadcast_in_dim3A_693, %broadcast_in_dim3A_694 : vector<16xi1>, vector<16xi32>
        %or3A_696 = arith.ori %or3A_680, %select_n3A_695 : vector<16xi32>
        %add3A_697 = arith.constant 4 : i32
        %add3A_698 = arith.addi %mul3A_309, %add3A_697 : i32
        %get3A_699 = arith.index_cast %select_n3A_153 : i32 to index
        %get3A_700 = arith.index_cast %add3A_698 : i32 to index
        %get3A_701 = arith.constant 0 : index
        %get3A_702 = tpu.vector_load %arg8[%get3A_699, %get3A_700, %get3A_701] {strides = array<i32>} : memref<2x224x96xf32, #tpu.memory_space<vmem>>, vector<1x1x16xf32>,
        %get3A_703 = vector.shape_cast %get3A_702 : vector<1x1x16xf32> to vector<16xf32>
        %eq3A_704 = arith.constant 0.000000e+00 : f32
        %eq3A_705 = vector.broadcast %eq3A_704 : f32 to vector<16xf32>
        %eq3A_706 = arith.cmpf oeq, %get3A_703, %eq3A_705 : vector<16xf32>
        %jit3A_707 = arith.constant 1 : i32
        %jit3A_708 = arith.constant 0 : i32
        %broadcast_in_dim3A_709 = vector.broadcast %jit3A_707 : i32 to vector<16xi32>
        %broadcast_in_dim3A_710 = vector.broadcast %jit3A_708 : i32 to vector<16xi32>
        %select_n3A_711 = arith.select %eq3A_706, %broadcast_in_dim3A_709, %broadcast_in_dim3A_710 : vector<16xi1>, vector<16xi32>
        %or3A_712 = arith.ori %or3A_696, %select_n3A_711 : vector<16xi32>
        %add3A_713 = arith.constant 4 : i32
        %add3A_714 = arith.addi %mul3A_309, %add3A_713 : i32
        %get3A_715 = arith.index_cast %select_n3A_153 : i32 to index
        %get3A_716 = arith.index_cast %add3A_714 : i32 to index
        %get3A_717 = arith.constant 16 : index
        %get3A_718 = tpu.vector_load %arg8[%get3A_715, %get3A_716, %get3A_717] {strides = array<i32>} : memref<2x224x96xf32, #tpu.memory_space<vmem>>, vector<1x1x16xf32>,
        %get3A_719 = vector.shape_cast %get3A_718 : vector<1x1x16xf32> to vector<16xf32>
        %eq3A_720 = arith.constant 0.000000e+00 : f32
        %eq3A_721 = vector.broadcast %eq3A_720 : f32 to vector<16xf32>
        %eq3A_722 = arith.cmpf oeq, %get3A_719, %eq3A_721 : vector<16xf32>
        %jit3A_723 = arith.constant 1 : i32
        %jit3A_724 = arith.constant 0 : i32
        %broadcast_in_dim3A_725 = vector.broadcast %jit3A_723 : i32 to vector<16xi32>
        %broadcast_in_dim3A_726 = vector.broadcast %jit3A_724 : i32 to vector<16xi32>
        %select_n3A_727 = arith.select %eq3A_722, %broadcast_in_dim3A_725, %broadcast_in_dim3A_726 : vector<16xi1>, vector<16xi32>
        %or3A_728 = arith.ori %or3A_712, %select_n3A_727 : vector<16xi32>
        %add3A_729 = arith.constant 4 : i32
        %add3A_730 = arith.addi %mul3A_309, %add3A_729 : i32
        %get3A_731 = arith.index_cast %select_n3A_153 : i32 to index
        %get3A_732 = arith.index_cast %add3A_730 : i32 to index
        %get3A_733 = arith.constant 32 : index
        %get3A_734 = tpu.vector_load %arg8[%get3A_731, %get3A_732, %get3A_733] {strides = array<i32>} : memref<2x224x96xf32, #tpu.memory_space<vmem>>, vector<1x1x16xf32>,
        %get3A_735 = vector.shape_cast %get3A_734 : vector<1x1x16xf32> to vector<16xf32>
        %eq3A_736 = arith.constant 0.000000e+00 : f32
        %eq3A_737 = vector.broadcast %eq3A_736 : f32 to vector<16xf32>
        %eq3A_738 = arith.cmpf oeq, %get3A_735, %eq3A_737 : vector<16xf32>
        %jit3A_739 = arith.constant 1 : i32
        %jit3A_740 = arith.constant 0 : i32
        %broadcast_in_dim3A_741 = vector.broadcast %jit3A_739 : i32 to vector<16xi32>
        %broadcast_in_dim3A_742 = vector.broadcast %jit3A_740 : i32 to vector<16xi32>
        %select_n3A_743 = arith.select %eq3A_738, %broadcast_in_dim3A_741, %broadcast_in_dim3A_742 : vector<16xi1>, vector<16xi32>
        %or3A_744 = arith.ori %or3A_728, %select_n3A_743 : vector<16xi32>
        %add3A_745 = arith.constant 4 : i32
        %add3A_746 = arith.addi %mul3A_309, %add3A_745 : i32
        %get3A_747 = arith.index_cast %select_n3A_153 : i32 to index
        %get3A_748 = arith.index_cast %add3A_746 : i32 to index
        %get3A_749 = arith.constant 48 : index
        %get3A_750 = tpu.vector_load %arg8[%get3A_747, %get3A_748, %get3A_749] {strides = array<i32>} : memref<2x224x96xf32, #tpu.memory_space<vmem>>, vector<1x1x16xf32>,
        %get3A_751 = vector.shape_cast %get3A_750 : vector<1x1x16xf32> to vector<16xf32>
        %eq3A_752 = arith.constant 0.000000e+00 : f32
        %eq3A_753 = vector.broadcast %eq3A_752 : f32 to vector<16xf32>
        %eq3A_754 = arith.cmpf oeq, %get3A_751, %eq3A_753 : vector<16xf32>
        %jit3A_755 = arith.constant 1 : i32
        %jit3A_756 = arith.constant 0 : i32
        %broadcast_in_dim3A_757 = vector.broadcast %jit3A_755 : i32 to vector<16xi32>
        %broadcast_in_dim3A_758 = vector.broadcast %jit3A_756 : i32 to vector<16xi32>
        %select_n3A_759 = arith.select %eq3A_754, %broadcast_in_dim3A_757, %broadcast_in_dim3A_758 : vector<16xi1>, vector<16xi32>
        %or3A_760 = arith.ori %or3A_744, %select_n3A_759 : vector<16xi32>
        %add3A_761 = arith.constant 4 : i32
        %add3A_762 = arith.addi %mul3A_309, %add3A_761 : i32
        %get3A_763 = arith.index_cast %select_n3A_153 : i32 to index
        %get3A_764 = arith.index_cast %add3A_762 : i32 to index
        %get3A_765 = arith.constant 64 : index
        %get3A_766 = tpu.vector_load %arg8[%get3A_763, %get3A_764, %get3A_765] {strides = array<i32>} : memref<2x224x96xf32, #tpu.memory_space<vmem>>, vector<1x1x16xf32>,
        %get3A_767 = vector.shape_cast %get3A_766 : vector<1x1x16xf32> to vector<16xf32>
        %eq3A_768 = arith.constant 0.000000e+00 : f32
        %eq3A_769 = vector.broadcast %eq3A_768 : f32 to vector<16xf32>
        %eq3A_770 = arith.cmpf oeq, %get3A_767, %eq3A_769 : vector<16xf32>
        %jit3A_771 = arith.constant 1 : i32
        %jit3A_772 = arith.constant 0 : i32
        %broadcast_in_dim3A_773 = vector.broadcast %jit3A_771 : i32 to vector<16xi32>
        %broadcast_in_dim3A_774 = vector.broadcast %jit3A_772 : i32 to vector<16xi32>
        %select_n3A_775 = arith.select %eq3A_770, %broadcast_in_dim3A_773, %broadcast_in_dim3A_774 : vector<16xi1>, vector<16xi32>
        %or3A_776 = arith.ori %or3A_760, %select_n3A_775 : vector<16xi32>
        %add3A_777 = arith.constant 4 : i32
        %add3A_778 = arith.addi %mul3A_309, %add3A_777 : i32
        %get3A_779 = arith.index_cast %select_n3A_153 : i32 to index
        %get3A_780 = arith.index_cast %add3A_778 : i32 to index
        %get3A_781 = arith.constant 80 : index
        %get3A_782 = tpu.vector_load %arg8[%get3A_779, %get3A_780, %get3A_781] {strides = array<i32>} : memref<2x224x96xf32, #tpu.memory_space<vmem>>, vector<1x1x16xf32>,
        %get3A_783 = vector.shape_cast %get3A_782 : vector<1x1x16xf32> to vector<16xf32>
        %eq3A_784 = arith.constant 0.000000e+00 : f32
        %eq3A_785 = vector.broadcast %eq3A_784 : f32 to vector<16xf32>
        %eq3A_786 = arith.cmpf oeq, %get3A_783, %eq3A_785 : vector<16xf32>
        %jit3A_787 = arith.constant 1 : i32
        %jit3A_788 = arith.constant 0 : i32
        %broadcast_in_dim3A_789 = vector.broadcast %jit3A_787 : i32 to vector<16xi32>
        %broadcast_in_dim3A_790 = vector.broadcast %jit3A_788 : i32 to vector<16xi32>
        %select_n3A_791 = arith.select %eq3A_786, %broadcast_in_dim3A_789, %broadcast_in_dim3A_790 : vector<16xi1>, vector<16xi32>
        %or3A_792 = arith.ori %or3A_776, %select_n3A_791 : vector<16xi32>
        %add3A_793 = arith.constant 5 : i32
        %add3A_794 = arith.addi %mul3A_309, %add3A_793 : i32
        %get3A_795 = arith.index_cast %select_n3A_153 : i32 to index
        %get3A_796 = arith.index_cast %add3A_794 : i32 to index
        %get3A_797 = arith.constant 0 : index
        %get3A_798 = tpu.vector_load %arg8[%get3A_795, %get3A_796, %get3A_797] {strides = array<i32>} : memref<2x224x96xf32, #tpu.memory_space<vmem>>, vector<1x1x16xf32>,
        %get3A_799 = vector.shape_cast %get3A_798 : vector<1x1x16xf32> to vector<16xf32>
        %eq3A_800 = arith.constant 0.000000e+00 : f32
        %eq3A_801 = vector.broadcast %eq3A_800 : f32 to vector<16xf32>
        %eq3A_802 = arith.cmpf oeq, %get3A_799, %eq3A_801 : vector<16xf32>
        %jit3A_803 = arith.constant 1 : i32
        %jit3A_804 = arith.constant 0 : i32
        %broadcast_in_dim3A_805 = vector.broadcast %jit3A_803 : i32 to vector<16xi32>
        %broadcast_in_dim3A_806 = vector.broadcast %jit3A_804 : i32 to vector<16xi32>
        %select_n3A_807 = arith.select %eq3A_802, %broadcast_in_dim3A_805, %broadcast_in_dim3A_806 : vector<16xi1>, vector<16xi32>
        %or3A_808 = arith.ori %or3A_792, %select_n3A_807 : vector<16xi32>
        %add3A_809 = arith.constant 5 : i32
        %add3A_810 = arith.addi %mul3A_309, %add3A_809 : i32
        %get3A_811 = arith.index_cast %select_n3A_153 : i32 to index
        %get3A_812 = arith.index_cast %add3A_810 : i32 to index
        %get3A_813 = arith.constant 16 : index
        %get3A_814 = tpu.vector_load %arg8[%get3A_811, %get3A_812, %get3A_813] {strides = array<i32>} : memref<2x224x96xf32, #tpu.memory_space<vmem>>, vector<1x1x16xf32>,
        %get3A_815 = vector.shape_cast %get3A_814 : vector<1x1x16xf32> to vector<16xf32>
        %eq3A_816 = arith.constant 0.000000e+00 : f32
        %eq3A_817 = vector.broadcast %eq3A_816 : f32 to vector<16xf32>
        %eq3A_818 = arith.cmpf oeq, %get3A_815, %eq3A_817 : vector<16xf32>
        %jit3A_819 = arith.constant 1 : i32
        %jit3A_820 = arith.constant 0 : i32
        %broadcast_in_dim3A_821 = vector.broadcast %jit3A_819 : i32 to vector<16xi32>
        %broadcast_in_dim3A_822 = vector.broadcast %jit3A_820 : i32 to vector<16xi32>
        %select_n3A_823 = arith.select %eq3A_818, %broadcast_in_dim3A_821, %broadcast_in_dim3A_822 : vector<16xi1>, vector<16xi32>
        %or3A_824 = arith.ori %or3A_808, %select_n3A_823 : vector<16xi32>
        %add3A_825 = arith.constant 5 : i32
        %add3A_826 = arith.addi %mul3A_309, %add3A_825 : i32
        %get3A_827 = arith.index_cast %select_n3A_153 : i32 to index
        %get3A_828 = arith.index_cast %add3A_826 : i32 to index
        %get3A_829 = arith.constant 32 : index
        %get3A_830 = tpu.vector_load %arg8[%get3A_827, %get3A_828, %get3A_829] {strides = array<i32>} : memref<2x224x96xf32, #tpu.memory_space<vmem>>, vector<1x1x16xf32>,
        %get3A_831 = vector.shape_cast %get3A_830 : vector<1x1x16xf32> to vector<16xf32>
        %eq3A_832 = arith.constant 0.000000e+00 : f32
        %eq3A_833 = vector.broadcast %eq3A_832 : f32 to vector<16xf32>
        %eq3A_834 = arith.cmpf oeq, %get3A_831, %eq3A_833 : vector<16xf32>
        %jit3A_835 = arith.constant 1 : i32
        %jit3A_836 = arith.constant 0 : i32
        %broadcast_in_dim3A_837 = vector.broadcast %jit3A_835 : i32 to vector<16xi32>
        %broadcast_in_dim3A_838 = vector.broadcast %jit3A_836 : i32 to vector<16xi32>
        %select_n3A_839 = arith.select %eq3A_834, %broadcast_in_dim3A_837, %broadcast_in_dim3A_838 : vector<16xi1>, vector<16xi32>
        %or3A_840 = arith.ori %or3A_824, %select_n3A_839 : vector<16xi32>
        %add3A_841 = arith.constant 5 : i32
        %add3A_842 = arith.addi %mul3A_309, %add3A_841 : i32
        %get3A_843 = arith.index_cast %select_n3A_153 : i32 to index
        %get3A_844 = arith.index_cast %add3A_842 : i32 to index
        %get3A_845 = arith.constant 48 : index
        %get3A_846 = tpu.vector_load %arg8[%get3A_843, %get3A_844, %get3A_845] {strides = array<i32>} : memref<2x224x96xf32, #tpu.memory_space<vmem>>, vector<1x1x16xf32>,
        %get3A_847 = vector.shape_cast %get3A_846 : vector<1x1x16xf32> to vector<16xf32>
        %eq3A_848 = arith.constant 0.000000e+00 : f32
        %eq3A_849 = vector.broadcast %eq3A_848 : f32 to vector<16xf32>
        %eq3A_850 = arith.cmpf oeq, %get3A_847, %eq3A_849 : vector<16xf32>
        %jit3A_851 = arith.constant 1 : i32
        %jit3A_852 = arith.constant 0 : i32
        %broadcast_in_dim3A_853 = vector.broadcast %jit3A_851 : i32 to vector<16xi32>
        %broadcast_in_dim3A_854 = vector.broadcast %jit3A_852 : i32 to vector<16xi32>
        %select_n3A_855 = arith.select %eq3A_850, %broadcast_in_dim3A_853, %broadcast_in_dim3A_854 : vector<16xi1>, vector<16xi32>
        %or3A_856 = arith.ori %or3A_840, %select_n3A_855 : vector<16xi32>
        %add3A_857 = arith.constant 5 : i32
        %add3A_858 = arith.addi %mul3A_309, %add3A_857 : i32
        %get3A_859 = arith.index_cast %select_n3A_153 : i32 to index
        %get3A_860 = arith.index_cast %add3A_858 : i32 to index
        %get3A_861 = arith.constant 64 : index
        %get3A_862 = tpu.vector_load %arg8[%get3A_859, %get3A_860, %get3A_861] {strides = array<i32>} : memref<2x224x96xf32, #tpu.memory_space<vmem>>, vector<1x1x16xf32>,
        %get3A_863 = vector.shape_cast %get3A_862 : vector<1x1x16xf32> to vector<16xf32>
        %eq3A_864 = arith.constant 0.000000e+00 : f32
        %eq3A_865 = vector.broadcast %eq3A_864 : f32 to vector<16xf32>
        %eq3A_866 = arith.cmpf oeq, %get3A_863, %eq3A_865 : vector<16xf32>
        %jit3A_867 = arith.constant 1 : i32
        %jit3A_868 = arith.constant 0 : i32
        %broadcast_in_dim3A_869 = vector.broadcast %jit3A_867 : i32 to vector<16xi32>
        %broadcast_in_dim3A_870 = vector.broadcast %jit3A_868 : i32 to vector<16xi32>
        %select_n3A_871 = arith.select %eq3A_866, %broadcast_in_dim3A_869, %broadcast_in_dim3A_870 : vector<16xi1>, vector<16xi32>
        %or3A_872 = arith.ori %or3A_856, %select_n3A_871 : vector<16xi32>
        %add3A_873 = arith.constant 5 : i32
        %add3A_874 = arith.addi %mul3A_309, %add3A_873 : i32
        %get3A_875 = arith.index_cast %select_n3A_153 : i32 to index
        %get3A_876 = arith.index_cast %add3A_874 : i32 to index
        %get3A_877 = arith.constant 80 : index
        %get3A_878 = tpu.vector_load %arg8[%get3A_875, %get3A_876, %get3A_877] {strides = array<i32>} : memref<2x224x96xf32, #tpu.memory_space<vmem>>, vector<1x1x16xf32>,
        %get3A_879 = vector.shape_cast %get3A_878 : vector<1x1x16xf32> to vector<16xf32>
        %eq3A_880 = arith.constant 0.000000e+00 : f32
        %eq3A_881 = vector.broadcast %eq3A_880 : f32 to vector<16xf32>
        %eq3A_882 = arith.cmpf oeq, %get3A_879, %eq3A_881 : vector<16xf32>
        %jit3A_883 = arith.constant 1 : i32
        %jit3A_884 = arith.constant 0 : i32
        %broadcast_in_dim3A_885 = vector.broadcast %jit3A_883 : i32 to vector<16xi32>
        %broadcast_in_dim3A_886 = vector.broadcast %jit3A_884 : i32 to vector<16xi32>
        %select_n3A_887 = arith.select %eq3A_882, %broadcast_in_dim3A_885, %broadcast_in_dim3A_886 : vector<16xi1>, vector<16xi32>
        %or3A_888 = arith.ori %or3A_872, %select_n3A_887 : vector<16xi32>
        %add3A_889 = arith.constant 6 : i32
        %add3A_890 = arith.addi %mul3A_309, %add3A_889 : i32
        %get3A_891 = arith.index_cast %select_n3A_153 : i32 to index
        %get3A_892 = arith.index_cast %add3A_890 : i32 to index
        %get3A_893 = arith.constant 0 : index
        %get3A_894 = tpu.vector_load %arg8[%get3A_891, %get3A_892, %get3A_893] {strides = array<i32>} : memref<2x224x96xf32, #tpu.memory_space<vmem>>, vector<1x1x16xf32>,
        %get3A_895 = vector.shape_cast %get3A_894 : vector<1x1x16xf32> to vector<16xf32>
        %eq3A_896 = arith.constant 0.000000e+00 : f32
        %eq3A_897 = vector.broadcast %eq3A_896 : f32 to vector<16xf32>
        %eq3A_898 = arith.cmpf oeq, %get3A_895, %eq3A_897 : vector<16xf32>
        %jit3A_899 = arith.constant 1 : i32
        %jit3A_900 = arith.constant 0 : i32
        %broadcast_in_dim3A_901 = vector.broadcast %jit3A_899 : i32 to vector<16xi32>
        %broadcast_in_dim3A_902 = vector.broadcast %jit3A_900 : i32 to vector<16xi32>
        %select_n3A_903 = arith.select %eq3A_898, %broadcast_in_dim3A_901, %broadcast_in_dim3A_902 : vector<16xi1>, vector<16xi32>
        %or3A_904 = arith.ori %or3A_888, %select_n3A_903 : vector<16xi32>
        %add3A_905 = arith.constant 6 : i32
        %add3A_906 = arith.addi %mul3A_309, %add3A_905 : i32
        %get3A_907 = arith.index_cast %select_n3A_153 : i32 to index
        %get3A_908 = arith.index_cast %add3A_906 : i32 to index
        %get3A_909 = arith.constant 16 : index
        %get3A_910 = tpu.vector_load %arg8[%get3A_907, %get3A_908, %get3A_909] {strides = array<i32>} : memref<2x224x96xf32, #tpu.memory_space<vmem>>, vector<1x1x16xf32>,
        %get3A_911 = vector.shape_cast %get3A_910 : vector<1x1x16xf32> to vector<16xf32>
        %eq3A_912 = arith.constant 0.000000e+00 : f32
        %eq3A_913 = vector.broadcast %eq3A_912 : f32 to vector<16xf32>
        %eq3A_914 = arith.cmpf oeq, %get3A_911, %eq3A_913 : vector<16xf32>
        %jit3A_915 = arith.constant 1 : i32
        %jit3A_916 = arith.constant 0 : i32
        %broadcast_in_dim3A_917 = vector.broadcast %jit3A_915 : i32 to vector<16xi32>
        %broadcast_in_dim3A_918 = vector.broadcast %jit3A_916 : i32 to vector<16xi32>
        %select_n3A_919 = arith.select %eq3A_914, %broadcast_in_dim3A_917, %broadcast_in_dim3A_918 : vector<16xi1>, vector<16xi32>
        %or3A_920 = arith.ori %or3A_904, %select_n3A_919 : vector<16xi32>
        %add3A_921 = arith.constant 6 : i32
        %add3A_922 = arith.addi %mul3A_309, %add3A_921 : i32
        %get3A_923 = arith.index_cast %select_n3A_153 : i32 to index
        %get3A_924 = arith.index_cast %add3A_922 : i32 to index
        %get3A_925 = arith.constant 32 : index
        %get3A_926 = tpu.vector_load %arg8[%get3A_923, %get3A_924, %get3A_925] {strides = array<i32>} : memref<2x224x96xf32, #tpu.memory_space<vmem>>, vector<1x1x16xf32>,
        %get3A_927 = vector.shape_cast %get3A_926 : vector<1x1x16xf32> to vector<16xf32>
        %eq3A_928 = arith.constant 0.000000e+00 : f32
        %eq3A_929 = vector.broadcast %eq3A_928 : f32 to vector<16xf32>
        %eq3A_930 = arith.cmpf oeq, %get3A_927, %eq3A_929 : vector<16xf32>
        %jit3A_931 = arith.constant 1 : i32
        %jit3A_932 = arith.constant 0 : i32
        %broadcast_in_dim3A_933 = vector.broadcast %jit3A_931 : i32 to vector<16xi32>
        %broadcast_in_dim3A_934 = vector.broadcast %jit3A_932 : i32 to vector<16xi32>
        %select_n3A_935 = arith.select %eq3A_930, %broadcast_in_dim3A_933, %broadcast_in_dim3A_934 : vector<16xi1>, vector<16xi32>
        %or3A_936 = arith.ori %or3A_920, %select_n3A_935 : vector<16xi32>
        %add3A_937 = arith.constant 6 : i32
        %add3A_938 = arith.addi %mul3A_309, %add3A_937 : i32
        %get3A_939 = arith.index_cast %select_n3A_153 : i32 to index
        %get3A_940 = arith.index_cast %add3A_938 : i32 to index
        %get3A_941 = arith.constant 48 : index
        %get3A_942 = tpu.vector_load %arg8[%get3A_939, %get3A_940, %get3A_941] {strides = array<i32>} : memref<2x224x96xf32, #tpu.memory_space<vmem>>, vector<1x1x16xf32>,
        %get3A_943 = vector.shape_cast %get3A_942 : vector<1x1x16xf32> to vector<16xf32>
        %eq3A_944 = arith.constant 0.000000e+00 : f32
        %eq3A_945 = vector.broadcast %eq3A_944 : f32 to vector<16xf32>
        %eq3A_946 = arith.cmpf oeq, %get3A_943, %eq3A_945 : vector<16xf32>
        %jit3A_947 = arith.constant 1 : i32
        %jit3A_948 = arith.constant 0 : i32
        %broadcast_in_dim3A_949 = vector.broadcast %jit3A_947 : i32 to vector<16xi32>
        %broadcast_in_dim3A_950 = vector.broadcast %jit3A_948 : i32 to vector<16xi32>
        %select_n3A_951 = arith.select %eq3A_946, %broadcast_in_dim3A_949, %broadcast_in_dim3A_950 : vector<16xi1>, vector<16xi32>
        %or3A_952 = arith.ori %or3A_936, %select_n3A_951 : vector<16xi32>
        %add3A_953 = arith.constant 6 : i32
        %add3A_954 = arith.addi %mul3A_309, %add3A_953 : i32
        %get3A_955 = arith.index_cast %select_n3A_153 : i32 to index
        %get3A_956 = arith.index_cast %add3A_954 : i32 to index
        %get3A_957 = arith.constant 64 : index
        %get3A_958 = tpu.vector_load %arg8[%get3A_955, %get3A_956, %get3A_957] {strides = array<i32>} : memref<2x224x96xf32, #tpu.memory_space<vmem>>, vector<1x1x16xf32>,
        %get3A_959 = vector.shape_cast %get3A_958 : vector<1x1x16xf32> to vector<16xf32>
        %eq3A_960 = arith.constant 0.000000e+00 : f32
        %eq3A_961 = vector.broadcast %eq3A_960 : f32 to vector<16xf32>
        %eq3A_962 = arith.cmpf oeq, %get3A_959, %eq3A_961 : vector<16xf32>
        %jit3A_963 = arith.constant 1 : i32
        %jit3A_964 = arith.constant 0 : i32
        %broadcast_in_dim3A_965 = vector.broadcast %jit3A_963 : i32 to vector<16xi32>
        %broadcast_in_dim3A_966 = vector.broadcast %jit3A_964 : i32 to vector<16xi32>
        %select_n3A_967 = arith.select %eq3A_962, %broadcast_in_dim3A_965, %broadcast_in_dim3A_966 : vector<16xi1>, vector<16xi32>
        %or3A_968 = arith.ori %or3A_952, %select_n3A_967 : vector<16xi32>
        %add3A_969 = arith.constant 6 : i32
        %add3A_970 = arith.addi %mul3A_309, %add3A_969 : i32
        %get3A_971 = arith.index_cast %select_n3A_153 : i32 to index
        %get3A_972 = arith.index_cast %add3A_970 : i32 to index
        %get3A_973 = arith.constant 80 : index
        %get3A_974 = tpu.vector_load %arg8[%get3A_971, %get3A_972, %get3A_973] {strides = array<i32>} : memref<2x224x96xf32, #tpu.memory_space<vmem>>, vector<1x1x16xf32>,
        %get3A_975 = vector.shape_cast %get3A_974 : vector<1x1x16xf32> to vector<16xf32>
        %eq3A_976 = arith.constant 0.000000e+00 : f32
        %eq3A_977 = vector.broadcast %eq3A_976 : f32 to vector<16xf32>
        %eq3A_978 = arith.cmpf oeq, %get3A_975, %eq3A_977 : vector<16xf32>
        %jit3A_979 = arith.constant 1 : i32
        %jit3A_980 = arith.constant 0 : i32
        %broadcast_in_dim3A_981 = vector.broadcast %jit3A_979 : i32 to vector<16xi32>
        %broadcast_in_dim3A_982 = vector.broadcast %jit3A_980 : i32 to vector<16xi32>
        %select_n3A_983 = arith.select %eq3A_978, %broadcast_in_dim3A_981, %broadcast_in_dim3A_982 : vector<16xi1>, vector<16xi32>
        %or3A_984 = arith.ori %or3A_968, %select_n3A_983 : vector<16xi32>
        %add3A_985 = arith.constant 7 : i32
        %add3A_986 = arith.addi %mul3A_309, %add3A_985 : i32
        %get3A_987 = arith.index_cast %select_n3A_153 : i32 to index
        %get3A_988 = arith.index_cast %add3A_986 : i32 to index
        %get3A_989 = arith.constant 0 : index
        %get3A_990 = tpu.vector_load %arg8[%get3A_987, %get3A_988, %get3A_989] {strides = array<i32>} : memref<2x224x96xf32, #tpu.memory_space<vmem>>, vector<1x1x16xf32>,
        %get3A_991 = vector.shape_cast %get3A_990 : vector<1x1x16xf32> to vector<16xf32>
        %eq3A_992 = arith.constant 0.000000e+00 : f32
        %eq3A_993 = vector.broadcast %eq3A_992 : f32 to vector<16xf32>
        %eq3A_994 = arith.cmpf oeq, %get3A_991, %eq3A_993 : vector<16xf32>
        %jit3A_995 = arith.constant 1 : i32
        %jit3A_996 = arith.constant 0 : i32
        %broadcast_in_dim3A_997 = vector.broadcast %jit3A_995 : i32 to vector<16xi32>
        %broadcast_in_dim3A_998 = vector.broadcast %jit3A_996 : i32 to vector<16xi32>
        %select_n3A_999 = arith.select %eq3A_994, %broadcast_in_dim3A_997, %broadcast_in_dim3A_998 : vector<16xi1>, vector<16xi32>
        %or3A_1000 = arith.ori %or3A_984, %select_n3A_999 : vector<16xi32>
        %add3A_1001 = arith.constant 7 : i32
        %add3A_1002 = arith.addi %mul3A_309, %add3A_1001 : i32
        %get3A_1003 = arith.index_cast %select_n3A_153 : i32 to index
        %get3A_1004 = arith.index_cast %add3A_1002 : i32 to index
        %get3A_1005 = arith.constant 16 : index
        %get3A_1006 = tpu.vector_load %arg8[%get3A_1003, %get3A_1004, %get3A_1005] {strides = array<i32>} : memref<2x224x96xf32, #tpu.memory_space<vmem>>, vector<1x1x16xf32>,
        %get3A_1007 = vector.shape_cast %get3A_1006 : vector<1x1x16xf32> to vector<16xf32>
        %eq3A_1008 = arith.constant 0.000000e+00 : f32
        %eq3A_1009 = vector.broadcast %eq3A_1008 : f32 to vector<16xf32>
        %eq3A_1010 = arith.cmpf oeq, %get3A_1007, %eq3A_1009 : vector<16xf32>
        %jit3A_1011 = arith.constant 1 : i32
        %jit3A_1012 = arith.constant 0 : i32
        %broadcast_in_dim3A_1013 = vector.broadcast %jit3A_1011 : i32 to vector<16xi32>
        %broadcast_in_dim3A_1014 = vector.broadcast %jit3A_1012 : i32 to vector<16xi32>
        %select_n3A_1015 = arith.select %eq3A_1010, %broadcast_in_dim3A_1013, %broadcast_in_dim3A_1014 : vector<16xi1>, vector<16xi32>
        %or3A_1016 = arith.ori %or3A_1000, %select_n3A_1015 : vector<16xi32>
        %add3A_1017 = arith.constant 7 : i32
        %add3A_1018 = arith.addi %mul3A_309, %add3A_1017 : i32
        %get3A_1019 = arith.index_cast %select_n3A_153 : i32 to index
        %get3A_1020 = arith.index_cast %add3A_1018 : i32 to index
        %get3A_1021 = arith.constant 32 : index
        %get3A_1022 = tpu.vector_load %arg8[%get3A_1019, %get3A_1020, %get3A_1021] {strides = array<i32>} : memref<2x224x96xf32, #tpu.memory_space<vmem>>, vector<1x1x16xf32>,
        %get3A_1023 = vector.shape_cast %get3A_1022 : vector<1x1x16xf32> to vector<16xf32>
        %eq3A_1024 = arith.constant 0.000000e+00 : f32
        %eq3A_1025 = vector.broadcast %eq3A_1024 : f32 to vector<16xf32>
        %eq3A_1026 = arith.cmpf oeq, %get3A_1023, %eq3A_1025 : vector<16xf32>
        %jit3A_1027 = arith.constant 1 : i32
        %jit3A_1028 = arith.constant 0 : i32
        %broadcast_in_dim3A_1029 = vector.broadcast %jit3A_1027 : i32 to vector<16xi32>
        %broadcast_in_dim3A_1030 = vector.broadcast %jit3A_1028 : i32 to vector<16xi32>
        %select_n3A_1031 = arith.select %eq3A_1026, %broadcast_in_dim3A_1029, %broadcast_in_dim3A_1030 : vector<16xi1>, vector<16xi32>
        %or3A_1032 = arith.ori %or3A_1016, %select_n3A_1031 : vector<16xi32>
        %add3A_1033 = arith.constant 7 : i32
        %add3A_1034 = arith.addi %mul3A_309, %add3A_1033 : i32
        %get3A_1035 = arith.index_cast %select_n3A_153 : i32 to index
        %get3A_1036 = arith.index_cast %add3A_1034 : i32 to index
        %get3A_1037 = arith.constant 48 : index
        %get3A_1038 = tpu.vector_load %arg8[%get3A_1035, %get3A_1036, %get3A_1037] {strides = array<i32>} : memref<2x224x96xf32, #tpu.memory_space<vmem>>, vector<1x1x16xf32>,
        %get3A_1039 = vector.shape_cast %get3A_1038 : vector<1x1x16xf32> to vector<16xf32>
        %eq3A_1040 = arith.constant 0.000000e+00 : f32
        %eq3A_1041 = vector.broadcast %eq3A_1040 : f32 to vector<16xf32>
        %eq3A_1042 = arith.cmpf oeq, %get3A_1039, %eq3A_1041 : vector<16xf32>
        %jit3A_1043 = arith.constant 1 : i32
        %jit3A_1044 = arith.constant 0 : i32
        %broadcast_in_dim3A_1045 = vector.broadcast %jit3A_1043 : i32 to vector<16xi32>
        %broadcast_in_dim3A_1046 = vector.broadcast %jit3A_1044 : i32 to vector<16xi32>
        %select_n3A_1047 = arith.select %eq3A_1042, %broadcast_in_dim3A_1045, %broadcast_in_dim3A_1046 : vector<16xi1>, vector<16xi32>
        %or3A_1048 = arith.ori %or3A_1032, %select_n3A_1047 : vector<16xi32>
        %add3A_1049 = arith.constant 7 : i32
        %add3A_1050 = arith.addi %mul3A_309, %add3A_1049 : i32
        %get3A_1051 = arith.index_cast %select_n3A_153 : i32 to index
        %get3A_1052 = arith.index_cast %add3A_1050 : i32 to index
        %get3A_1053 = arith.constant 64 : index
        %get3A_1054 = tpu.vector_load %arg8[%get3A_1051, %get3A_1052, %get3A_1053] {strides = array<i32>} : memref<2x224x96xf32, #tpu.memory_space<vmem>>, vector<1x1x16xf32>,
        %get3A_1055 = vector.shape_cast %get3A_1054 : vector<1x1x16xf32> to vector<16xf32>
        %eq3A_1056 = arith.constant 0.000000e+00 : f32
        %eq3A_1057 = vector.broadcast %eq3A_1056 : f32 to vector<16xf32>
        %eq3A_1058 = arith.cmpf oeq, %get3A_1055, %eq3A_1057 : vector<16xf32>
        %jit3A_1059 = arith.constant 1 : i32
        %jit3A_1060 = arith.constant 0 : i32
        %broadcast_in_dim3A_1061 = vector.broadcast %jit3A_1059 : i32 to vector<16xi32>
        %broadcast_in_dim3A_1062 = vector.broadcast %jit3A_1060 : i32 to vector<16xi32>
        %select_n3A_1063 = arith.select %eq3A_1058, %broadcast_in_dim3A_1061, %broadcast_in_dim3A_1062 : vector<16xi1>, vector<16xi32>
        %or3A_1064 = arith.ori %or3A_1048, %select_n3A_1063 : vector<16xi32>
        %add3A_1065 = arith.constant 7 : i32
        %add3A_1066 = arith.addi %mul3A_309, %add3A_1065 : i32
        %get3A_1067 = arith.index_cast %select_n3A_153 : i32 to index
        %get3A_1068 = arith.index_cast %add3A_1066 : i32 to index
        %get3A_1069 = arith.constant 80 : index
        %get3A_1070 = tpu.vector_load %arg8[%get3A_1067, %get3A_1068, %get3A_1069] {strides = array<i32>} : memref<2x224x96xf32, #tpu.memory_space<vmem>>, vector<1x1x16xf32>,
        %get3A_1071 = vector.shape_cast %get3A_1070 : vector<1x1x16xf32> to vector<16xf32>
        %eq3A_1072 = arith.constant 0.000000e+00 : f32
        %eq3A_1073 = vector.broadcast %eq3A_1072 : f32 to vector<16xf32>
        %eq3A_1074 = arith.cmpf oeq, %get3A_1071, %eq3A_1073 : vector<16xf32>
        %jit3A_1075 = arith.constant 1 : i32
        %jit3A_1076 = arith.constant 0 : i32
        %broadcast_in_dim3A_1077 = vector.broadcast %jit3A_1075 : i32 to vector<16xi32>
        %broadcast_in_dim3A_1078 = vector.broadcast %jit3A_1076 : i32 to vector<16xi32>
        %select_n3A_1079 = arith.select %eq3A_1074, %broadcast_in_dim3A_1077, %broadcast_in_dim3A_1078 : vector<16xi1>, vector<16xi32>
        %or3A_1080 = arith.ori %or3A_1064, %select_n3A_1079 : vector<16xi32>
        %swap3A_1081 = arith.constant 0 : index
        %swap3A_1082 = tpu.vector_load %arg11[%swap3A_1081] {strides = array<i32>} : memref<16xi32, #tpu.memory_space<vmem>>, vector<16xi32>,
        %swap3A_1083 = vector.shape_cast %swap3A_1082 : vector<16xi32> to vector<16xi32>
        %swap3A_1084 = vector.shape_cast %or3A_1080 : vector<16xi32> to vector<16xi32>
        tpu.vector_store %arg11[%swap3A_1081], %swap3A_1084 {strides = array<i32>} : memref<16xi32, #tpu.memory_space<vmem>>, vector<16xi32>,
        %scan3A_1085 = arith.constant 0 : i32
        scf.yield %scan3A_1085 : i32
      }
      %scan3A_244 = arith.constant 28 : i32
      %get3A = arith.constant 0 : index
      %get3A_245 = tpu.vector_load %arg11[%get3A] {strides = array<i32>} : memref<16xi32, #tpu.memory_space<vmem>>, vector<16xi32>,
      %get3A_246 = vector.shape_cast %get3A_245 : vector<16xi32> to vector<16xi32>
      %slice3A = vector.extract_strided_slice %get3A_246 {offsets = [0], sizes = [1], strides = [1]} : vector<16xi32> to vector<1xi32>
      %squeeze3A = vector.extract %slice3A[0] : i32 from vector<1xi32>
      %slice3A_247 = vector.extract_strided_slice %get3A_246 {offsets = [1], sizes = [1], strides = [1]} : vector<16xi32> to vector<1xi32>
      %squeeze3A_248 = vector.extract %slice3A_247[0] : i32 from vector<1xi32>
      %or3A = arith.ori %squeeze3A, %squeeze3A_248 : i32
      %slice3A_249 = vector.extract_strided_slice %get3A_246 {offsets = [2], sizes = [1], strides = [1]} : vector<16xi32> to vector<1xi32>
      %squeeze3A_250 = vector.extract %slice3A_249[0] : i32 from vector<1xi32>
      %or3A_251 = arith.ori %or3A, %squeeze3A_250 : i32
      %slice3A_252 = vector.extract_strided_slice %get3A_246 {offsets = [3], sizes = [1], strides = [1]} : vector<16xi32> to vector<1xi32>
      %squeeze3A_253 = vector.extract %slice3A_252[0] : i32 from vector<1xi32>
      %or3A_254 = arith.ori %or3A_251, %squeeze3A_253 : i32
      %slice3A_255 = vector.extract_strided_slice %get3A_246 {offsets = [4], sizes = [1], strides = [1]} : vector<16xi32> to vector<1xi32>
      %squeeze3A_256 = vector.extract %slice3A_255[0] : i32 from vector<1xi32>
      %or3A_257 = arith.ori %or3A_254, %squeeze3A_256 : i32
      %slice3A_258 = vector.extract_strided_slice %get3A_246 {offsets = [5], sizes = [1], strides = [1]} : vector<16xi32> to vector<1xi32>
      %squeeze3A_259 = vector.extract %slice3A_258[0] : i32 from vector<1xi32>
      %or3A_260 = arith.ori %or3A_257, %squeeze3A_259 : i32
      %slice3A_261 = vector.extract_strided_slice %get3A_246 {offsets = [6], sizes = [1], strides = [1]} : vector<16xi32> to vector<1xi32>
      %squeeze3A_262 = vector.extract %slice3A_261[0] : i32 from vector<1xi32>
      %or3A_263 = arith.ori %or3A_260, %squeeze3A_262 : i32
      %slice3A_264 = vector.extract_strided_slice %get3A_246 {offsets = [7], sizes = [1], strides = [1]} : vector<16xi32> to vector<1xi32>
      %squeeze3A_265 = vector.extract %slice3A_264[0] : i32 from vector<1xi32>
      %or3A_266 = arith.ori %or3A_263, %squeeze3A_265 : i32
      %slice3A_267 = vector.extract_strided_slice %get3A_246 {offsets = [8], sizes = [1], strides = [1]} : vector<16xi32> to vector<1xi32>
      %squeeze3A_268 = vector.extract %slice3A_267[0] : i32 from vector<1xi32>
      %or3A_269 = arith.ori %or3A_266, %squeeze3A_268 : i32
      %slice3A_270 = vector.extract_strided_slice %get3A_246 {offsets = [9], sizes = [1], strides = [1]} : vector<16xi32> to vector<1xi32>
      %squeeze3A_271 = vector.extract %slice3A_270[0] : i32 from vector<1xi32>
      %or3A_272 = arith.ori %or3A_269, %squeeze3A_271 : i32
      %slice3A_273 = vector.extract_strided_slice %get3A_246 {offsets = [10], sizes = [1], strides = [1]} : vector<16xi32> to vector<1xi32>
      %squeeze3A_274 = vector.extract %slice3A_273[0] : i32 from vector<1xi32>
      %or3A_275 = arith.ori %or3A_272, %squeeze3A_274 : i32
      %slice3A_276 = vector.extract_strided_slice %get3A_246 {offsets = [11], sizes = [1], strides = [1]} : vector<16xi32> to vector<1xi32>
      %squeeze3A_277 = vector.extract %slice3A_276[0] : i32 from vector<1xi32>
      %or3A_278 = arith.ori %or3A_275, %squeeze3A_277 : i32
      %slice3A_279 = vector.extract_strided_slice %get3A_246 {offsets = [12], sizes = [1], strides = [1]} : vector<16xi32> to vector<1xi32>
      %squeeze3A_280 = vector.extract %slice3A_279[0] : i32 from vector<1xi32>
      %or3A_281 = arith.ori %or3A_278, %squeeze3A_280 : i32
      %slice3A_282 = vector.extract_strided_slice %get3A_246 {offsets = [13], sizes = [1], strides = [1]} : vector<16xi32> to vector<1xi32>
      %squeeze3A_283 = vector.extract %slice3A_282[0] : i32 from vector<1xi32>
      %or3A_284 = arith.ori %or3A_281, %squeeze3A_283 : i32
      %slice3A_285 = vector.extract_strided_slice %get3A_246 {offsets = [14], sizes = [1], strides = [1]} : vector<16xi32> to vector<1xi32>
      %squeeze3A_286 = vector.extract %slice3A_285[0] : i32 from vector<1xi32>
      %or3A_287 = arith.ori %or3A_284, %squeeze3A_286 : i32
      %slice3A_288 = vector.extract_strided_slice %get3A_246 {offsets = [15], sizes = [1], strides = [1]} : vector<16xi32> to vector<1xi32>
      %squeeze3A_289 = vector.extract %slice3A_288[0] : i32 from vector<1xi32>
      %or3A_290 = arith.ori %or3A_287, %squeeze3A_289 : i32
      %eq3A_291 = arith.constant 0 : i32
      %eq3A_292 = arith.cmpi eq, %or3A_290, %eq3A_291 : i32
      %convert_element_type3A_293 = arith.extui %eq3A_292 : i1 to i32
      %cond3A_294 = arith.constant 0 : i32
      %cond3A_295 = arith.cmpi ne, %convert_element_type3A_293, %cond3A_294 : i32
      scf.if %cond3A_295 {
        %mul3A_306 = arith.constant 2 : i32
        %mul3A_307 = arith.muli %scan3A_136, %mul3A_306 : i32
        %add3A_308 = arith.constant 0 : i32
        %add3A_309 = arith.addi %mul3A_307, %add3A_308 : i32
        %dma_start3A_310 = arith.constant 0 : i32
        %dma_start3A_311 = tpu.memref_slice %arg7[%add3A_309, %dma_start3A_310] : memref<56x112xi32, #tpu.memory_space<vmem>> -> memref<1x112xi32, #tpu.memory_space<vmem>>
        %dma_start3A_312 = tpu.memref_squeeze %dma_start3A_311 : memref<1x112xi32, #tpu.memory_space<vmem>> -> memref<112xi32, #tpu.memory_space<vmem>>
        %dma_start3A_313 = arith.constant 0 : i32
        %dma_start3A_314 = arith.constant 0 : i32
        %dma_start3A_315 = tpu.memref_slice %arg13[%dma_start3A_313, %dma_start3A_314] : memref<512x96xf32, #tpu.memory_space<vmem_shared>> -> memref<512x96xf32, #tpu.memory_space<vmem_shared>>
        tpu.enqueue_indirect_dma source(%arg10 : memref<112x96xf32, #tpu.memory_space<vmem>>) target(%dma_start3A_315 : memref<512x96xf32, #tpu.memory_space<vmem_shared>>) offsets(%dma_start3A_312 : memref<112xi32, #tpu.memory_space<vmem>>) semaphore(%arg16 : memref<!tpu.dma_semaphore, #tpu.memory_space<semaphore_mem>>) {add = true}
        %mul3A_316 = arith.constant 2 : i32
        %mul3A_317 = arith.muli %scan3A_136, %mul3A_316 : i32
        %add3A_318 = arith.constant 1 : i32
        %add3A_319 = arith.addi %mul3A_317, %add3A_318 : i32
        %dma_start3A_320 = arith.constant 0 : i32
        %dma_start3A_321 = tpu.memref_slice %arg7[%add3A_319, %dma_start3A_320] : memref<56x112xi32, #tpu.memory_space<vmem>> -> memref<1x112xi32, #tpu.memory_space<vmem>>
        %dma_start3A_322 = tpu.memref_squeeze %dma_start3A_321 : memref<1x112xi32, #tpu.memory_space<vmem>> -> memref<112xi32, #tpu.memory_space<vmem>>
        %dma_start3A_323 = arith.constant 0 : i32
        %dma_start3A_324 = arith.constant 0 : i32
        %dma_start3A_325 = tpu.memref_slice %arg13[%dma_start3A_323, %dma_start3A_324] : memref<512x96xf32, #tpu.memory_space<vmem_shared>> -> memref<512x96xf32, #tpu.memory_space<vmem_shared>>
        tpu.enqueue_indirect_dma source(%arg10 : memref<112x96xf32, #tpu.memory_space<vmem>>) target(%dma_start3A_325 : memref<512x96xf32, #tpu.memory_space<vmem_shared>>) offsets(%dma_start3A_322 : memref<112xi32, #tpu.memory_space<vmem>>) semaphore(%arg16 : memref<!tpu.dma_semaphore, #tpu.memory_space<semaphore_mem>>) {add = true}
      } else {
      }
      %gt3A = arith.constant 0 : i32
      %gt3A_296 = arith.cmpi sgt, %or3A_290, %gt3A : i32
      %convert_element_type3A_297 = arith.extui %gt3A_296 : i1 to i32
      %cond3A_298 = arith.constant 0 : i32
      %cond3A_299 = arith.cmpi ne, %convert_element_type3A_297, %cond3A_298 : i32
      scf.if %cond3A_299 {
        %scan3A_306 = arith.constant 0 : i32
        %scan3A_307 = arith.constant 0 : i32
        %scan3A_308 = arith.constant 224 : i32
        %scan3A_309 = arith.addi %scan3A_307, %scan3A_308 : i32
        %scan3A_310 = arith.constant 1 : i32
        %scan3A_311 = scf.for %scan3A_321 = %scan3A_307 to %scan3A_309 step %scan3A_310 iter_args(%scan3A_322 = %scan3A_306) -> (i32)  : i32 {
          %get3A_323 = arith.index_cast %select_n3A_153 : i32 to index
          %get3A_324 = arith.index_cast %scan3A_321 : i32 to index
          %get3A_325 = arith.constant 0 : index
          %get3A_326 = tpu.vector_load %arg8[%get3A_323, %get3A_324, %get3A_325] {strides = array<i32>} : memref<2x224x96xf32, #tpu.memory_space<vmem>>, vector<1x1x16xf32>,
          %get3A_327 = vector.shape_cast %get3A_326 : vector<1x1x16xf32> to vector<16xf32>
          %ne3A_328 = arith.constant 0.000000e+00 : f32
          %ne3A_329 = vector.broadcast %ne3A_328 : f32 to vector<16xf32>
          %ne3A_330 = arith.cmpf one, %get3A_327, %ne3A_329 : vector<16xf32>
          %jit3A_331 = arith.constant 1.000000e+00 : f32
          %jit3A_332 = arith.constant 0.000000e+00 : f32
          %broadcast_in_dim3A_333 = vector.broadcast %jit3A_331 : f32 to vector<16xf32>
          %broadcast_in_dim3A_334 = vector.broadcast %jit3A_332 : f32 to vector<16xf32>
          %select_n3A_335 = arith.select %ne3A_330, %broadcast_in_dim3A_333, %broadcast_in_dim3A_334 : vector<16xi1>, vector<16xf32>
          %swap3A_336 = arith.index_cast %scan3A_321 : i32 to index
          %swap3A_337 = arith.constant 0 : index
          %swap3A_338 = tpu.vector_load %arg9[%swap3A_336, %swap3A_337] {strides = array<i32>} : memref<224x96xf32, #tpu.memory_space<vmem>>, vector<1x16xf32>,
          %swap3A_339 = vector.shape_cast %swap3A_338 : vector<1x16xf32> to vector<16xf32>
          %swap3A_340 = vector.shape_cast %select_n3A_335 : vector<16xf32> to vector<1x16xf32>
          tpu.vector_store %arg9[%swap3A_336, %swap3A_337], %swap3A_340 {strides = array<i32>} : memref<224x96xf32, #tpu.memory_space<vmem>>, vector<1x16xf32>,
          %get3A_341 = arith.index_cast %select_n3A_153 : i32 to index
          %get3A_342 = arith.index_cast %scan3A_321 : i32 to index
          %get3A_343 = arith.constant 16 : index
          %get3A_344 = tpu.vector_load %arg8[%get3A_341, %get3A_342, %get3A_343] {strides = array<i32>} : memref<2x224x96xf32, #tpu.memory_space<vmem>>, vector<1x1x16xf32>,
          %get3A_345 = vector.shape_cast %get3A_344 : vector<1x1x16xf32> to vector<16xf32>
          %ne3A_346 = arith.constant 0.000000e+00 : f32
          %ne3A_347 = vector.broadcast %ne3A_346 : f32 to vector<16xf32>
          %ne3A_348 = arith.cmpf one, %get3A_345, %ne3A_347 : vector<16xf32>
          %jit3A_349 = arith.constant 1.000000e+00 : f32
          %jit3A_350 = arith.constant 0.000000e+00 : f32
          %broadcast_in_dim3A_351 = vector.broadcast %jit3A_349 : f32 to vector<16xf32>
          %broadcast_in_dim3A_352 = vector.broadcast %jit3A_350 : f32 to vector<16xf32>
          %select_n3A_353 = arith.select %ne3A_348, %broadcast_in_dim3A_351, %broadcast_in_dim3A_352 : vector<16xi1>, vector<16xf32>
          %swap3A_354 = arith.index_cast %scan3A_321 : i32 to index
          %swap3A_355 = arith.constant 16 : index
          %swap3A_356 = tpu.vector_load %arg9[%swap3A_354, %swap3A_355] {strides = array<i32>} : memref<224x96xf32, #tpu.memory_space<vmem>>, vector<1x16xf32>,
          %swap3A_357 = vector.shape_cast %swap3A_356 : vector<1x16xf32> to vector<16xf32>
          %swap3A_358 = vector.shape_cast %select_n3A_353 : vector<16xf32> to vector<1x16xf32>
          tpu.vector_store %arg9[%swap3A_354, %swap3A_355], %swap3A_358 {strides = array<i32>} : memref<224x96xf32, #tpu.memory_space<vmem>>, vector<1x16xf32>,
          %get3A_359 = arith.index_cast %select_n3A_153 : i32 to index
          %get3A_360 = arith.index_cast %scan3A_321 : i32 to index
          %get3A_361 = arith.constant 32 : index
          %get3A_362 = tpu.vector_load %arg8[%get3A_359, %get3A_360, %get3A_361] {strides = array<i32>} : memref<2x224x96xf32, #tpu.memory_space<vmem>>, vector<1x1x16xf32>,
          %get3A_363 = vector.shape_cast %get3A_362 : vector<1x1x16xf32> to vector<16xf32>
          %ne3A_364 = arith.constant 0.000000e+00 : f32
          %ne3A_365 = vector.broadcast %ne3A_364 : f32 to vector<16xf32>
          %ne3A_366 = arith.cmpf one, %get3A_363, %ne3A_365 : vector<16xf32>
          %jit3A_367 = arith.constant 1.000000e+00 : f32
          %jit3A_368 = arith.constant 0.000000e+00 : f32
          %broadcast_in_dim3A_369 = vector.broadcast %jit3A_367 : f32 to vector<16xf32>
          %broadcast_in_dim3A_370 = vector.broadcast %jit3A_368 : f32 to vector<16xf32>
          %select_n3A_371 = arith.select %ne3A_366, %broadcast_in_dim3A_369, %broadcast_in_dim3A_370 : vector<16xi1>, vector<16xf32>
          %swap3A_372 = arith.index_cast %scan3A_321 : i32 to index
          %swap3A_373 = arith.constant 32 : index
          %swap3A_374 = tpu.vector_load %arg9[%swap3A_372, %swap3A_373] {strides = array<i32>} : memref<224x96xf32, #tpu.memory_space<vmem>>, vector<1x16xf32>,
          %swap3A_375 = vector.shape_cast %swap3A_374 : vector<1x16xf32> to vector<16xf32>
          %swap3A_376 = vector.shape_cast %select_n3A_371 : vector<16xf32> to vector<1x16xf32>
          tpu.vector_store %arg9[%swap3A_372, %swap3A_373], %swap3A_376 {strides = array<i32>} : memref<224x96xf32, #tpu.memory_space<vmem>>, vector<1x16xf32>,
          %get3A_377 = arith.index_cast %select_n3A_153 : i32 to index
          %get3A_378 = arith.index_cast %scan3A_321 : i32 to index
          %get3A_379 = arith.constant 48 : index
          %get3A_380 = tpu.vector_load %arg8[%get3A_377, %get3A_378, %get3A_379] {strides = array<i32>} : memref<2x224x96xf32, #tpu.memory_space<vmem>>, vector<1x1x16xf32>,
          %get3A_381 = vector.shape_cast %get3A_380 : vector<1x1x16xf32> to vector<16xf32>
          %ne3A_382 = arith.constant 0.000000e+00 : f32
          %ne3A_383 = vector.broadcast %ne3A_382 : f32 to vector<16xf32>
          %ne3A_384 = arith.cmpf one, %get3A_381, %ne3A_383 : vector<16xf32>
          %jit3A_385 = arith.constant 1.000000e+00 : f32
          %jit3A_386 = arith.constant 0.000000e+00 : f32
          %broadcast_in_dim3A_387 = vector.broadcast %jit3A_385 : f32 to vector<16xf32>
          %broadcast_in_dim3A_388 = vector.broadcast %jit3A_386 : f32 to vector<16xf32>
          %select_n3A_389 = arith.select %ne3A_384, %broadcast_in_dim3A_387, %broadcast_in_dim3A_388 : vector<16xi1>, vector<16xf32>
          %swap3A_390 = arith.index_cast %scan3A_321 : i32 to index
          %swap3A_391 = arith.constant 48 : index
          %swap3A_392 = tpu.vector_load %arg9[%swap3A_390, %swap3A_391] {strides = array<i32>} : memref<224x96xf32, #tpu.memory_space<vmem>>, vector<1x16xf32>,
          %swap3A_393 = vector.shape_cast %swap3A_392 : vector<1x16xf32> to vector<16xf32>
          %swap3A_394 = vector.shape_cast %select_n3A_389 : vector<16xf32> to vector<1x16xf32>
          tpu.vector_store %arg9[%swap3A_390, %swap3A_391], %swap3A_394 {strides = array<i32>} : memref<224x96xf32, #tpu.memory_space<vmem>>, vector<1x16xf32>,
          %get3A_395 = arith.index_cast %select_n3A_153 : i32 to index
          %get3A_396 = arith.index_cast %scan3A_321 : i32 to index
          %get3A_397 = arith.constant 64 : index
          %get3A_398 = tpu.vector_load %arg8[%get3A_395, %get3A_396, %get3A_397] {strides = array<i32>} : memref<2x224x96xf32, #tpu.memory_space<vmem>>, vector<1x1x16xf32>,
          %get3A_399 = vector.shape_cast %get3A_398 : vector<1x1x16xf32> to vector<16xf32>
          %ne3A_400 = arith.constant 0.000000e+00 : f32
          %ne3A_401 = vector.broadcast %ne3A_400 : f32 to vector<16xf32>
          %ne3A_402 = arith.cmpf one, %get3A_399, %ne3A_401 : vector<16xf32>
          %jit3A_403 = arith.constant 1.000000e+00 : f32
          %jit3A_404 = arith.constant 0.000000e+00 : f32
          %broadcast_in_dim3A_405 = vector.broadcast %jit3A_403 : f32 to vector<16xf32>
          %broadcast_in_dim3A_406 = vector.broadcast %jit3A_404 : f32 to vector<16xf32>
          %select_n3A_407 = arith.select %ne3A_402, %broadcast_in_dim3A_405, %broadcast_in_dim3A_406 : vector<16xi1>, vector<16xf32>
          %swap3A_408 = arith.index_cast %scan3A_321 : i32 to index
          %swap3A_409 = arith.constant 64 : index
          %swap3A_410 = tpu.vector_load %arg9[%swap3A_408, %swap3A_409] {strides = array<i32>} : memref<224x96xf32, #tpu.memory_space<vmem>>, vector<1x16xf32>,
          %swap3A_411 = vector.shape_cast %swap3A_410 : vector<1x16xf32> to vector<16xf32>
          %swap3A_412 = vector.shape_cast %select_n3A_407 : vector<16xf32> to vector<1x16xf32>
          tpu.vector_store %arg9[%swap3A_408, %swap3A_409], %swap3A_412 {strides = array<i32>} : memref<224x96xf32, #tpu.memory_space<vmem>>, vector<1x16xf32>,
          %get3A_413 = arith.index_cast %select_n3A_153 : i32 to index
          %get3A_414 = arith.index_cast %scan3A_321 : i32 to index
          %get3A_415 = arith.constant 80 : index
          %get3A_416 = tpu.vector_load %arg8[%get3A_413, %get3A_414, %get3A_415] {strides = array<i32>} : memref<2x224x96xf32, #tpu.memory_space<vmem>>, vector<1x1x16xf32>,
          %get3A_417 = vector.shape_cast %get3A_416 : vector<1x1x16xf32> to vector<16xf32>
          %ne3A_418 = arith.constant 0.000000e+00 : f32
          %ne3A_419 = vector.broadcast %ne3A_418 : f32 to vector<16xf32>
          %ne3A_420 = arith.cmpf one, %get3A_417, %ne3A_419 : vector<16xf32>
          %jit3A_421 = arith.constant 1.000000e+00 : f32
          %jit3A_422 = arith.constant 0.000000e+00 : f32
          %broadcast_in_dim3A_423 = vector.broadcast %jit3A_421 : f32 to vector<16xf32>
          %broadcast_in_dim3A_424 = vector.broadcast %jit3A_422 : f32 to vector<16xf32>
          %select_n3A_425 = arith.select %ne3A_420, %broadcast_in_dim3A_423, %broadcast_in_dim3A_424 : vector<16xi1>, vector<16xf32>
          %swap3A_426 = arith.index_cast %scan3A_321 : i32 to index
          %swap3A_427 = arith.constant 80 : index
          %swap3A_428 = tpu.vector_load %arg9[%swap3A_426, %swap3A_427] {strides = array<i32>} : memref<224x96xf32, #tpu.memory_space<vmem>>, vector<1x16xf32>,
          %swap3A_429 = vector.shape_cast %swap3A_428 : vector<1x16xf32> to vector<16xf32>
          %swap3A_430 = vector.shape_cast %select_n3A_425 : vector<16xf32> to vector<1x16xf32>
          tpu.vector_store %arg9[%swap3A_426, %swap3A_427], %swap3A_430 {strides = array<i32>} : memref<224x96xf32, #tpu.memory_space<vmem>>, vector<1x16xf32>,
          %scan3A_431 = arith.constant 0 : i32
          scf.yield %scan3A_431 : i32
        }
        %scan3A_312 = arith.constant 224 : i32
        %mul3A_313 = arith.constant 2 : i32
        %mul3A_314 = arith.muli %scan3A_136, %mul3A_313 : i32
        %add3A_315 = arith.constant 0 : i32
        %add3A_316 = arith.addi %mul3A_314, %add3A_315 : i32
        "tpu.region"() ({
          %run_scoped3A = tpu.sem_alloc : memref<!tpu.dma_semaphore, #tpu.memory_space<semaphore_mem>>
          %dma_start3A_321 = arith.constant 0 : i32
          %dma_start3A_322 = arith.constant 0 : i32
          %dma_start3A_323 = tpu.memref_slice %arg9[%dma_start3A_321, %dma_start3A_322] : memref<224x96xf32, #tpu.memory_space<vmem>> -> memref<112x96xf32, #tpu.memory_space<vmem>>
          %dma_start3A_324 = arith.constant 0 : i32
          %dma_start3A_325 = tpu.memref_slice %arg7[%add3A_316, %dma_start3A_324] : memref<56x112xi32, #tpu.memory_space<vmem>> -> memref<1x112xi32, #tpu.memory_space<vmem>>
          %dma_start3A_326 = tpu.memref_squeeze %dma_start3A_325 : memref<1x112xi32, #tpu.memory_space<vmem>> -> memref<112xi32, #tpu.memory_space<vmem>>
          %dma_start3A_327 = arith.constant 0 : i32
          %dma_start3A_328 = arith.constant 0 : i32
          %dma_start3A_329 = tpu.memref_slice %arg13[%dma_start3A_327, %dma_start3A_328] : memref<512x96xf32, #tpu.memory_space<vmem_shared>> -> memref<512x96xf32, #tpu.memory_space<vmem_shared>>
          tpu.enqueue_indirect_dma source(%dma_start3A_323 : memref<112x96xf32, #tpu.memory_space<vmem>>) target(%dma_start3A_329 : memref<512x96xf32, #tpu.memory_space<vmem_shared>>) offsets(%dma_start3A_326 : memref<112xi32, #tpu.memory_space<vmem>>) semaphore(%run_scoped3A : memref<!tpu.dma_semaphore, #tpu.memory_space<semaphore_mem>>) {add = true}
          %dma_wait3A_330 = arith.constant 0 : i32
          %dma_wait3A_331 = arith.constant 0 : i32
          %dma_wait3A_332 = tpu.memref_slice %arg9[%dma_wait3A_330, %dma_wait3A_331] : memref<224x96xf32, #tpu.memory_space<vmem>> -> memref<112x96xf32, #tpu.memory_space<vmem>>
          %dma_wait3A_333 = arith.constant 0 : i32
          %dma_wait3A_334 = tpu.memref_slice %arg7[%add3A_316, %dma_wait3A_333] : memref<56x112xi32, #tpu.memory_space<vmem>> -> memref<1x112xi32, #tpu.memory_space<vmem>>
          %dma_wait3A_335 = tpu.memref_squeeze %dma_wait3A_334 : memref<1x112xi32, #tpu.memory_space<vmem>> -> memref<112xi32, #tpu.memory_space<vmem>>
          %dma_wait3A_336 = arith.constant 0 : i32
          %dma_wait3A_337 = arith.constant 0 : i32
          %dma_wait3A_338 = tpu.memref_slice %arg13[%dma_wait3A_336, %dma_wait3A_337] : memref<512x96xf32, #tpu.memory_space<vmem_shared>> -> memref<512x96xf32, #tpu.memory_space<vmem_shared>>
          tpu.wait_indirect_dma semaphore(%run_scoped3A : memref<!tpu.dma_semaphore, #tpu.memory_space<semaphore_mem>>) src(%dma_wait3A_332 : memref<112x96xf32, #tpu.memory_space<vmem>>) dst(%dma_wait3A_338 : memref<512x96xf32, #tpu.memory_space<vmem_shared>>)
          tpu.yield
        }) : () -> ()
        %mul3A_317 = arith.constant 2 : i32
        %mul3A_318 = arith.muli %scan3A_136, %mul3A_317 : i32
        %add3A_319 = arith.constant 1 : i32
        %add3A_320 = arith.addi %mul3A_318, %add3A_319 : i32
        "tpu.region"() ({
          %run_scoped3A = tpu.sem_alloc : memref<!tpu.dma_semaphore, #tpu.memory_space<semaphore_mem>>
          %dma_start3A_321 = arith.constant 112 : i32
          %dma_start3A_322 = arith.constant 0 : i32
          %dma_start3A_323 = tpu.memref_slice %arg9[%dma_start3A_321, %dma_start3A_322] : memref<224x96xf32, #tpu.memory_space<vmem>> -> memref<112x96xf32, #tpu.memory_space<vmem>>
          %dma_start3A_324 = arith.constant 0 : i32
          %dma_start3A_325 = tpu.memref_slice %arg7[%add3A_320, %dma_start3A_324] : memref<56x112xi32, #tpu.memory_space<vmem>> -> memref<1x112xi32, #tpu.memory_space<vmem>>
          %dma_start3A_326 = tpu.memref_squeeze %dma_start3A_325 : memref<1x112xi32, #tpu.memory_space<vmem>> -> memref<112xi32, #tpu.memory_space<vmem>>
          %dma_start3A_327 = arith.constant 0 : i32
          %dma_start3A_328 = arith.constant 0 : i32
          %dma_start3A_329 = tpu.memref_slice %arg13[%dma_start3A_327, %dma_start3A_328] : memref<512x96xf32, #tpu.memory_space<vmem_shared>> -> memref<512x96xf32, #tpu.memory_space<vmem_shared>>
          tpu.enqueue_indirect_dma source(%dma_start3A_323 : memref<112x96xf32, #tpu.memory_space<vmem>>) target(%dma_start3A_329 : memref<512x96xf32, #tpu.memory_space<vmem_shared>>) offsets(%dma_start3A_326 : memref<112xi32, #tpu.memory_space<vmem>>) semaphore(%run_scoped3A : memref<!tpu.dma_semaphore, #tpu.memory_space<semaphore_mem>>) {add = true}
          %dma_wait3A_330 = arith.constant 112 : i32
          %dma_wait3A_331 = arith.constant 0 : i32
          %dma_wait3A_332 = tpu.memref_slice %arg9[%dma_wait3A_330, %dma_wait3A_331] : memref<224x96xf32, #tpu.memory_space<vmem>> -> memref<112x96xf32, #tpu.memory_space<vmem>>
          %dma_wait3A_333 = arith.constant 0 : i32
          %dma_wait3A_334 = tpu.memref_slice %arg7[%add3A_320, %dma_wait3A_333] : memref<56x112xi32, #tpu.memory_space<vmem>> -> memref<1x112xi32, #tpu.memory_space<vmem>>
          %dma_wait3A_335 = tpu.memref_squeeze %dma_wait3A_334 : memref<1x112xi32, #tpu.memory_space<vmem>> -> memref<112xi32, #tpu.memory_space<vmem>>
          %dma_wait3A_336 = arith.constant 0 : i32
          %dma_wait3A_337 = arith.constant 0 : i32
          %dma_wait3A_338 = tpu.memref_slice %arg13[%dma_wait3A_336, %dma_wait3A_337] : memref<512x96xf32, #tpu.memory_space<vmem_shared>> -> memref<512x96xf32, #tpu.memory_space<vmem_shared>>
          tpu.wait_indirect_dma semaphore(%run_scoped3A : memref<!tpu.dma_semaphore, #tpu.memory_space<semaphore_mem>>) src(%dma_wait3A_332 : memref<112x96xf32, #tpu.memory_space<vmem>>) dst(%dma_wait3A_338 : memref<512x96xf32, #tpu.memory_space<vmem_shared>>)
          tpu.yield
        }) : () -> ()
      } else {
      }
      %eq3A_300 = arith.constant 0 : i32
      %eq3A_301 = arith.cmpi eq, %or3A_290, %eq3A_300 : i32
      %jit3A_302 = arith.constant 2 : i32
      %jit3A_303 = arith.constant 0 : i32
      %select_n3A_304 = arith.select %eq3A_301, %jit3A_302, %jit3A_303 : i32
      %add3A_305 = arith.addi %scan3A_137, %select_n3A_304 : i32
      scf.yield %add3A_305 : i32
    }
    %scan3A_87 = arith.constant 28 : i32
    %dma_wait3A = arith.constant 1 : i32
    %dma_wait3A_88 = arith.constant 54 : i32
    %dma_wait3A_89 = arith.constant 1 : i32
    %dma_wait3A_90 = arith.constant 0 : i32
    %dma_wait3A_91 = arith.constant 0 : i32
    %dma_wait3A_92 = arith.constant 0 : i32
    %dma_wait3A_93 = tpu.memref_slice %arg8[%dma_wait3A, %dma_wait3A_91, %dma_wait3A_92] : memref<2x224x96xf32, #tpu.memory_space<vmem>> -> memref<1x112x96xf32, #tpu.memory_space<vmem>>
    %dma_wait3A_94 = tpu.memref_squeeze %dma_wait3A_93 : memref<1x112x96xf32, #tpu.memory_space<vmem>> -> memref<112x96xf32, #tpu.memory_space<vmem>>
    %dma_wait3A_95 = arith.constant 0 : i32
    %dma_wait3A_96 = tpu.memref_slice %arg7[%dma_wait3A_88, %dma_wait3A_95] : memref<56x112xi32, #tpu.memory_space<vmem>> -> memref<1x112xi32, #tpu.memory_space<vmem>>
    %dma_wait3A_97 = tpu.memref_squeeze %dma_wait3A_96 : memref<1x112xi32, #tpu.memory_space<vmem>> -> memref<112xi32, #tpu.memory_space<vmem>>
    %dma_wait3A_98 = arith.constant 0 : i32
    %dma_wait3A_99 = arith.constant 0 : i32
    %dma_wait3A_100 = tpu.memref_slice %arg12[%dma_wait3A_98, %dma_wait3A_99] : memref<512x96xf32, #tpu.memory_space<vmem_shared>> -> memref<512x96xf32, #tpu.memory_space<vmem_shared>>
    %dma_wait3A_101 = tpu.memref_slice %arg15[%dma_wait3A_89, %dma_wait3A_90] : memref<2x2x!tpu.dma_semaphore, #tpu.memory_space<semaphore_mem>> -> memref<1x1x!tpu.dma_semaphore, #tpu.memory_space<semaphore_mem>>
    %dma_wait3A_102 = tpu.memref_squeeze %dma_wait3A_101 : memref<1x1x!tpu.dma_semaphore, #tpu.memory_space<semaphore_mem>> -> memref<!tpu.dma_semaphore, #tpu.memory_space<semaphore_mem>>
    tpu.wait_indirect_dma semaphore(%dma_wait3A_102 : memref<!tpu.dma_semaphore, #tpu.memory_space<semaphore_mem>>) src(%dma_wait3A_94 : memref<112x96xf32, #tpu.memory_space<vmem>>) dst(%dma_wait3A_100 : memref<512x96xf32, #tpu.memory_space<vmem_shared>>)
    %dma_wait3A_103 = arith.constant 1 : i32
    %dma_wait3A_104 = arith.constant 55 : i32
    %dma_wait3A_105 = arith.constant 1 : i32
    %dma_wait3A_106 = arith.constant 1 : i32
    %dma_wait3A_107 = arith.constant 112 : i32
    %dma_wait3A_108 = arith.constant 0 : i32
    %dma_wait3A_109 = tpu.memref_slice %arg8[%dma_wait3A_103, %dma_wait3A_107, %dma_wait3A_108] : memref<2x224x96xf32, #tpu.memory_space<vmem>> -> memref<1x112x96xf32, #tpu.memory_space<vmem>>
    %dma_wait3A_110 = tpu.memref_squeeze %dma_wait3A_109 : memref<1x112x96xf32, #tpu.memory_space<vmem>> -> memref<112x96xf32, #tpu.memory_space<vmem>>
    %dma_wait3A_111 = arith.constant 0 : i32
    %dma_wait3A_112 = tpu.memref_slice %arg7[%dma_wait3A_104, %dma_wait3A_111] : memref<56x112xi32, #tpu.memory_space<vmem>> -> memref<1x112xi32, #tpu.memory_space<vmem>>
    %dma_wait3A_113 = tpu.memref_squeeze %dma_wait3A_112 : memref<1x112xi32, #tpu.memory_space<vmem>> -> memref<112xi32, #tpu.memory_space<vmem>>
    %dma_wait3A_114 = arith.constant 0 : i32
    %dma_wait3A_115 = arith.constant 0 : i32
    %dma_wait3A_116 = tpu.memref_slice %arg12[%dma_wait3A_114, %dma_wait3A_115] : memref<512x96xf32, #tpu.memory_space<vmem_shared>> -> memref<512x96xf32, #tpu.memory_space<vmem_shared>>
    %dma_wait3A_117 = tpu.memref_slice %arg15[%dma_wait3A_105, %dma_wait3A_106] : memref<2x2x!tpu.dma_semaphore, #tpu.memory_space<semaphore_mem>> -> memref<1x1x!tpu.dma_semaphore, #tpu.memory_space<semaphore_mem>>
    %dma_wait3A_118 = tpu.memref_squeeze %dma_wait3A_117 : memref<1x1x!tpu.dma_semaphore, #tpu.memory_space<semaphore_mem>> -> memref<!tpu.dma_semaphore, #tpu.memory_space<semaphore_mem>>
    tpu.wait_indirect_dma semaphore(%dma_wait3A_118 : memref<!tpu.dma_semaphore, #tpu.memory_space<semaphore_mem>>) src(%dma_wait3A_110 : memref<112x96xf32, #tpu.memory_space<vmem>>) dst(%dma_wait3A_116 : memref<512x96xf32, #tpu.memory_space<vmem_shared>>)
    %while3A = arith.constant 0 : i32
    %while3A_119 = arith.constant 0 : i32
    %while3A_120 = arith.subi %scan3A_86, %while3A : i32
    %while3A_121 = arith.addi %while3A, %while3A_120 : i32
    %while3A_122 = arith.constant 1 : i32
    %while3A_123 = arith.divsi %while3A_120, %while3A_122 : i32
    %while3A_124 = arith.muli %while3A_123, %while3A_122 : i32
    %while3A_125 = arith.addi %while3A, %while3A_124 : i32
    %while3A_126 = arith.constant 1 : i32
    %while3A_127 = scf.for %while3A_136 = %while3A to %while3A_125 step %while3A_126 iter_args(%while3A_137 = %while3A_119) -> (i32)  : i32 {
      %dma_wait3A_138 = arith.constant 0 : i32
      %dma_wait3A_139 = arith.constant 0 : i32
      %dma_wait3A_140 = tpu.memref_slice %arg7[%dma_wait3A_138, %dma_wait3A_139] : memref<56x112xi32, #tpu.memory_space<vmem>> -> memref<1x112xi32, #tpu.memory_space<vmem>>
      %dma_wait3A_141 = tpu.memref_squeeze %dma_wait3A_140 : memref<1x112xi32, #tpu.memory_space<vmem>> -> memref<112xi32, #tpu.memory_space<vmem>>
      %dma_wait3A_142 = arith.constant 0 : i32
      %dma_wait3A_143 = arith.constant 0 : i32
      %dma_wait3A_144 = tpu.memref_slice %arg13[%dma_wait3A_142, %dma_wait3A_143] : memref<512x96xf32, #tpu.memory_space<vmem_shared>> -> memref<512x96xf32, #tpu.memory_space<vmem_shared>>
      tpu.wait_indirect_dma semaphore(%arg16 : memref<!tpu.dma_semaphore, #tpu.memory_space<semaphore_mem>>) src(%arg10 : memref<112x96xf32, #tpu.memory_space<vmem>>) dst(%dma_wait3A_144 : memref<512x96xf32, #tpu.memory_space<vmem_shared>>)
      %while3A_145 = arith.constant 0 : i32
      scf.yield %while3A_145 : i32
    }
    %while3A_128 = arith.constant 1 : i32
    %while3A_129 = scf.for %while3A_136 = %while3A_125 to %while3A_121 step %while3A_128 iter_args(%while3A_137 = %while3A_127) -> (i32)  : i32 {
      %dma_wait3A_138 = arith.constant 0 : i32
      %dma_wait3A_139 = arith.constant 0 : i32
      %dma_wait3A_140 = tpu.memref_slice %arg7[%dma_wait3A_138, %dma_wait3A_139] : memref<56x112xi32, #tpu.memory_space<vmem>> -> memref<1x112xi32, #tpu.memory_space<vmem>>
      %dma_wait3A_141 = tpu.memref_squeeze %dma_wait3A_140 : memref<1x112xi32, #tpu.memory_space<vmem>> -> memref<112xi32, #tpu.memory_space<vmem>>
      %dma_wait3A_142 = arith.constant 0 : i32
      %dma_wait3A_143 = arith.constant 0 : i32
      %dma_wait3A_144 = tpu.memref_slice %arg13[%dma_wait3A_142, %dma_wait3A_143] : memref<512x96xf32, #tpu.memory_space<vmem_shared>> -> memref<512x96xf32, #tpu.memory_space<vmem_shared>>
      tpu.wait_indirect_dma semaphore(%arg16 : memref<!tpu.dma_semaphore, #tpu.memory_space<semaphore_mem>>) src(%arg10 : memref<112x96xf32, #tpu.memory_space<vmem>>) dst(%dma_wait3A_144 : memref<512x96xf32, #tpu.memory_space<vmem_shared>>)
      %while3A_145 = arith.constant 0 : i32
      scf.yield %while3A_145 : i32
    }
    %barrier3A_130 = arith.constant 0 : index
    tpu.barrier barrier_id(%barrier3A_130)
    %eq3A_131 = arith.constant 0 : i32
    %eq3A_132 = arith.cmpi eq, %arg1, %eq3A_131 : i32
    %convert_element_type3A_133 = arith.extui %eq3A_132 : i1 to i32
    %cond3A_134 = arith.constant 0 : i32
    %cond3A_135 = arith.cmpi ne, %convert_element_type3A_133, %cond3A_134 : i32
    scf.if %cond3A_135 {
      "tpu.region"() ({
        %run_scoped3A = tpu.sem_alloc : memref<!tpu.dma_semaphore, #tpu.memory_space<semaphore_mem>>
        %dma_start3A_136 = arith.constant 0 : i32
        %dma_start3A_137 = arith.constant 0 : i32
        %dma_start3A_138 = tpu.memref_slice %arg4[%arg0, %dma_start3A_136, %dma_start3A_137] : memref<2x512x96xf32, #tpu.memory_space<hbm>> -> memref<1x512x96xf32, #tpu.memory_space<hbm>>
        %dma_start3A_139 = tpu.memref_squeeze %dma_start3A_138 : memref<1x512x96xf32, #tpu.memory_space<hbm>> -> memref<512x96xf32, #tpu.memory_space<hbm>>
        tpu.enqueue_dma source(%arg12 : memref<512x96xf32, #tpu.memory_space<vmem_shared>>) target(%dma_start3A_139 : memref<512x96xf32, #tpu.memory_space<hbm>>) target_semaphore(%run_scoped3A : memref<!tpu.dma_semaphore, #tpu.memory_space<semaphore_mem>>)
        %dma_wait3A_140 = arith.constant 0 : i32
        %dma_wait3A_141 = arith.constant 0 : i32
        %dma_wait3A_142 = tpu.memref_slice %arg4[%arg0, %dma_wait3A_140, %dma_wait3A_141] : memref<2x512x96xf32, #tpu.memory_space<hbm>> -> memref<1x512x96xf32, #tpu.memory_space<hbm>>
        %dma_wait3A_143 = tpu.memref_squeeze %dma_wait3A_142 : memref<1x512x96xf32, #tpu.memory_space<hbm>> -> memref<512x96xf32, #tpu.memory_space<hbm>>
        tpu.wait_dma2 semaphore(%run_scoped3A : memref<!tpu.dma_semaphore, #tpu.memory_space<semaphore_mem>>) src(%arg12 : memref<512x96xf32, #tpu.memory_space<vmem_shared>>) dst(%dma_wait3A_143 : memref<512x96xf32, #tpu.memory_space<hbm>>)
        tpu.yield
      }) : () -> ()
      "tpu.region"() ({
        %run_scoped3A = tpu.sem_alloc : memref<!tpu.dma_semaphore, #tpu.memory_space<semaphore_mem>>
        %dma_start3A_136 = arith.constant 0 : i32
        %dma_start3A_137 = arith.constant 0 : i32
        %dma_start3A_138 = tpu.memref_slice %arg5[%arg0, %dma_start3A_136, %dma_start3A_137] : memref<2x512x96xf32, #tpu.memory_space<hbm>> -> memref<1x512x96xf32, #tpu.memory_space<hbm>>
        %dma_start3A_139 = tpu.memref_squeeze %dma_start3A_138 : memref<1x512x96xf32, #tpu.memory_space<hbm>> -> memref<512x96xf32, #tpu.memory_space<hbm>>
        tpu.enqueue_dma source(%arg13 : memref<512x96xf32, #tpu.memory_space<vmem_shared>>) target(%dma_start3A_139 : memref<512x96xf32, #tpu.memory_space<hbm>>) target_semaphore(%run_scoped3A : memref<!tpu.dma_semaphore, #tpu.memory_space<semaphore_mem>>)
        %dma_wait3A_140 = arith.constant 0 : i32
        %dma_wait3A_141 = arith.constant 0 : i32
        %dma_wait3A_142 = tpu.memref_slice %arg5[%arg0, %dma_wait3A_140, %dma_wait3A_141] : memref<2x512x96xf32, #tpu.memory_space<hbm>> -> memref<1x512x96xf32, #tpu.memory_space<hbm>>
        %dma_wait3A_143 = tpu.memref_squeeze %dma_wait3A_142 : memref<1x512x96xf32, #tpu.memory_space<hbm>> -> memref<512x96xf32, #tpu.memory_space<hbm>>
        tpu.wait_dma2 semaphore(%run_scoped3A : memref<!tpu.dma_semaphore, #tpu.memory_space<semaphore_mem>>) src(%arg13 : memref<512x96xf32, #tpu.memory_space<vmem_shared>>) dst(%dma_wait3A_143 : memref<512x96xf32, #tpu.memory_space<hbm>>)
        tpu.yield
      }) : () -> ()
    } else {
    }
    return
  }
}

</mosaic_0001>

<sc_bundles>
// kernel: _sc_call.3.cloned.1.call-start
scs
__scs_entry_jumppad:
0x0: {  	(pc) =	sbr.rel $0x88, $3  }
0x1: {  	(tag) =	ssettag $0x0;
	lr =	simm.s32 $0x1  }
0x2: {  	[smem:$0x3F9F] =	sst lr;
	_ =	strace $0xD0000000  }
0x3: {  	_ = 	snop  }
0x4: {  	_ = 	snop  }
0x5: {  	_ = 	snop  }
0x6: {  	_ = 	snop  }
0x7: {  	_ = 	snop  }
__scs_overlays_trampoline_lowered:
0x8: {  	[smem:$0x3FAE] =	sst s0  }
0x9: {  	[smem:$0x3FAF] =	sst s1  }
0xa: {  	[smem:$0x3FB0] =	sst s2  }
0xb: {  	[smem:$0x3FB1] =	sst s3  }
0xc: {  	[smem:$0x3FB2] =	sst s4  }
0xd: {  	[smem:$0x3FB3] =	sst s5  }
0xe: {  	[smem:$0x3FB4] =	sst s6  }
0xf: {  	[smem:$0x3FB5] =	sst s7  }
0x10: {  	[smem:$0x3FB6] =	sst s8  }
0x11: {  	[smem:$0x3FB7] =	sst s9;
	s0 =	simm.s32 @!p0 $0x0  }
0x12: {  	s1 =	sld [smem:$0x3F9D];
	s0 =	simm.s32 @p0 $0x1  }
0x13: {  	[smem:$0x3FB8] =	sst s0;
	s0 =	simm.s32 @!p1 $0x0  }
0x14: {  	s2 =	sld [smem:$0x3F9C];
	s0 =	simm.s32 @p1 $0x1  }
0x15: {  	[smem:$0x3FB9] =	sst s0;
	s0 =	simm.s32 @!p2 $0x0  }
0x16: {  	s3 =	sld [smem:$0x3FDB];
	s0 =	simm.s32 @p2 $0x1  }
0x17: {  	s4 =	simm.s32 $0x1BF5;
	[smem:$0x3FBB] =	sst s0  }
0x18: {  	s0 =	sld [smem:$0x3F9E];
	_ =	swait.ge [sflag:s4], $0x0  }
0x19: {  	s7 =	sld [smem:$0x3F9F]  }
0x1a: {  	s8 =	sadd.s32 $0xFFFFE003, lr  }
0x1b: {  	s9 =	sadd.s32 $0xFFFFFEF7, lr;
	s5 =	simm.s32 $0xFFFFFFFF;
	p2 =	slt.u32 s8, $0xFFFFF086  }
0x1c: {  	p1 =	slt.u32 s9, $0xF7A;
	s5 =	simm.s32 @!p2 $0x0  }
0x1d: {  	s5 =	simm.s32 @p1 $0x1;
	p0 =	seq.s32 s7, s2  }
0x1e: {  	s7 =	smul.u32 @!p0 $0xF7A, s2;
	p2 =	seq.s32 @!p0 s5, $0x0  }
0x1f: {  	s9 =	smul.u32 $0xF7A, s1;
	s8 =	simm.s32 @!p0 $0x1BF5;
	p2 =	por !p2, p0  }
0x20: {  	[sflag:s8] =	ssyncset.s32 @!p0 $0xFFFFF086;
	s6 =	sadd.s32 @!p0 s3, s7;
	s7 =	simm.s32 @!p0 $0x108  }
0x21: {  	s3 =	sadd.s32 s3, s9;
	s6 =	sadd.s32 @!p0 $0x88, s6;
	s7 =	simm.s32 @p2 $0x1082  }
0x22: {  	[simem:s7], [sflag:s8] =	dma.local @!p0 [hbm:s6], $0xF7A  }
0x23: {  	s9 =	sor.u32 $0xD0000000, s2;
	s6 =	simm.s32 $0x108;
	_ =	swait.ge @!p0 [sflag:s8], $0x0  }
0x24: {  	s3 =	sadd.s32 $0x88, s3;
	s6 =	simm.s32 @!p1 $0x1082;
	[sflag:s4] =	ssyncset.s32 $0xFFFFF086  }
0x25: {  	[simem:s6], [sflag:s4] =	dma.local [hbm:s3], $0xF7A  }
0x26: {  	[smem:$0x3F9F] =	sst s1;
	(tag) =	ssettag s2;
	_ =	strace s9  }
0x27: {  	s1 =	sld [smem:$0x3FAF]  }
0x28: {  	s2 =	sld [smem:$0x3FB0]  }
0x29: {  	s4 =	sld [smem:$0x3FB2]  }
0x2a: {  	p0 =	seq.s32 s5, $0x0;
	s5 =	sld [smem:$0x3FB3]  }
0x2b: {  	s6 =	sld [smem:$0x3FB4]  }
0x2c: {  	s7 =	sld [smem:$0x3FB5]  }
0x2d: {  	s3 =	simm.s32 $0x108;
	s8 =	sld [smem:$0x3FB6]  }
0x2e: {  	s3 =	simm.s32 @!p0 $0x1082;
	s9 =	sld [smem:$0x3FB7]  }
0x2f: {  	lr =	sadd.s32 s0, s3;
	s0 =	sld [smem:$0x3FAE]  }
0x30: {  	s3 =	sld [smem:$0x3FB1]  }
0x31: {  	[smem:$0x3FBA] =	sst s10  }
0x32: {  	s10 =	sld [smem:$0x3FB8];
	_ =	sdelay $0x3  }
0x33: {  	p0 =	seq.s32 s10, $0x1;
	s10 =	sld [smem:$0x3FBA];
	_ =	sdelay $0x3  }
0x34: {  	[smem:$0x3FBA] =	sst s10  }
0x35: {  	s10 =	sld [smem:$0x3FB9];
	_ =	sdelay $0x3  }
0x36: {  	p1 =	seq.s32 s10, $0x1;
	s10 =	sld [smem:$0x3FBA];
	_ =	sdelay $0x3  }
0x37: {  	[smem:$0x3FBA] =	sst s10  }
0x38: {  	s10 =	sld [smem:$0x3FBB]  }
0x39: {  	_ = 	snop;
	(pc) =	sbr.ind lr, $3  }
0x3a: {  	_ = 	snop  }
0x3b: {  	_ = 	snop  }
0x3c: {  	p2 =	seq.s32 s10, $0x1;
	s10 =	sld [smem:$0x3FBA]  }
0x3d: {  	_ =	shalt  }
0x3e: {  	_ =	shalt  }
0x3f: {  	_ =	shalt  }
0x40: {  	_ =	shalt  }
0x41: {  	_ =	shalt  }
0x42: {  	_ =	shalt  }
0x43: {  	_ =	shalt  }
0x44: {  	_ =	shalt  }
0x45: {  	_ =	shalt  }
0x46: {  	_ =	shalt  }
0x47: {  	_ =	shalt  }
0x48: {  	_ =	shalt  }
0x49: {  	_ =	shalt  }
0x4a: {  	_ =	shalt  }
0x4b: {  	_ =	shalt  }
0x4c: {  	_ =	shalt  }
0x4d: {  	_ =	shalt  }
0x4e: {  	_ =	shalt  }
0x4f: {  	_ =	shalt  }
0x50: {  	_ =	shalt  }
0x51: {  	_ =	shalt  }
0x52: {  	_ =	shalt  }
0x53: {  	_ =	shalt  }
0x54: {  	_ =	shalt  }
0x55: {  	_ =	shalt  }
0x56: {  	_ =	shalt  }
0x57: {  	_ =	shalt  }
0x58: {  	_ =	shalt  }
0x59: {  	_ =	shalt  }
0x5a: {  	_ =	shalt  }
0x5b: {  	_ =	shalt  }
0x5c: {  	_ =	shalt  }
0x5d: {  	_ =	shalt  }
0x5e: {  	_ =	shalt  }
0x5f: {  	_ =	shalt  }
0x60: {  	_ =	shalt  }
0x61: {  	_ =	shalt  }
0x62: {  	_ =	shalt  }
0x63: {  	_ =	shalt  }
0x64: {  	_ =	shalt  }
0x65: {  	_ =	shalt  }
0x66: {  	_ =	shalt  }
0x67: {  	_ =	shalt  }
0x68: {  	_ =	shalt  }
0x69: {  	_ =	shalt  }
0x6a: {  	_ =	shalt  }
0x6b: {  	_ =	shalt  }
0x6c: {  	_ =	shalt  }
0x6d: {  	_ =	shalt  }
0x6e: {  	_ =	shalt  }
0x6f: {  	_ =	shalt  }
0x70: {  	_ =	shalt  }
0x71: {  	_ =	shalt  }
0x72: {  	_ =	shalt  }
0x73: {  	_ =	shalt  }
0x74: {  	_ =	shalt  }
0x75: {  	_ =	shalt  }
0x76: {  	_ =	shalt  }
0x77: {  	_ =	shalt  }
0x78: {  	_ =	shalt  }
0x79: {  	_ =	shalt  }
0x7a: {  	_ =	shalt  }
0x7b: {  	_ =	shalt  }
0x7c: {  	_ =	shalt  }
0x7d: {  	_ =	shalt  }
0x7e: {  	_ =	shalt  }
0x7f: {  	_ =	shalt  }
0x80: {  	_ =	shalt  }
0x81: {  	_ =	shalt  }
0x82: {  	_ =	shalt  }
0x83: {  	_ =	shalt  }
0x84: {  	_ =	shalt  }
0x85: {  	_ =	shalt  }
0x86: {  	_ =	shalt  }
0x87: {  	_ =	shalt  }
.Lfunc_end0:
.L_simem_size_0:
called_computation_lowered:
.L_overlay_start_0:
0x88: {  	s2 =	sld [smem:$0x3FD9]  }
0x89: {  	s3 =	sld [smem:$0x3FFE];
	_ =	sdelay $0x1  }
0x8a: {  	s1 =	srdreg.scid  }
0x8b: {  	s0 =	sand.u32 $0x1, s1  }
0x8c: {  	s17 =	sshll.u32 s0, $0xA;
	s2 =	sadd.s32 s3, s2  }
0x8d: {  	s2 =	sadd.s32 s2, s17  }
0x8e: {  	[smem:$0x3FC6] =	sst s2  }
0x8f: {  	_ = 	snop  }
0x90: {  	s2 =	sld [smem:$0x3FC8];
	(tm) =	ssettm $0x1  }
0x91: {  	s18 =	sld [smem:$0x3FFB];
	_ =	sdelay $0x3  }
0x92: {  	_ =	strace s18  }
0x93: {  	s3 =	sld [smem:$0x3FFC];
	_ =	sdelay $0x3  }
0x94: {  	_ =	strace s3  }
0x95: {  	s3 =	sld [smem:$0x3FFD];
	_ =	sdelay $0x3  }
0x96: {  	_ =	strace s3  }
0x97: {  	_ =	strace $0x8FFFFFFF  }
0x98: {  	s19 =	sld [smem:$0x3FDB];
	_ =	sdelay $0x1  }
0x99: {  	s4 =	simm.s32 $_scs_section_size  }
0x9a: {  	s5 =	simm.s32 $_size__tile_overlayer_lowered;
	s6 =	simm.s32 $_tile_overlayer_lowered  }
0x9b: {  	s22 =	simm.s32 $0x1BFF;
	s21 =	sshll.u32 s6, $0x1;
	s3 =	sadd.s32 s4, s19  }
0x9c: {  	s7 =	simm.s32 $0x0;
	s20 =	sshll.u32 s5, $0x1;
	s5 =	sadd.s32 s21, s3  }
0x9d: {  	[timem:s7], [sflag:s22] =	dma.local [hbm:s5], s20  }
0x9e: {  	_ =	swait.ge [sflag:s22], s20  }
0x9f: {  	s4 =	ssub.s32 $0x0, s20;
	[sflag:s22] =	ssyncset.done $0x0  }
0xa0: {  	[sflag:s22] =	ssyncadd.s32 s4;
	_ =	sdelay $0x1  }
0xa1: {  	s23 =	simm.s32 $0x1B8B  }
0xa2: {  	_ =	swait.ge [sflag:s23], $0x1  }
0xa3: {  	[sflag:s23] =	ssyncset.done $0x0  }
0xa4: {  	s25 =	simm.s32 $0x1B8E;
	s24 =	sld [smem:$0x3FFE];
	[sflag:s23] =	ssyncadd.s32 $0xFFFFFFFF  }
0xa5: {  	s26 =	simm.s32 $execute0_lowered;
	[smem:$0x3FD2] =	sst s25  }
0xa6: {  	s5 =	sshll.u32 s26, $0x1;
	_ =	strace $0x80000046;
	[dreg:$0x1] =	wrdreg $0xFFFFFFFF  }
0xa7: {  	s28 =	simm.s32 $_size_execute0_lowered;
	s3 =	sadd.s32 s3, s5;
	[dreg:$0x0] =	wrdreg $0x0  }
0xa8: {  	s5 =	sshll.u32 s28, $0x1;
	[dreg:$0x2] =	wrdreg s3  }
0xa9: {  	[dreg:$0x3] =	wrdreg s5  }
0xaa: {  	[dreg:$0x4] =	wrdreg $0xC0  }
0xab: {  	_ =	task [dreg:s7], $0x5FFFF  }
0xac: {  	[dreg:$0x1] =	wrdreg $0xFFFFFFFF  }
0xad: {  	[dreg:$0x0] =	wrdreg $0x60  }
0xae: {  	[dreg:$0x2] =	wrdreg s24  }
0xaf: {  	[dreg:$0x3] =	wrdreg s2  }
0xb0: {  	[dreg:$0x4] =	wrdreg $0x1C4800  }
0xb1: {  	[dreg:$0x5] =	wrdreg $0x1D0800  }
0xb2: {  	[dreg:$0x6] =	wrdreg $0x9  }
0xb3: {  	_ =	task.clear_ibuf [dreg:s7], $0x7FFFF;
	_ =	strace $0x90000046  }
0xb4: {  	s29 =	simm.s32 $0x9;
	_ =	strace $0x80000048  }
0xb5: {  	_ =	swait.ge [sflag:s29], $0x1  }
0xb6: {  	[sflag:s29] =	ssyncadd.s32 $0xFFFFFFFF  }
0xb7: {  	_ =	strace $0x90000048  }
0xb8: {  	_ =	sfence  }
0xb9: {  	s30 =	sld [smem:$0x0];
	_ =	sdelay $0x2  }
0xba: {  	s31 =	sshll.u32 s1, $0xD;
	s1 =	sshrl.u32 s1, $0x2  }
0xbb: {  	s3 =	sand.u32 $0x4000, s31;
	s1 =	sadd.s32 s1, s30  }
0xbc: {  	s0 =	sor.u32 s3, s0;
	s1 =	sshll.u32 s1, $0x11  }
0xbd: {  	s0 =	sor.u32 s1, s0  }
0xbe: {  	s0 =	sadd.s32 $0x8F2B, s0  }
0xbf: {  	[sflag:s0] =	ssyncadd.remote.s32 $0x1  }
0xc0: {  	_ =	sfence.sel $0xFFFF  }
0xc1: {  	[dreg:$0x0] =	wrdreg $0xFFFFFFFF;
	(pc) =	sbr.abs _section_cstart, $3  }
0xc2: {  	[dreg:$0x1] =	wrdreg $0xFFFFFFFF  }
0xc3: {  	_ =	task.clear_ibuf [dreg:s7], $0x2FFFF;
	_ =	strace $0x9FFFFFFF  }
0xc4: {  	(tm) =	ssettm $0x7FFFFFFF  }
0xc5: {  	_ =	shalt  }
tec
execute0_lowered:
.L_overlay_start_1:
0x0: {  	(tag) =	ssettag $0x1  }
0x1: {  	s1 =	rddreg [dreg:$0x0]  }
0x2: {  	s6 =	rddreg [dreg:$0x1]  }
0x3: {  	s8 =	stileid.u32;
	s0 =	rddreg [dreg:$0x2]  }
0x4: {  	s9 =	srdreg.scid;
	s2 =	rddreg [dreg:$0x3];
	s15 =	simm.s32 $0x8  }
0x5: {  	s17 =	simm.s32 $0x70;
	s18 =	simm.s32 $0x18C00;
	s19 =	simm.s32 $0x5  }
0x6: {  	s21 =	simm.s32 $0x7;
	s22 =	simm.s32 $0x11C00;
	s23 =	simm.s32 $0x15400  }
0x7: {  	s3 =	sshll.u32 s8, $0x1;
	s5 =	sand.u32 $0x1, s9;
	s10 =	sshrl.u32 s8, $0x2  }
0x8: {  	s28 =	sshll.u32 s8, $0xE;
	p0 =	slt.u32 s8, $0x4;
	s9 =	sshll.u32 s9, $0x2  }
0x9: {  	p1 =	sne.s32 s8, $0x0;
	s4 =	sand.u32 $0x6, s3;
	s3 =	simm.s32 $0x0  }
0xa: {  	s12 =	sshll.u32 s5, $0xD;
	s13 =	smul.u32 $0xE000, s10;
	s24 =	ssub.s32 $0x2, s5  }
0xb: {  	s14 =	smul.u32 $0x620000, s10;
	s16 =	sor.u32 $0x190, s10;
	s7 =	sor.u32 s5, s4  }
0xc: {  	s20 =	sor.u32 $0xFFFFFFFC, s10;
	s29 =	sand.u32 $0xC000, s28;
	s11 =	smul.u32 $0x1C00, s7  }
0xd: {  	s30 =	ssub.s32 $0x0, s9;
	[smem:$0x7FF] =	sst s3;
	s4 =	sadd.s32 $0x800, s1  }
0xe: {  	s1 =	sadd.s32 s12, s1;
	s25 =	sshrl.u32 s24, $0x1;
	s11 =	sand.u32 $0xF800, s11  }
0xf: {  	v0 =	vmov s20;
	s20 =	simm.s32 $0x6;
	s5 =	smul.u32 $0x1C, s7;
	s11 =	sadd.s32 s13, s11  }
0x10: {  	_ =	strace $0x80000047;
	s26 =	smul.u32 $0xC4000, s7;
	s11 =	sshrl.u32 s11, $0x3  }
0x11: {  	s12 =	ssub.s32 s24, s25;
	s7 =	sadd.s32 s29, s2;
	s6 =	sadd.s32 s6, s11  }
0x12: {  	s9 =	sor.u32 $0x7000, s14;
	[dreg:$0x5] =	wrdreg s6;
	s6 =	sadd.s32 s14, s26  }
.Ltmp0:
0x13: {  	s10 =	sadd.s32 $0x310800, s1;
	s6 =	sshrl.u32 s6, $0x3;
	(pc) =	sbr.rel .LBB2_1-.Ltmp0, $4  }
0x14: {  	s24 =	simm.s32 $0x0;
	s12 =	smax.u32 s12, $0x1;
	s6 =	sadd.s32 s4, s6  }
0x15: {  	s13 =	sadd.s32 s28, s0;
	[dreg:$0x6] =	wrdreg s6;
	s6 =	sshrl.u32 s30, $0x2  }
0x16: {  	v2 =	vimm.f32 $0.0e+00;
	s7 =	smov.u32 @p0 s13;
	p0 =	sgt.u32 s8, $0x7;
	s31 =	sand.u32 $0x1, s6  }
0x17: {  	v3 =	vimm.f32 $1.000000000e+00;
	v4 =	vimm.s32 $0x0;
	v1 =	vmov s16;
	s11 =	sadd.s32 $0x314800, s1;
	s13 =	sshll.u32 s31, $0x9;
	s14 =	sshll.u32 s31, $0xA  }
.LBB2_20:
0x18: {  	[sflag:s21] =	ssyncadd.s32 $0xFFFFD600  }
.LBB2_21:
0x19: {  	[bflag:$0x0] =	sbarrier.arrive $0xFFFF;
	s1 =	sshrl.u32 @!p1 s0, $0x3;
	s6 =	simm.s32 @!p1 $0x1C08  }
0x1a: {  	[hbm:s10], [sflag:s6] =	dma.local @!p1 [spmem:s1], $0x2000  }
0x1b: {  	s1 =	simm.s32 @!p1 $0x8  }
0x1c: {  	s24 =	sadd.s32 $0x1, s24;
	_ =	swait.ge @!p1 [sflag:s1], $0x2000  }
0x1d: {  	p2 =	sne.s32 s24, s12;
	[sflag:s1] =	ssyncset.done @!p1 $0x0  }
.Ltmp1:
0x1e: {  	s8 =	sshrl.u32 @!p1 s2, $0x3;
	[sflag:s1] =	ssyncadd.s32 @!p1 $0xFFFFE000;
	(pc) =	sbr.rel @!p2 .LBB2_22-.Ltmp1, $4  }
0x1f: {  	[hbm:s11], [sflag:s6] =	dma.local @!p1 [spmem:s8], $0x2000  }
0x20: {  	_ =	swait.ge @!p1 [sflag:s1], $0x2000  }
0x21: {  	[sflag:s1] =	ssyncset.done @!p1 $0x0  }
0x22: {  	[sflag:s1] =	ssyncadd.s32 @!p1 $0xFFFFE000  }
.LBB2_1:
0x23: {  	s1 =	rddreg [dreg:$0x5]  }
0x24: {  	[tilespmem:s3], [sflag:$0x8] =	stream.linear.gather [hbm4b:s1+s3], $0x2000, $0x38;
	[tilespmem:$0x1DC80] =	vst v63  }
0x25: {  	s31 =	sadd.s32 $0x0, s13;
	_ =	swait.ge [sflag:s15], $0x2000  }
0x26: {  	s6 =	sand.u32 $0x3800, s14;
	s1 =	sand.u32 $0x380, s31;
	[sflag:s15] =	ssyncset.done $0x0  }
0x27: {  	s1 =	sor.u32 s1, s6;
	[sflag:s15] =	ssyncadd.s32 $0xFFFFE000  }
0x28: {  	v5 =	vld [tilespmem:s1+$0x0];
	_ =	sdelay $0x4  }
0x29: {  	v6 =	vshll.u32 v5, $0x2  }
0x2a: {  	vm0 =	veq.s32 v5, $0x0;
	v5 =	vadd.s32 v0, v6  }
0x2b: {  	s25 =	simm.s32 $0x2080;
	v5 =	vsel vm0, v1, v5  }
0x2c: {  	[tilespmem:s25+$0xFFFFFF80] =	vst v5  }
0x2d: {  	v5 =	vld [tilespmem:s1+$0x10];
	_ =	sdelay $0x4  }
0x2e: {  	v6 =	vshll.u32 v5, $0x2  }
0x2f: {  	vm15 =	veq.s32 v5, $0x0;
	v5 =	vadd.s32 v0, v6  }
0x30: {  	v5 =	vsel vm15, v1, v5  }
0x31: {  	[tilespmem:s25+$0xFFFFFF90] =	vst v5  }
0x32: {  	v5 =	vld [tilespmem:s1+$0x20];
	_ =	sdelay $0x4  }
0x33: {  	v6 =	vshll.u32 v5, $0x2  }
0x34: {  	vm4 =	veq.s32 v5, $0x0;
	v5 =	vadd.s32 v0, v6  }
0x35: {  	v5 =	vsel vm4, v1, v5  }
0x36: {  	[tilespmem:s25+$0xFFFFFFA0] =	vst v5  }
0x37: {  	v5 =	vld [tilespmem:s1+$0x30];
	_ =	sdelay $0x4  }
0x38: {  	v6 =	vshll.u32 v5, $0x2  }
0x39: {  	vm5 =	veq.s32 v5, $0x0;
	v5 =	vadd.s32 v0, v6  }
0x3a: {  	v5 =	vsel vm5, v1, v5  }
0x3b: {  	[tilespmem:s25+$0xFFFFFFB0] =	vst v5  }
0x3c: {  	v5 =	vld [tilespmem:s1+$0x40];
	_ =	sdelay $0x4  }
0x3d: {  	v6 =	vshll.u32 v5, $0x2  }
0x3e: {  	vm6 =	veq.s32 v5, $0x0;
	v5 =	vadd.s32 v0, v6  }
0x3f: {  	v5 =	vsel vm6, v1, v5  }
0x40: {  	[tilespmem:s25+$0xFFFFFFC0] =	vst v5  }
0x41: {  	v5 =	vld [tilespmem:s1+$0x50];
	_ =	sdelay $0x4  }
0x42: {  	v6 =	vshll.u32 v5, $0x2  }
0x43: {  	vm7 =	veq.s32 v5, $0x0;
	v5 =	vadd.s32 v0, v6  }
0x44: {  	v5 =	vsel vm7, v1, v5  }
0x45: {  	[tilespmem:s25+$0xFFFFFFD0] =	vst v5  }
0x46: {  	v5 =	vld [tilespmem:s1+$0x60];
	_ =	sdelay $0x4  }
0x47: {  	v6 =	vshll.u32 v5, $0x2  }
0x48: {  	vm8 =	veq.s32 v5, $0x0;
	v5 =	vadd.s32 v0, v6  }
0x49: {  	v5 =	vsel vm8, v1, v5  }
0x4a: {  	[tilespmem:s25+$0xFFFFFFE0] =	vst v5  }
0x4b: {  	v5 =	vld [tilespmem:s1+$0x70];
	_ =	sdelay $0x4  }
0x4c: {  	v6 =	vshll.u32 v5, $0x2  }
0x4d: {  	vm9 =	veq.s32 v5, $0x0;
	v5 =	vadd.s32 v0, v6  }
0x4e: {  	v5 =	vsel vm9, v1, v5  }
0x4f: {  	[tilespmem:s25+$0x0] =	vst v5  }
0x50: {  	v5 =	vld [tilespmem:s1+$0x400];
	_ =	sdelay $0x4  }
0x51: {  	v6 =	vshll.u32 v5, $0x2  }
0x52: {  	vm10 =	veq.s32 v5, $0x0;
	v5 =	vadd.s32 v0, v6  }
0x53: {  	v5 =	vsel vm10, v1, v5  }
0x54: {  	[tilespmem:s25+$0x10] =	vst v5  }
0x55: {  	v5 =	vld [tilespmem:s1+$0x410];
	_ =	sdelay $0x4  }
0x56: {  	v6 =	vshll.u32 v5, $0x2  }
0x57: {  	vm11 =	veq.s32 v5, $0x0;
	v5 =	vadd.s32 v0, v6  }
0x58: {  	v5 =	vsel vm11, v1, v5  }
0x59: {  	[tilespmem:s25+$0x20] =	vst v5  }
0x5a: {  	v5 =	vld [tilespmem:s1+$0x420];
	_ =	sdelay $0x4  }
0x5b: {  	v6 =	vshll.u32 v5, $0x2  }
0x5c: {  	vm12 =	veq.s32 v5, $0x0;
	v5 =	vadd.s32 v0, v6  }
0x5d: {  	v5 =	vsel vm12, v1, v5  }
0x5e: {  	[tilespmem:s25+$0x30] =	vst v5  }
0x5f: {  	v5 =	vld [tilespmem:s1+$0x430];
	_ =	sdelay $0x4  }
0x60: {  	v6 =	vshll.u32 v5, $0x2  }
0x61: {  	vm13 =	veq.s32 v5, $0x0;
	v5 =	vadd.s32 v0, v6  }
0x62: {  	v5 =	vsel vm13, v1, v5  }
0x63: {  	[tilespmem:s25+$0x40] =	vst v5  }
0x64: {  	v5 =	vld [tilespmem:s1+$0x440];
	_ =	sdelay $0x4  }
0x65: {  	v6 =	vshll.u32 v5, $0x2  }
0x66: {  	vm14 =	veq.s32 v5, $0x0;
	v5 =	vadd.s32 v0, v6  }
0x67: {  	v5 =	vsel vm14, v1, v5  }
0x68: {  	[tilespmem:s25+$0x50] =	vst v5  }
0x69: {  	v5 =	vld [tilespmem:s1+$0x450];
	_ =	sdelay $0x4  }
0x6a: {  	v6 =	vshll.u32 v5, $0x2  }
0x6b: {  	s16 =	sadd.s32 $0x80, s13;
	s1 =	sadd.s32 $0x100, s14;
	vm15 =	veq.s32 v5, $0x0;
	v5 =	vadd.s32 v0, v6  }
0x6c: {  	s16 =	sand.u32 $0x380, s16;
	s6 =	simm.s32 $0x100;
	s8 =	sand.u32 $0x3800, s1;
	v5 =	vsel vm15, v1, v5  }
.LBB2_2:
0x6d: {  	s29 =	sor.u32 s16, s8  }
0x6e: {  	[tilespmem:s25+$0x60] =	vst v5;
	s25 =	sadd.s32 $0x100, s25;
	s28 =	smov.u32 s6;
	s26 =	sadd.s32 $0x80, s6  }
0x6f: {  	p2 =	sne.s32 s6, $0xD80;
	v5 =	vld [tilespmem:s29+$0x0];
	_ =	sdelay $0x4  }
0x70: {  	v6 =	vshll.u32 v5, $0x2  }
0x71: {  	vm0 =	veq.s32 v5, $0x0;
	v5 =	vadd.s32 v0, v6  }
0x72: {  	v5 =	vsel vm0, v1, v5  }
0x73: {  	[tilespmem:s25+$0xFFFFFF80] =	vst v5  }
0x74: {  	v5 =	vld [tilespmem:s29+$0x10];
	_ =	sdelay $0x4  }
0x75: {  	v6 =	vshll.u32 v5, $0x2  }
0x76: {  	vm0 =	veq.s32 v5, $0x0;
	v5 =	vadd.s32 v0, v6  }
0x77: {  	v5 =	vsel vm0, v1, v5  }
0x78: {  	[tilespmem:s25+$0xFFFFFF90] =	vst v5  }
0x79: {  	v5 =	vld [tilespmem:s29+$0x20];
	_ =	sdelay $0x4  }
0x7a: {  	v6 =	vshll.u32 v5, $0x2  }
0x7b: {  	vm0 =	veq.s32 v5, $0x0;
	v5 =	vadd.s32 v0, v6  }
0x7c: {  	v5 =	vsel vm0, v1, v5  }
0x7d: {  	[tilespmem:s25+$0xFFFFFFA0] =	vst v5  }
0x7e: {  	v5 =	vld [tilespmem:s29+$0x30];
	_ =	sdelay $0x4  }
0x7f: {  	v6 =	vshll.u32 v5, $0x2  }
0x80: {  	vm0 =	veq.s32 v5, $0x0;
	v5 =	vadd.s32 v0, v6  }
0x81: {  	v5 =	vsel vm0, v1, v5  }
0x82: {  	[tilespmem:s25+$0xFFFFFFB0] =	vst v5  }
0x83: {  	v5 =	vld [tilespmem:s29+$0x40];
	_ =	sdelay $0x4  }
0x84: {  	v6 =	vshll.u32 v5, $0x2  }
0x85: {  	vm0 =	veq.s32 v5, $0x0;
	v5 =	vadd.s32 v0, v6  }
0x86: {  	v5 =	vsel vm0, v1, v5  }
0x87: {  	[tilespmem:s25+$0xFFFFFFC0] =	vst v5  }
0x88: {  	v5 =	vld [tilespmem:s29+$0x50];
	_ =	sdelay $0x4  }
0x89: {  	v6 =	vshll.u32 v5, $0x2  }
0x8a: {  	vm0 =	veq.s32 v5, $0x0;
	v5 =	vadd.s32 v0, v6  }
0x8b: {  	v5 =	vsel vm0, v1, v5  }
0x8c: {  	[tilespmem:s25+$0xFFFFFFD0] =	vst v5  }
0x8d: {  	v5 =	vld [tilespmem:s29+$0x60];
	_ =	sdelay $0x4  }
0x8e: {  	v6 =	vshll.u32 v5, $0x2  }
0x8f: {  	vm0 =	veq.s32 v5, $0x0;
	v5 =	vadd.s32 v0, v6  }
0x90: {  	v5 =	vsel vm0, v1, v5  }
0x91: {  	[tilespmem:s25+$0xFFFFFFE0] =	vst v5  }
0x92: {  	v5 =	vld [tilespmem:s29+$0x70];
	_ =	sdelay $0x4  }
0x93: {  	v6 =	vshll.u32 v5, $0x2  }
0x94: {  	vm0 =	veq.s32 v5, $0x0;
	v5 =	vadd.s32 v0, v6  }
0x95: {  	v5 =	vsel vm0, v1, v5  }
0x96: {  	[tilespmem:s25+$0x0] =	vst v5  }
0x97: {  	v5 =	vld [tilespmem:s29+$0x400];
	_ =	sdelay $0x4  }
0x98: {  	v6 =	vshll.u32 v5, $0x2  }
0x99: {  	vm0 =	veq.s32 v5, $0x0;
	v5 =	vadd.s32 v0, v6  }
0x9a: {  	v5 =	vsel vm0, v1, v5  }
0x9b: {  	[tilespmem:s25+$0x10] =	vst v5  }
0x9c: {  	v5 =	vld [tilespmem:s29+$0x410];
	_ =	sdelay $0x4  }
0x9d: {  	v6 =	vshll.u32 v5, $0x2  }
0x9e: {  	vm0 =	veq.s32 v5, $0x0;
	v5 =	vadd.s32 v0, v6  }
0x9f: {  	v5 =	vsel vm0, v1, v5  }
0xa0: {  	[tilespmem:s25+$0x20] =	vst v5  }
0xa1: {  	v5 =	vld [tilespmem:s29+$0x420];
	_ =	sdelay $0x4  }
0xa2: {  	v6 =	vshll.u32 v5, $0x2  }
0xa3: {  	vm0 =	veq.s32 v5, $0x0;
	v5 =	vadd.s32 v0, v6  }
0xa4: {  	v5 =	vsel vm0, v1, v5  }
0xa5: {  	[tilespmem:s25+$0x30] =	vst v5  }
0xa6: {  	v5 =	vld [tilespmem:s29+$0x430];
	_ =	sdelay $0x4  }
0xa7: {  	v6 =	vshll.u32 v5, $0x2  }
0xa8: {  	vm0 =	veq.s32 v5, $0x0;
	v5 =	vadd.s32 v0, v6  }
0xa9: {  	v5 =	vsel vm0, v1, v5  }
0xaa: {  	[tilespmem:s25+$0x40] =	vst v5  }
0xab: {  	v5 =	vld [tilespmem:s29+$0x440];
	_ =	sdelay $0x4  }
0xac: {  	v6 =	vshll.u32 v5, $0x2  }
0xad: {  	vm0 =	veq.s32 v5, $0x0;
	v5 =	vadd.s32 v0, v6  }
0xae: {  	v5 =	vsel vm0, v1, v5  }
0xaf: {  	[tilespmem:s25+$0x50] =	vst v5  }
0xb0: {  	v5 =	vld [tilespmem:s29+$0x450];
	_ =	sdelay $0x2  }
.Ltmp2:
0xb1: {  	(pc) =	sbr.rel @p2 .LBB2_2-.Ltmp2, $4  }
0xb2: {  	_ = 	snop  }
0xb3: {  	v6 =	vshll.u32 v5, $0x2  }
0xb4: {  	s1 =	sadd.s32 $0x100, s1;
	s6 =	sadd.s32 s28, s13;
	vm0 =	veq.s32 v5, $0x0;
	v5 =	vadd.s32 v0, v6  }
0xb5: {  	s8 =	sand.u32 $0x3800, s1;
	s16 =	sand.u32 $0x380, s6;
	s6 =	smov.u32 s26;
	v5 =	vsel vm0, v1, v5  }
0xb6: {  	s1 =	sor.u32 s16, s8;
	[tilespmem:s25+$0x60] =	vst v5  }
0xb7: {  	v5 =	vld [tilespmem:s1+$0x0];
	_ =	sdelay $0x4  }
0xb8: {  	v6 =	vshll.u32 v5, $0x2  }
0xb9: {  	vm0 =	veq.s32 v5, $0x0;
	v5 =	vadd.s32 v0, v6  }
0xba: {  	s31 =	sadd.s32 $0x100, s25;
	v5 =	vsel vm0, v1, v5  }
0xbb: {  	[tilespmem:s31+$0xFFFFFF80] =	vst v5  }
0xbc: {  	v5 =	vld [tilespmem:s1+$0x10];
	_ =	sdelay $0x4  }
0xbd: {  	v6 =	vshll.u32 v5, $0x2  }
0xbe: {  	vm15 =	veq.s32 v5, $0x0;
	v5 =	vadd.s32 v0, v6  }
0xbf: {  	v5 =	vsel vm15, v1, v5  }
0xc0: {  	[tilespmem:s31+$0xFFFFFF90] =	vst v5  }
0xc1: {  	v5 =	vld [tilespmem:s1+$0x20];
	_ =	sdelay $0x4  }
0xc2: {  	v6 =	vshll.u32 v5, $0x2  }
0xc3: {  	vm4 =	veq.s32 v5, $0x0;
	v5 =	vadd.s32 v0, v6  }
0xc4: {  	v5 =	vsel vm4, v1, v5  }
0xc5: {  	[tilespmem:s31+$0xFFFFFFA0] =	vst v5  }
0xc6: {  	v5 =	vld [tilespmem:s1+$0x30];
	_ =	sdelay $0x4  }
0xc7: {  	v6 =	vshll.u32 v5, $0x2  }
0xc8: {  	vm5 =	veq.s32 v5, $0x0;
	v5 =	vadd.s32 v0, v6  }
0xc9: {  	v5 =	vsel vm5, v1, v5  }
0xca: {  	[tilespmem:s31+$0xFFFFFFB0] =	vst v5  }
0xcb: {  	v5 =	vld [tilespmem:s1+$0x40];
	_ =	sdelay $0x4  }
0xcc: {  	v6 =	vshll.u32 v5, $0x2  }
0xcd: {  	vm6 =	veq.s32 v5, $0x0;
	v5 =	vadd.s32 v0, v6  }
0xce: {  	v5 =	vsel vm6, v1, v5  }
0xcf: {  	[tilespmem:s31+$0xFFFFFFC0] =	vst v5  }
0xd0: {  	v5 =	vld [tilespmem:s1+$0x50];
	_ =	sdelay $0x4  }
0xd1: {  	v6 =	vshll.u32 v5, $0x2  }
0xd2: {  	vm7 =	veq.s32 v5, $0x0;
	v5 =	vadd.s32 v0, v6  }
0xd3: {  	v5 =	vsel vm7, v1, v5  }
0xd4: {  	[tilespmem:s31+$0xFFFFFFD0] =	vst v5  }
0xd5: {  	v5 =	vld [tilespmem:s1+$0x60];
	_ =	sdelay $0x4  }
0xd6: {  	v6 =	vshll.u32 v5, $0x2  }
0xd7: {  	vm8 =	veq.s32 v5, $0x0;
	v5 =	vadd.s32 v0, v6  }
0xd8: {  	v5 =	vsel vm8, v1, v5  }
0xd9: {  	[tilespmem:s31+$0xFFFFFFE0] =	vst v5  }
0xda: {  	v5 =	vld [tilespmem:s1+$0x70];
	_ =	sdelay $0x4  }
0xdb: {  	v6 =	vshll.u32 v5, $0x2  }
0xdc: {  	vm9 =	veq.s32 v5, $0x0;
	v5 =	vadd.s32 v0, v6  }
0xdd: {  	v5 =	vsel vm9, v1, v5  }
0xde: {  	[tilespmem:s31+$0x0] =	vst v5  }
0xdf: {  	v5 =	vld [tilespmem:s1+$0x400];
	_ =	sdelay $0x4  }
0xe0: {  	v6 =	vshll.u32 v5, $0x2  }
0xe1: {  	vm10 =	veq.s32 v5, $0x0;
	v5 =	vadd.s32 v0, v6  }
0xe2: {  	v5 =	vsel vm10, v1, v5  }
0xe3: {  	[tilespmem:s31+$0x10] =	vst v5  }
0xe4: {  	v5 =	vld [tilespmem:s1+$0x410];
	_ =	sdelay $0x4  }
0xe5: {  	v6 =	vshll.u32 v5, $0x2  }
0xe6: {  	vm11 =	veq.s32 v5, $0x0;
	v5 =	vadd.s32 v0, v6  }
0xe7: {  	v5 =	vsel vm11, v1, v5  }
0xe8: {  	[tilespmem:s31+$0x20] =	vst v5  }
0xe9: {  	v5 =	vld [tilespmem:s1+$0x420];
	_ =	sdelay $0x4  }
0xea: {  	v6 =	vshll.u32 v5, $0x2  }
0xeb: {  	vm12 =	veq.s32 v5, $0x0;
	v5 =	vadd.s32 v0, v6  }
0xec: {  	v5 =	vsel vm12, v1, v5  }
0xed: {  	[tilespmem:s31+$0x30] =	vst v5  }
0xee: {  	v5 =	vld [tilespmem:s1+$0x430];
	_ =	sdelay $0x4  }
0xef: {  	v6 =	vshll.u32 v5, $0x2  }
0xf0: {  	vm13 =	veq.s32 v5, $0x0;
	v5 =	vadd.s32 v0, v6  }
0xf1: {  	v5 =	vsel vm13, v1, v5  }
0xf2: {  	[tilespmem:s31+$0x40] =	vst v5  }
0xf3: {  	v5 =	vld [tilespmem:s1+$0x440];
	_ =	sdelay $0x4  }
0xf4: {  	v6 =	vshll.u32 v5, $0x2  }
0xf5: {  	vm14 =	veq.s32 v5, $0x0;
	v5 =	vadd.s32 v0, v6  }
0xf6: {  	v5 =	vsel vm14, v1, v5  }
0xf7: {  	[tilespmem:s31+$0x50] =	vst v5  }
0xf8: {  	v5 =	vld [tilespmem:s1+$0x450];
	_ =	sdelay $0x4  }
0xf9: {  	v6 =	vshll.u32 v5, $0x2  }
0xfa: {  	vm15 =	veq.s32 v5, $0x0;
	v5 =	vadd.s32 v0, v6  }
0xfb: {  	v5 =	vsel vm15, v1, v5  }
0xfc: {  	p2 =	por $0x1, $0x1;
	s1 =	simm.s32 $0x0;
	[tilespmem:s31+$0x60] =	vst v5  }
.Ltmp3:
0xfd: {  	[tilespmem:s1+$0x3C50] =	vst v2;
	(pc) =	sbr.rel @!p2 .LBB2_5-.Ltmp3, $4  }
0xfe: {  	[tilespmem:s1+$0x3C00] =	vst v2  }
0xff: {  	[tilespmem:s1+$0x3C10] =	vst v2  }
0x100: {  	[tilespmem:s1+$0x3C20] =	vst v2  }
0x101: {  	s6 =	simm.s32 $0x200;
	s8 =	simm.s32 $0x0;
	[tilespmem:s1+$0x3C30] =	vst v2  }
.LBB2_4:
0x102: {  	p2 =	sne.s32 s6, $0xFE00;
	[tilespmem:s8+$0x3C40] =	vst v2;
	s8 =	sshra.s32 s6, $0x2;
	s6 =	sadd.s32 $0x200, s6  }
.Ltmp4:
0x103: {  	[tilespmem:s8+$0x3C50] =	vst v2;
	(pc) =	sbr.rel @p2 .LBB2_4-.Ltmp4, $4  }
0x104: {  	[tilespmem:s8+$0x3C00] =	vst v2  }
0x105: {  	[tilespmem:s8+$0x3C10] =	vst v2  }
0x106: {  	[tilespmem:s8+$0x3C20] =	vst v2  }
0x107: {  	[tilespmem:s8+$0x3C30] =	vst v2  }
.LBB2_5:
0x108: {  	[tilespmem:s8+$0x3C40] =	vst v2;
	p2 =	por $0x1, $0x1  }
.Ltmp5:
0x109: {  	[tilespmem:s1+$0x18C50] =	vst v3;
	(pc) =	sbr.rel @!p2 .LBB2_7-.Ltmp5, $4  }
0x10a: {  	[tilespmem:s1+$0x18C00] =	vst v3  }
0x10b: {  	[tilespmem:s1+$0x18C10] =	vst v3  }
0x10c: {  	[tilespmem:s1+$0x18C20] =	vst v3  }
0x10d: {  	s6 =	simm.s32 $0x200;
	[tilespmem:s1+$0x18C30] =	vst v3  }
.LBB2_6:
0x10e: {  	p2 =	sne.s32 s6, $0xDE00;
	[tilespmem:s1+$0x18C40] =	vst v3;
	s1 =	sshra.s32 s6, $0x2;
	s6 =	sadd.s32 $0x200, s6  }
.Ltmp6:
0x10f: {  	[tilespmem:s1+$0x18C50] =	vst v3;
	(pc) =	sbr.rel @p2 .LBB2_6-.Ltmp6, $4  }
0x110: {  	[tilespmem:s1+$0x18C00] =	vst v3  }
0x111: {  	[tilespmem:s1+$0x18C10] =	vst v3  }
0x112: {  	[tilespmem:s1+$0x18C20] =	vst v3  }
0x113: {  	[tilespmem:s1+$0x18C30] =	vst v3  }
.LBB2_7:
0x114: {  	[tilespmem:s1+$0x18C40] =	vst v3;
	s1 =	simm.s32 @!p0 $0x3C00  }
0x115: {  	[spmem:s7] =	stream.linear.scatter @!p0 [tilespmem:s1], [sflag:$0x8], $0x4000, $0x38;
	[tilespmem:$0x1DC80] =	vst v63  }
0x116: {  	s1 =	simm.s32 @!p0 $0x8  }
0x117: {  	_ =	swait.ge @!p0 [sflag:s1], $0x4000  }
.Ltmp7:
0x118: {  	[sflag:s1] =	ssyncset.done @!p0 $0x0;
	(pc) =	sbr.rel .LBB2_8-.Ltmp7, $4  }
0x119: {  	[sflag:s1] =	ssyncadd.s32 @!p0 $0xFFFFC000  }
0x11a: {  	s6 =	simm.s32 $0x0;
	s8 =	simm.s32 $0x3C00;
	[bflag:$0x0] =	sbarrier.arrive $0xFFFF  }
0x11b: {  	p2 =	por $0x0, $0x0;
	s25 =	simm.s32 $0x0;
	s31 =	rddreg [dreg:$0x6]  }
0x11c: {  	[tilespmem:s8], [sflag:$0x1] =	stream.linear.gather [hbm4b:s31+s6], $0x7000, $0x38;
	[tilespmem:$0x1DC80] =	vst v63  }
.LBB2_11:
0x11d: {  	[spmem:s2] =	stream.indirect.scatter.add.f32 [tilespmem:s18], [sflag:$0x7], $0x60, s29, s17, $0xb8;
	[tilespmem:$0x1DC80] =	vst v63  }
0x11e: {  	s1 =	simm.s32 $0x2  }
0x11f: {  	[spmem:s2] =	stream.indirect.scatter.add.f32 [tilespmem:s18], [sflag:$0x7], $0x60, s28, s17, $0xb8;
	[tilespmem:$0x1DC80] =	vst v63  }
.LBB2_16:
0x120: {  	p3 =	sne.s32 s25, $0x1C  }
.Ltmp8:
0x121: {  	_ = 	snop;
	(pc) =	sbr.rel @!p3 .LBB2_17-.Ltmp8, $2  }
0x122: {  	_ =	sdelay $0x2  }
0x123: {  	s6 =	sadd.s32 s26, s1;
	p2 =	por !p2, !p2  }
.LBB2_8:
0x124: {  	s8 =	sand.u32 $0x1, s25  }
0x125: {  	s16 =	sadd.s32 $0x1, s8  }
0x126: {  	s1 =	smov.u32 s25;
	s25 =	sadd.s32 $0x1, s25;
	_ =	swait.ge [sflag:s16], $0x7000  }
0x127: {  	s26 =	smul.u32 $0x1C000, s8;
	s8 =	sshll.u32 s8, $0x1;
	[sflag:s16] =	ssyncset.done $0x0  }
0x128: {  	p3 =	seq.s32 s1, $0x0;
	[sflag:s16] =	ssyncadd.s32 $0xFFFF9000;
	s16 =	sshll.u32 s1, $0x8  }
0x129: {  	s30 =	sadd.s32 $0x3, s8;
	s26 =	sshrl.u32 s26, $0x2;
	s16 =	sand.u32 $0x3FFFFF00, s16  }
0x12a: {  	s8 =	sor.u32 $0x4, s8;
	s28 =	sadd.s32 $0x3C00, s26;
	s29 =	sadd.s32 $0x2000, s16  }
0x12b: {  	[spmem:s0] =	stream.indirect.scatter.add.f32 [tilespmem:s28], [sflag:s30], $0x60, s29, s17, $0xb8;
	[tilespmem:$0x1DC80] =	vst v63  }
0x12c: {  	p4 =	seq.s32 @!p3 s1, $0x1B;
	s26 =	sadd.s32 $0x7400, s26;
	s28 =	sadd.s32 $0x2080, s16  }
0x12d: {  	[spmem:s0] =	stream.indirect.scatter.add.f32 [tilespmem:s26], [sflag:s8], $0x60, s28, s17, $0xb8;
	[tilespmem:$0x1DC80] =	vst v63  }
0x12e: {  	p4 =	por p3, !p4;
	s8 =	sand.u32 $0x1, s25  }
0x12f: {  	s1 =	sadd.s32 @p4 s5, s1;
	s16 =	sshll.u32 @!p3 s8, $0x1  }
0x130: {  	s1 =	smul.u32 @p4 $0x7000, s1;
	s26 =	sadd.s32 @!p3 $0x3, s16  }
0x131: {  	_ =	swait.ge @!p3 [sflag:s26], $0x2A00  }
0x132: {  	s1 =	sadd.s32 @p4 s1, s9;
	s16 =	sor.u32 @!p3 $0x4, s16;
	[sflag:s26] =	ssyncset.done @!p3 $0x0  }
0x133: {  	[sflag:s26] =	ssyncadd.s32 @!p3 $0xFFFFD600;
	s26 =	smov.u32 s6;
	s6 =	smul.u32 @p4 $0x1C000, s8  }
0x134: {  	s1 =	sshrl.u32 @p4 s1, $0x3;
	_ =	swait.ge @!p3 [sflag:s16], $0x2A00  }
0x135: {  	s1 =	sadd.s32 @p4 s4, s1;
	[sflag:s16] =	ssyncset.done @!p3 $0x0;
	s6 =	sshrl.u32 @p4 s6, $0x2  }
0x136: {  	s8 =	sadd.s32 @p4 $0x1, s8;
	[sflag:s16] =	ssyncadd.s32 @!p3 $0xFFFFD600;
	s6 =	sadd.s32 @p4 $0x3C00, s6  }
0x137: {  	[tilespmem:s6], [sflag:s8] =	stream.linear.gather @p4 [hbm4b:s1+s3], $0x7000, $0x38;
	[tilespmem:$0x1DC80] =	vst v63  }
0x138: {  	s1 =	simm.s32 $0x1  }
0x139: {  	s1 =	simm.s32 @!p2 $0x0  }
0x13a: {  	s1 =	smul.u32 $0x1C000, s1;
	_ =	sdelay $0x1  }
0x13b: {  	s1 =	sshrl.u32 s1, $0x2  }
0x13c: {  	s16 =	sadd.s32 $0x3C00, s1  }
0x13d: {  	v5 =	vmov s16;
	_ =	sdelay $0x2  }
0x13e: {  	v6 =	vimm.s32 $0x0  }
0x13f: {  	s31 =	simm.s32 $0x0;
	[tilespmem:$0x1C400] =	vst v6;
	s30 =	sadd.s32 $0x3C30, s1;
	s1 =	simm.s32 $0x1000  }
.LBB2_9:
0x140: {  	p3 =	sne.s32 s1, $0x1B000;
	v7 =	vld.idx.msk [tilespmem:v5+s31+$0x0 ss:$0x1], $0xffff  }
0x141: {  	v8 =	vld.idx.msk [tilespmem:v5+s31+$0x10 ss:$0x1], $0xffff  }
0x142: {  	v9 =	vld.idx.msk [tilespmem:v5+s31+$0x20 ss:$0x1], $0xffff  }
0x143: {  	v10 =	vld.idx.msk [tilespmem:v5+s31+$0x30 ss:$0x1], $0xffff  }
0x144: {  	v11 =	vld.idx.msk [tilespmem:v5+s31+$0x40 ss:$0x1], $0xffff  }
0x145: {  	v12 =	vld.idx.msk [tilespmem:v5+s31+$0x50 ss:$0x1], $0xffff  }
0x146: {  	vm0 =	veq.f32 v7, $0.0e+00;
	v7 =	vld.idx.msk [tilespmem:v5+s31+$0x80 ss:$0x1], $0xffff  }
0x147: {  	v13 =	vsel vm0, $0x1, v4;
	vm0 =	veq.f32 v8, $0.0e+00;
	v8 =	vld.idx.msk [tilespmem:v5+s31+$0x90 ss:$0x1], $0xffff  }
0x148: {  	v6 =	vor.u32 v13, v6;
	v13 =	vsel vm0, $0x1, v4;
	vm0 =	veq.f32 v9, $0.0e+00;
	v9 =	vld.idx.msk [tilespmem:v5+s31+$0xA0 ss:$0x1], $0xffff  }
0x149: {  	v6 =	vor.u32 v13, v6;
	v13 =	vsel vm0, $0x1, v4;
	vm0 =	veq.f32 v10, $0.0e+00;
	v10 =	vld.idx.msk [tilespmem:v5+s31+$0xB0 ss:$0x1], $0xffff  }
0x14a: {  	v6 =	vor.u32 v13, v6;
	v13 =	vsel vm0, $0x1, v4;
	vm0 =	veq.f32 v11, $0.0e+00;
	v11 =	vld.idx.msk [tilespmem:v5+s31+$0xC0 ss:$0x1], $0xffff  }
0x14b: {  	v6 =	vor.u32 v13, v6;
	v13 =	vsel vm0, $0x1, v4;
	vm0 =	veq.f32 v12, $0.0e+00;
	v12 =	vld.idx.msk [tilespmem:v5+s31+$0xD0 ss:$0x1], $0xffff  }
0x14c: {  	v6 =	vor.u32 v13, v6;
	v13 =	vsel vm0, $0x1, v4;
	vm0 =	veq.f32 v7, $0.0e+00;
	v7 =	vld.idx.msk [tilespmem:v5+s31+$0x100 ss:$0x1], $0xffff  }
0x14d: {  	v6 =	vor.u32 v13, v6;
	v13 =	vsel vm0, $0x1, v4;
	vm0 =	veq.f32 v8, $0.0e+00;
	v8 =	vld.idx.msk [tilespmem:v5+s31+$0x110 ss:$0x1], $0xffff  }
0x14e: {  	v6 =	vor.u32 v13, v6;
	v13 =	vsel vm0, $0x1, v4;
	vm0 =	veq.f32 v9, $0.0e+00;
	v9 =	vld.idx.msk [tilespmem:v5+s31+$0x120 ss:$0x1], $0xffff  }
0x14f: {  	v6 =	vor.u32 v13, v6;
	v13 =	vsel vm0, $0x1, v4;
	vm0 =	veq.f32 v10, $0.0e+00;
	v10 =	vld.idx.msk [tilespmem:v5+s31+$0x130 ss:$0x1], $0xffff  }
0x150: {  	v6 =	vor.u32 v13, v6;
	v13 =	vsel vm0, $0x1, v4;
	vm0 =	veq.f32 v11, $0.0e+00;
	v11 =	vld.idx.msk [tilespmem:v5+s31+$0x140 ss:$0x1], $0xffff  }
0x151: {  	v6 =	vor.u32 v13, v6;
	v13 =	vsel vm0, $0x1, v4;
	vm0 =	veq.f32 v12, $0.0e+00;
	v12 =	vld.idx.msk [tilespmem:v5+s31+$0x150 ss:$0x1], $0xffff  }
0x152: {  	v6 =	vor.u32 v13, v6;
	v13 =	vsel vm0, $0x1, v4;
	vm0 =	veq.f32 v7, $0.0e+00;
	v7 =	vld.idx.msk [tilespmem:v5+s31+$0x180 ss:$0x1], $0xffff  }
0x153: {  	v6 =	vor.u32 v13, v6;
	v13 =	vsel vm0, $0x1, v4;
	vm0 =	veq.f32 v8, $0.0e+00;
	v8 =	vld.idx.msk [tilespmem:v5+s31+$0x190 ss:$0x1], $0xffff  }
0x154: {  	v6 =	vor.u32 v13, v6;
	v13 =	vsel vm0, $0x1, v4;
	vm0 =	veq.f32 v9, $0.0e+00;
	v9 =	vld.idx.msk [tilespmem:v5+s31+$0x1A0 ss:$0x1], $0xffff  }
0x155: {  	v6 =	vor.u32 v13, v6;
	v13 =	vsel vm0, $0x1, v4;
	vm0 =	veq.f32 v10, $0.0e+00;
	v10 =	vld.idx.msk [tilespmem:v5+s31+$0x1B0 ss:$0x1], $0xffff  }
0x156: {  	v6 =	vor.u32 v13, v6;
	v13 =	vsel vm0, $0x1, v4;
	vm0 =	veq.f32 v11, $0.0e+00;
	v11 =	vld.idx.msk [tilespmem:v5+s31+$0x1C0 ss:$0x1], $0xffff  }
0x157: {  	v6 =	vor.u32 v13, v6;
	v13 =	vsel vm0, $0x1, v4;
	vm0 =	veq.f32 v12, $0.0e+00;
	v12 =	vld.idx.msk [tilespmem:v5+s31+$0x1D0 ss:$0x1], $0xffff  }
0x158: {  	v6 =	vor.u32 v13, v6;
	v13 =	vsel vm0, $0x1, v4;
	vm0 =	veq.f32 v7, $0.0e+00;
	v7 =	vld.idx.msk [tilespmem:v5+s31+$0x200 ss:$0x1], $0xffff  }
0x159: {  	v6 =	vor.u32 v13, v6;
	v13 =	vsel vm0, $0x1, v4;
	vm0 =	veq.f32 v8, $0.0e+00;
	v8 =	vld.idx.msk [tilespmem:v5+s31+$0x210 ss:$0x1], $0xffff  }
0x15a: {  	v6 =	vor.u32 v13, v6;
	v13 =	vsel vm0, $0x1, v4;
	vm0 =	veq.f32 v9, $0.0e+00;
	v9 =	vld.idx.msk [tilespmem:v5+s31+$0x220 ss:$0x1], $0xffff  }
0x15b: {  	v6 =	vor.u32 v13, v6;
	v13 =	vsel vm0, $0x1, v4;
	vm0 =	veq.f32 v10, $0.0e+00;
	v10 =	vld.idx.msk [tilespmem:v5+s31+$0x230 ss:$0x1], $0xffff  }
0x15c: {  	v6 =	vor.u32 v13, v6;
	v13 =	vsel vm0, $0x1, v4;
	vm0 =	veq.f32 v11, $0.0e+00;
	v11 =	vld.idx.msk [tilespmem:v5+s31+$0x240 ss:$0x1], $0xffff  }
0x15d: {  	v6 =	vor.u32 v13, v6;
	v13 =	vsel vm0, $0x1, v4;
	vm0 =	veq.f32 v12, $0.0e+00;
	v12 =	vld.idx.msk [tilespmem:v5+s31+$0x250 ss:$0x1], $0xffff  }
0x15e: {  	v6 =	vor.u32 v13, v6;
	v13 =	vsel vm0, $0x1, v4;
	vm0 =	veq.f32 v7, $0.0e+00;
	v7 =	vld.idx.msk [tilespmem:v5+s31+$0x280 ss:$0x1], $0xffff  }
0x15f: {  	v6 =	vor.u32 v13, v6;
	v13 =	vsel vm0, $0x1, v4;
	vm0 =	veq.f32 v8, $0.0e+00;
	v8 =	vld.idx.msk [tilespmem:v5+s31+$0x290 ss:$0x1], $0xffff  }
0x160: {  	v6 =	vor.u32 v13, v6;
	v13 =	vsel vm0, $0x1, v4;
	vm0 =	veq.f32 v9, $0.0e+00;
	v9 =	vld.idx.msk [tilespmem:v5+s31+$0x2A0 ss:$0x1], $0xffff  }
0x161: {  	v6 =	vor.u32 v13, v6;
	v13 =	vsel vm0, $0x1, v4;
	vm0 =	veq.f32 v10, $0.0e+00;
	v10 =	vld.idx.msk [tilespmem:v5+s31+$0x2B0 ss:$0x1], $0xffff  }
0x162: {  	v6 =	vor.u32 v13, v6;
	v13 =	vsel vm0, $0x1, v4;
	vm0 =	veq.f32 v11, $0.0e+00;
	v11 =	vld.idx.msk [tilespmem:v5+s31+$0x2C0 ss:$0x1], $0xffff  }
0x163: {  	v6 =	vor.u32 v13, v6;
	v13 =	vsel vm0, $0x1, v4;
	vm0 =	veq.f32 v12, $0.0e+00;
	v12 =	vld.idx.msk [tilespmem:v5+s31+$0x2D0 ss:$0x1], $0xffff  }
0x164: {  	v6 =	vor.u32 v13, v6;
	v13 =	vsel vm0, $0x1, v4;
	vm0 =	veq.f32 v7, $0.0e+00;
	v7 =	vld.idx.msk [tilespmem:v5+s31+$0x300 ss:$0x1], $0xffff  }
0x165: {  	v6 =	vor.u32 v13, v6;
	v13 =	vsel vm0, $0x1, v4;
	vm0 =	veq.f32 v8, $0.0e+00;
	v8 =	vld.idx.msk [tilespmem:v5+s31+$0x310 ss:$0x1], $0xffff  }
0x166: {  	v6 =	vor.u32 v13, v6;
	v13 =	vsel vm0, $0x1, v4;
	vm0 =	veq.f32 v9, $0.0e+00;
	v9 =	vld.idx.msk [tilespmem:v5+s31+$0x320 ss:$0x1], $0xffff  }
0x167: {  	v6 =	vor.u32 v13, v6;
	v13 =	vsel vm0, $0x1, v4;
	vm0 =	veq.f32 v10, $0.0e+00;
	v10 =	vld.idx.msk [tilespmem:v5+s31+$0x330 ss:$0x1], $0xffff  }
0x168: {  	v6 =	vor.u32 v13, v6;
	v13 =	vsel vm0, $0x1, v4;
	vm0 =	veq.f32 v11, $0.0e+00;
	v11 =	vld.idx.msk [tilespmem:v5+s31+$0x340 ss:$0x1], $0xffff  }
0x169: {  	v6 =	vor.u32 v13, v6;
	v13 =	vsel vm0, $0x1, v4;
	vm0 =	veq.f32 v12, $0.0e+00;
	v12 =	vld.idx.msk [tilespmem:v5+s31+$0x350 ss:$0x1], $0xffff  }
0x16a: {  	v6 =	vor.u32 v13, v6;
	v13 =	vsel vm0, $0x1, v4;
	vm0 =	veq.f32 v7, $0.0e+00;
	v7 =	vld.idx.msk [tilespmem:v5+s31+$0x380 ss:$0x1], $0xffff  }
0x16b: {  	v6 =	vor.u32 v13, v6;
	v13 =	vsel vm0, $0x1, v4;
	vm0 =	veq.f32 v8, $0.0e+00;
	v8 =	vld.idx.msk [tilespmem:v5+s31+$0x390 ss:$0x1], $0xffff  }
0x16c: {  	v6 =	vor.u32 v13, v6;
	v13 =	vsel vm0, $0x1, v4;
	vm0 =	veq.f32 v9, $0.0e+00;
	v9 =	vld.idx.msk [tilespmem:v5+s31+$0x3A0 ss:$0x1], $0xffff  }
0x16d: {  	v6 =	vor.u32 v13, v6;
	v13 =	vsel vm0, $0x1, v4;
	vm0 =	veq.f32 v10, $0.0e+00;
	v10 =	vld.idx.msk [tilespmem:v5+s31+$0x3B0 ss:$0x1], $0xffff  }
0x16e: {  	v6 =	vor.u32 v13, v6;
	v13 =	vsel vm0, $0x1, v4;
	vm0 =	veq.f32 v11, $0.0e+00;
	v11 =	vld.idx.msk [tilespmem:v5+s31+$0x3C0 ss:$0x1], $0xffff  }
0x16f: {  	v6 =	vor.u32 v13, v6;
	v13 =	vsel vm0, $0x1, v4;
	vm0 =	veq.f32 v12, $0.0e+00;
	v12 =	vld.idx.msk [tilespmem:v5+s31+$0x3D0 ss:$0x1], $0xffff  }
0x170: {  	v6 =	vor.u32 v13, v6;
	v13 =	vsel vm0, $0x1, v4;
	vm0 =	veq.f32 v7, $0.0e+00  }
0x171: {  	v6 =	vor.u32 v13, v6;
	v7 =	vsel vm0, $0x1, v4;
	vm0 =	veq.f32 v8, $0.0e+00  }
0x172: {  	v6 =	vor.u32 v7, v6;
	v7 =	vsel vm0, $0x1, v4;
	vm0 =	veq.f32 v9, $0.0e+00  }
0x173: {  	v6 =	vor.u32 v7, v6;
	v7 =	vsel vm0, $0x1, v4;
	vm0 =	veq.f32 v10, $0.0e+00  }
.Ltmp9:
0x174: {  	v6 =	vor.u32 v7, v6;
	v7 =	vsel vm0, $0x1, v4;
	vm0 =	veq.f32 v11, $0.0e+00;
	(pc) =	sbr.rel @p3 .LBB2_9-.Ltmp9, $4  }
0x175: {  	v6 =	vor.u32 v7, v6;
	v7 =	vsel vm0, $0x1, v4;
	vm0 =	veq.f32 v12, $0.0e+00  }
0x176: {  	v6 =	vor.u32 v7, v6;
	v7 =	vsel vm0, $0x1, v4  }
0x177: {  	v6 =	vor.u32 v7, v6  }
0x178: {  	s31 =	sshra.s32 s1, $0x2;
	s1 =	sadd.s32 $0x1000, s1;
	[tilespmem:$0x1C400] =	vst v6  }
0x179: {  	_ =	sdelay $0x3  }
0x17a: {  	v7 =	vld.idx.msk [tilespmem:v5+s31+$0x0 ss:$0x1], $0xffff  }
0x17b: {  	v8 =	vld.idx.msk [tilespmem:v5+s31+$0x10 ss:$0x1], $0xffff  }
0x17c: {  	v9 =	vld.idx.msk [tilespmem:v5+s31+$0x20 ss:$0x1], $0xffff  }
0x17d: {  	v10 =	vld.idx.msk [tilespmem:v5+s31+$0x30 ss:$0x1], $0xffff  }
0x17e: {  	v11 =	vld.idx.msk [tilespmem:v5+s31+$0x40 ss:$0x1], $0xffff  }
0x17f: {  	v12 =	vld.idx.msk [tilespmem:v5+s31+$0x50 ss:$0x1], $0xffff;
	vm0 =	veq.f32 v7, $0.0e+00  }
0x180: {  	v7 =	vld.idx.msk [tilespmem:v5+s31+$0x80 ss:$0x1], $0xffff;
	vm5 =	veq.f32 v8, $0.0e+00;
	v13 =	vsel vm0, $0x1, v4  }
0x181: {  	v38 =	vld.idx.msk [tilespmem:v5+s31+$0x90 ss:$0x1], $0xffff;
	vm6 =	veq.f32 v9, $0.0e+00;
	v39 =	vsel vm5, $0x1, v4;
	v6 =	vor.u32 v13, v6  }
0x182: {  	v40 =	vld.idx.msk [tilespmem:v5+s31+$0xA0 ss:$0x1], $0xffff;
	vm7 =	veq.f32 v10, $0.0e+00;
	v41 =	vsel vm6, $0x1, v4;
	v6 =	vor.u32 v39, v6  }
0x183: {  	v42 =	vld.idx.msk [tilespmem:v5+s31+$0xB0 ss:$0x1], $0xffff;
	vm8 =	veq.f32 v11, $0.0e+00;
	v43 =	vsel vm7, $0x1, v4;
	v6 =	vor.u32 v41, v6  }
0x184: {  	v44 =	vld.idx.msk [tilespmem:v5+s31+$0xC0 ss:$0x1], $0xffff;
	vm9 =	veq.f32 v12, $0.0e+00;
	v45 =	vsel vm8, $0x1, v4;
	v6 =	vor.u32 v43, v6  }
0x185: {  	v46 =	vld.idx.msk [tilespmem:v5+s31+$0xD0 ss:$0x1], $0xffff;
	v47 =	vsel vm9, $0x1, v4;
	vm10 =	veq.f32 v7, $0.0e+00;
	v6 =	vor.u32 v45, v6  }
0x186: {  	vm11 =	veq.f32 v38, $0.0e+00;
	v7 =	vld.idx.msk [tilespmem:v5+s31+$0x100 ss:$0x1], $0xffff;
	v48 =	vsel vm10, $0x1, v4;
	v6 =	vor.u32 v47, v6  }
0x187: {  	v49 =	vld.idx.msk [tilespmem:v5+s31+$0x110 ss:$0x1], $0xffff;
	vm12 =	veq.f32 v40, $0.0e+00;
	v50 =	vsel vm11, $0x1, v4;
	v6 =	vor.u32 v48, v6  }
0x188: {  	v51 =	vld.idx.msk [tilespmem:v5+s31+$0x120 ss:$0x1], $0xffff;
	vm13 =	veq.f32 v42, $0.0e+00;
	v52 =	vsel vm12, $0x1, v4;
	v6 =	vor.u32 v50, v6  }
0x189: {  	v53 =	vld.idx.msk [tilespmem:v5+s31+$0x130 ss:$0x1], $0xffff;
	vm14 =	veq.f32 v44, $0.0e+00;
	v54 =	vsel vm13, $0x1, v4;
	v6 =	vor.u32 v52, v6  }
0x18a: {  	v55 =	vld.idx.msk [tilespmem:v5+s31+$0x140 ss:$0x1], $0xffff;
	vm15 =	veq.f32 v46, $0.0e+00;
	v56 =	vsel vm14, $0x1, v4;
	v6 =	vor.u32 v54, v6  }
0x18b: {  	v57 =	vld.idx.msk [tilespmem:v5+s31+$0x150 ss:$0x1], $0xffff;
	v58 =	vsel vm15, $0x1, v4;
	vm4 =	veq.f32 v7, $0.0e+00;
	v6 =	vor.u32 v56, v6  }
0x18c: {  	vm5 =	veq.f32 v49, $0.0e+00;
	v7 =	vld.idx.msk [tilespmem:v5+s31+$0x180 ss:$0x1], $0xffff;
	v59 =	vsel vm4, $0x1, v4;
	v6 =	vor.u32 v58, v6  }
0x18d: {  	v60 =	vld.idx.msk [tilespmem:v5+s31+$0x190 ss:$0x1], $0xffff;
	vm6 =	veq.f32 v51, $0.0e+00;
	v61 =	vsel vm5, $0x1, v4;
	v6 =	vor.u32 v59, v6  }
0x18e: {  	v62 =	vld.idx.msk [tilespmem:v5+s31+$0x1A0 ss:$0x1], $0xffff;
	vm7 =	veq.f32 v53, $0.0e+00;
	v63 =	vsel vm6, $0x1, v4;
	v6 =	vor.u32 v61, v6  }
0x18f: {  	v16 =	vld.idx.msk [tilespmem:v5+s31+$0x1B0 ss:$0x1], $0xffff;
	vm8 =	veq.f32 v55, $0.0e+00;
	v17 =	vsel vm7, $0x1, v4;
	v6 =	vor.u32 v63, v6  }
0x190: {  	v18 =	vld.idx.msk [tilespmem:v5+s31+$0x1C0 ss:$0x1], $0xffff;
	vm9 =	veq.f32 v57, $0.0e+00;
	v19 =	vsel vm8, $0x1, v4;
	v6 =	vor.u32 v17, v6  }
0x191: {  	v20 =	vld.idx.msk [tilespmem:v5+s31+$0x1D0 ss:$0x1], $0xffff;
	v21 =	vsel vm9, $0x1, v4;
	vm10 =	veq.f32 v7, $0.0e+00;
	v6 =	vor.u32 v19, v6  }
0x192: {  	vm11 =	veq.f32 v60, $0.0e+00;
	v7 =	vld.idx.msk [tilespmem:v5+s31+$0x200 ss:$0x1], $0xffff;
	v22 =	vsel vm10, $0x1, v4;
	v6 =	vor.u32 v21, v6  }
0x193: {  	v23 =	vld.idx.msk [tilespmem:v5+s31+$0x210 ss:$0x1], $0xffff;
	vm12 =	veq.f32 v62, $0.0e+00;
	v24 =	vsel vm11, $0x1, v4;
	v6 =	vor.u32 v22, v6  }
0x194: {  	v25 =	vld.idx.msk [tilespmem:v5+s31+$0x220 ss:$0x1], $0xffff;
	vm13 =	veq.f32 v16, $0.0e+00;
	v26 =	vsel vm12, $0x1, v4;
	v6 =	vor.u32 v24, v6  }
0x195: {  	v27 =	vld.idx.msk [tilespmem:v5+s31+$0x230 ss:$0x1], $0xffff;
	vm14 =	veq.f32 v18, $0.0e+00;
	v28 =	vsel vm13, $0x1, v4;
	v6 =	vor.u32 v26, v6  }
0x196: {  	v29 =	vld.idx.msk [tilespmem:v5+s31+$0x240 ss:$0x1], $0xffff;
	vm15 =	veq.f32 v20, $0.0e+00;
	v30 =	vsel vm14, $0x1, v4;
	v6 =	vor.u32 v28, v6  }
0x197: {  	v31 =	vld.idx.msk [tilespmem:v5+s31+$0x250 ss:$0x1], $0xffff;
	v32 =	vsel vm15, $0x1, v4;
	vm4 =	veq.f32 v7, $0.0e+00;
	v6 =	vor.u32 v30, v6  }
0x198: {  	vm5 =	veq.f32 v23, $0.0e+00;
	v7 =	vld.idx.msk [tilespmem:v5+s31+$0x280 ss:$0x1], $0xffff;
	v33 =	vsel vm4, $0x1, v4;
	v6 =	vor.u32 v32, v6  }
0x199: {  	v34 =	vld.idx.msk [tilespmem:v5+s31+$0x290 ss:$0x1], $0xffff;
	vm6 =	veq.f32 v25, $0.0e+00;
	v35 =	vsel vm5, $0x1, v4;
	v6 =	vor.u32 v33, v6  }
0x19a: {  	v36 =	vld.idx.msk [tilespmem:v5+s31+$0x2A0 ss:$0x1], $0xffff;
	vm7 =	veq.f32 v27, $0.0e+00;
	v37 =	vsel vm6, $0x1, v4;
	v6 =	vor.u32 v35, v6  }
0x19b: {  	v38 =	vld.idx.msk [tilespmem:v5+s31+$0x2B0 ss:$0x1], $0xffff;
	vm8 =	veq.f32 v29, $0.0e+00;
	v39 =	vsel vm7, $0x1, v4;
	v6 =	vor.u32 v37, v6  }
0x19c: {  	v40 =	vld.idx.msk [tilespmem:v5+s31+$0x2C0 ss:$0x1], $0xffff;
	vm9 =	veq.f32 v31, $0.0e+00;
	v41 =	vsel vm8, $0x1, v4;
	v6 =	vor.u32 v39, v6  }
0x19d: {  	v42 =	vld.idx.msk [tilespmem:v5+s31+$0x2D0 ss:$0x1], $0xffff;
	v43 =	vsel vm9, $0x1, v4;
	vm10 =	veq.f32 v7, $0.0e+00;
	v6 =	vor.u32 v41, v6  }
0x19e: {  	vm11 =	veq.f32 v34, $0.0e+00;
	v7 =	vld.idx.msk [tilespmem:v5+s31+$0x300 ss:$0x1], $0xffff;
	v44 =	vsel vm10, $0x1, v4;
	v6 =	vor.u32 v43, v6  }
0x19f: {  	vm12 =	veq.f32 v36, $0.0e+00;
	v46 =	vsel vm11, $0x1, v4;
	v45 =	vld.idx.msk [tilespmem:v5+s31+$0x310 ss:$0x1], $0xffff;
	v6 =	vor.u32 v44, v6  }
0x1a0: {  	vm13 =	veq.f32 v38, $0.0e+00;
	v47 =	vld.idx.msk [tilespmem:v5+s31+$0x320 ss:$0x1], $0xffff;
	v48 =	vsel vm12, $0x1, v4;
	v6 =	vor.u32 v46, v6  }
0x1a1: {  	v49 =	vld.idx.msk [tilespmem:v5+s31+$0x330 ss:$0x1], $0xffff;
	vm14 =	veq.f32 v40, $0.0e+00;
	v50 =	vsel vm13, $0x1, v4;
	v6 =	vor.u32 v48, v6  }
0x1a2: {  	v51 =	vld.idx.msk [tilespmem:v5+s31+$0x340 ss:$0x1], $0xffff;
	vm15 =	veq.f32 v42, $0.0e+00;
	v52 =	vsel vm14, $0x1, v4;
	v6 =	vor.u32 v50, v6  }
0x1a3: {  	v53 =	vld.idx.msk [tilespmem:v5+s31+$0x350 ss:$0x1], $0xffff;
	v54 =	vsel vm15, $0x1, v4;
	vm4 =	veq.f32 v7, $0.0e+00;
	v6 =	vor.u32 v52, v6  }
0x1a4: {  	vm5 =	veq.f32 v45, $0.0e+00;
	v7 =	vld.idx.msk [tilespmem:v5+s31+$0x380 ss:$0x1], $0xffff;
	v55 =	vsel vm4, $0x1, v4;
	v6 =	vor.u32 v54, v6  }
0x1a5: {  	v56 =	vld.idx.msk [tilespmem:v5+s31+$0x390 ss:$0x1], $0xffff;
	v57 =	vsel vm5, $0x1, v4;
	vm6 =	veq.f32 v47, $0.0e+00;
	v6 =	vor.u32 v55, v6  }
0x1a6: {  	vm7 =	veq.f32 v49, $0.0e+00;
	v58 =	vld.idx.msk [tilespmem:v5+s31+$0x3A0 ss:$0x1], $0xffff;
	v59 =	vsel vm6, $0x1, v4;
	v6 =	vor.u32 v57, v6  }
0x1a7: {  	v60 =	vld.idx.msk [tilespmem:v5+s31+$0x3B0 ss:$0x1], $0xffff;
	vm8 =	veq.f32 v51, $0.0e+00;
	v61 =	vsel vm7, $0x1, v4;
	v6 =	vor.u32 v59, v6  }
0x1a8: {  	v62 =	vld.idx.msk [tilespmem:v5+s31+$0x3C0 ss:$0x1], $0xffff;
	vm9 =	veq.f32 v53, $0.0e+00;
	v63 =	vsel vm8, $0x1, v4;
	v6 =	vor.u32 v61, v6  }
0x1a9: {  	v12 =	vsel vm9, $0x1, v4;
	v5 =	vld.idx.msk [tilespmem:v5+s31+$0x3D0 ss:$0x1], $0xffff;
	vm10 =	veq.f32 v7, $0.0e+00;
	v6 =	vor.u32 v63, v6  }
0x1aa: {  	vm11 =	veq.f32 v56, $0.0e+00;
	v7 =	vsel vm10, $0x1, v4;
	v6 =	vor.u32 v12, v6  }
0x1ab: {  	vm12 =	veq.f32 v58, $0.0e+00;
	v6 =	vor.u32 v7, v6;
	v7 =	vsel vm11, $0x1, v4  }
0x1ac: {  	vm13 =	veq.f32 v60, $0.0e+00;
	v6 =	vor.u32 v7, v6;
	v7 =	vsel vm12, $0x1, v4  }
0x1ad: {  	vm14 =	veq.f32 v62, $0.0e+00;
	v6 =	vor.u32 v7, v6;
	v7 =	vsel vm13, $0x1, v4  }
0x1ae: {  	vm15 =	veq.f32 v5, $0.0e+00;
	v6 =	vor.u32 v7, v6;
	v7 =	vsel vm14, $0x1, v4  }
0x1af: {  	v5 =	vor.u32 v7, v6;
	v6 =	vsel vm15, $0x1, v4  }
0x1b0: {  	v5 =	vor.u32 v6, v5  }
0x1b1: {  	(v2sf) =	vpush v5, $0x0  }
0x1b2: {  	(v2sf) =	vpush v5, $0x1  }
0x1b3: {  	(v2sf) =	vpush v5, $0x2  }
0x1b4: {  	(v2sf) =	vpush v5, $0x3  }
0x1b5: {  	(v2sf) =	vpush v5, $0x4  }
0x1b6: {  	(v2sf) =	vpush v5, $0x5  }
0x1b7: {  	(v2sf) =	vpush v5, $0x6  }
0x1b8: {  	(v2sf) =	vpush v5, $0x7  }
0x1b9: {  	(v2sf) =	vpush v5, $0x8  }
0x1ba: {  	(v2sf) =	vpush v5, $0x9  }
0x1bb: {  	(v2sf) =	vpush v5, $0xA  }
0x1bc: {  	(v2sf) =	vpush v5, $0xB  }
0x1bd: {  	(v2sf) =	vpush v5, $0xC  }
0x1be: {  	(v2sf) =	vpush v5, $0xD  }
0x1bf: {  	(v2sf) =	vpush v5, $0xE  }
0x1c0: {  	s1 =	spop (v2sf);
	(v2sf) =	vpush v5, $0xF  }
0x1c1: {  	s6 =	spop (v2sf)  }
0x1c2: {  	s1 =	sor.u32 s6, s1;
	s16 =	spop (v2sf)  }
0x1c3: {  	s1 =	sor.u32 s16, s1;
	s31 =	spop (v2sf)  }
0x1c4: {  	s1 =	sor.u32 s31, s1;
	s8 =	spop (v2sf)  }
0x1c5: {  	s1 =	sor.u32 s8, s1;
	s16 =	spop (v2sf)  }
0x1c6: {  	s1 =	sor.u32 s16, s1;
	s31 =	spop (v2sf)  }
0x1c7: {  	s1 =	sor.u32 s31, s1;
	s8 =	spop (v2sf)  }
0x1c8: {  	s1 =	sor.u32 s8, s1;
	s16 =	spop (v2sf)  }
0x1c9: {  	s1 =	sor.u32 s16, s1;
	s31 =	spop (v2sf)  }
0x1ca: {  	s1 =	sor.u32 s31, s1;
	s8 =	spop (v2sf)  }
0x1cb: {  	s1 =	sor.u32 s8, s1;
	s16 =	spop (v2sf)  }
0x1cc: {  	s1 =	sor.u32 s16, s1;
	s31 =	spop (v2sf)  }
0x1cd: {  	s1 =	sor.u32 s31, s1;
	s8 =	spop (v2sf)  }
0x1ce: {  	s1 =	sor.u32 s8, s1;
	s16 =	spop (v2sf)  }
0x1cf: {  	s1 =	sor.u32 s16, s1;
	s31 =	spop (v2sf)  }
0x1d0: {  	s1 =	sor.u32 s31, s1  }
0x1d1: {  	p3 =	sne.s32 s1, $0x0  }
.Ltmp10:
0x1d2: {  	_ = 	snop;
	(pc) =	sbr.rel @!p3 .LBB2_11-.Ltmp10, $2  }
0x1d3: {  	_ =	sdelay $0x2  }
0x1d4: {  	[tilespmem:$0x1C400] =	vst v5  }
0x1d5: {  	p3 =	slt.s32 s1, $0x1  }
.Ltmp11:
0x1d6: {  	_ = 	snop;
	(pc) =	sbr.rel @p3 .LBB2_16-.Ltmp11, $2  }
0x1d7: {  	_ =	sdelay $0x2  }
0x1d8: {  	s1 =	simm.s32 $0x0  }
0x1d9: {  	s6 =	sadd.s32 $0x0, s30  }
0x1da: {  	v5 =	vld [tilespmem:s6+$0xFFFFFFD0];
	_ =	sdelay $0x4  }
0x1db: {  	vm0 =	vlt.f32 v5, $0.0e+00;
	vm1 =	vgt.f32 v5, $0.0e+00  }
0x1dc: {  	vm0 =	vmor vm1, vm0  }
0x1dd: {  	s31 =	simm.s32 $0x0;
	v5 =	vsel vm0, $0x3F800000, v2  }
0x1de: {  	[tilespmem:s31+$0x11C00] =	vst v5  }
0x1df: {  	v5 =	vld [tilespmem:s6+$0xFFFFFFE0];
	_ =	sdelay $0x4  }
0x1e0: {  	vm6 =	vlt.f32 v5, $0.0e+00;
	vm7 =	vgt.f32 v5, $0.0e+00  }
0x1e1: {  	vm0 =	vmor vm7, vm6  }
0x1e2: {  	v5 =	vsel vm0, $0x3F800000, v2  }
0x1e3: {  	[tilespmem:s31+$0x11C10] =	vst v5  }
0x1e4: {  	v5 =	vld [tilespmem:s6+$0xFFFFFFF0];
	_ =	sdelay $0x4  }
0x1e5: {  	vm8 =	vlt.f32 v5, $0.0e+00;
	vm9 =	vgt.f32 v5, $0.0e+00  }
0x1e6: {  	vm0 =	vmor vm9, vm8  }
0x1e7: {  	v5 =	vsel vm0, $0x3F800000, v2  }
0x1e8: {  	[tilespmem:s31+$0x11C20] =	vst v5  }
0x1e9: {  	v5 =	vld [tilespmem:s6+$0x0];
	_ =	sdelay $0x4  }
0x1ea: {  	vm10 =	vlt.f32 v5, $0.0e+00;
	vm11 =	vgt.f32 v5, $0.0e+00  }
0x1eb: {  	vm0 =	vmor vm11, vm10  }
0x1ec: {  	v5 =	vsel vm0, $0x3F800000, v2  }
0x1ed: {  	[tilespmem:s31+$0x11C30] =	vst v5  }
0x1ee: {  	v5 =	vld [tilespmem:s6+$0x10];
	_ =	sdelay $0x4  }
0x1ef: {  	vm12 =	vlt.f32 v5, $0.0e+00;
	vm13 =	vgt.f32 v5, $0.0e+00  }
0x1f0: {  	vm0 =	vmor vm13, vm12  }
0x1f1: {  	v5 =	vsel vm0, $0x3F800000, v2  }
0x1f2: {  	[tilespmem:s31+$0x11C40] =	vst v5  }
0x1f3: {  	v5 =	vld [tilespmem:s6+$0x20];
	_ =	sdelay $0x4  }
0x1f4: {  	vm14 =	vlt.f32 v5, $0.0e+00;
	vm15 =	vgt.f32 v5, $0.0e+00  }
0x1f5: {  	vm0 =	vmor vm15, vm14  }
0x1f6: {  	s8 =	simm.s32 $0x80;
	s16 =	simm.s32 $0x400;
	v5 =	vsel vm0, $0x3F800000, v2  }
.LBB2_14:
0x1f7: {  	p3 =	sne.s32 s16, $0x1BE00;
	s6 =	sadd.s32 s8, s30;
	[tilespmem:s31+$0x11C50] =	vst v5;
	s31 =	smov.u32 s8  }
0x1f8: {  	v5 =	vld [tilespmem:s6+$0xFFFFFFD0];
	_ =	sdelay $0x4  }
0x1f9: {  	vm0 =	vlt.f32 v5, $0.0e+00;
	vm1 =	vgt.f32 v5, $0.0e+00  }
0x1fa: {  	vm0 =	vmor vm1, vm0  }
0x1fb: {  	v5 =	vsel vm0, $0x3F800000, v2  }
0x1fc: {  	[tilespmem:s31+$0x11C00] =	vst v5  }
0x1fd: {  	v5 =	vld [tilespmem:s6+$0xFFFFFFE0];
	_ =	sdelay $0x4  }
0x1fe: {  	vm0 =	vlt.f32 v5, $0.0e+00;
	vm1 =	vgt.f32 v5, $0.0e+00  }
0x1ff: {  	vm0 =	vmor vm1, vm0  }
0x200: {  	v5 =	vsel vm0, $0x3F800000, v2  }
0x201: {  	[tilespmem:s31+$0x11C10] =	vst v5  }
0x202: {  	v5 =	vld [tilespmem:s6+$0xFFFFFFF0];
	_ =	sdelay $0x4  }
0x203: {  	vm0 =	vlt.f32 v5, $0.0e+00;
	vm1 =	vgt.f32 v5, $0.0e+00  }
0x204: {  	vm0 =	vmor vm1, vm0  }
0x205: {  	v5 =	vsel vm0, $0x3F800000, v2  }
0x206: {  	[tilespmem:s31+$0x11C20] =	vst v5  }
0x207: {  	v5 =	vld [tilespmem:s6+$0x0];
	_ =	sdelay $0x4  }
0x208: {  	vm0 =	vlt.f32 v5, $0.0e+00;
	vm1 =	vgt.f32 v5, $0.0e+00  }
0x209: {  	vm0 =	vmor vm1, vm0  }
0x20a: {  	v5 =	vsel vm0, $0x3F800000, v2  }
0x20b: {  	[tilespmem:s31+$0x11C30] =	vst v5  }
0x20c: {  	v5 =	vld [tilespmem:s6+$0x10];
	_ =	sdelay $0x4  }
0x20d: {  	vm0 =	vlt.f32 v5, $0.0e+00;
	vm1 =	vgt.f32 v5, $0.0e+00  }
0x20e: {  	vm0 =	vmor vm1, vm0  }
0x20f: {  	v5 =	vsel vm0, $0x3F800000, v2  }
0x210: {  	[tilespmem:s31+$0x11C40] =	vst v5  }
0x211: {  	v5 =	vld [tilespmem:s6+$0x20];
	_ =	sdelay $0x2  }
.Ltmp12:
0x212: {  	(pc) =	sbr.rel @p3 .LBB2_14-.Ltmp12, $4  }
0x213: {  	_ = 	snop  }
0x214: {  	vm0 =	vlt.f32 v5, $0.0e+00;
	vm1 =	vgt.f32 v5, $0.0e+00  }
0x215: {  	vm0 =	vmor vm1, vm0  }
0x216: {  	s8 =	sshra.s32 s16, $0x2;
	s16 =	sadd.s32 $0x200, s16;
	v5 =	vsel vm0, $0x3F800000, v2  }
0x217: {  	s6 =	sadd.s32 s8, s30;
	[tilespmem:s31+$0x11C50] =	vst v5  }
0x218: {  	v5 =	vld [tilespmem:s6+$0xFFFFFFD0];
	_ =	sdelay $0x4  }
0x219: {  	vm0 =	vlt.f32 v5, $0.0e+00;
	vm1 =	vgt.f32 v5, $0.0e+00  }
0x21a: {  	vm0 =	vmor vm1, vm0  }
0x21b: {  	v5 =	vsel vm0, $0x3F800000, v2  }
0x21c: {  	[tilespmem:s8+$0x11C00] =	vst v5  }
0x21d: {  	v5 =	vld [tilespmem:s6+$0xFFFFFFE0];
	_ =	sdelay $0x4  }
0x21e: {  	vm6 =	vlt.f32 v5, $0.0e+00;
	vm7 =	vgt.f32 v5, $0.0e+00  }
0x21f: {  	vm0 =	vmor vm7, vm6  }
0x220: {  	v5 =	vsel vm0, $0x3F800000, v2  }
0x221: {  	[tilespmem:s8+$0x11C10] =	vst v5  }
0x222: {  	v5 =	vld [tilespmem:s6+$0xFFFFFFF0];
	_ =	sdelay $0x4  }
0x223: {  	vm8 =	vlt.f32 v5, $0.0e+00;
	vm9 =	vgt.f32 v5, $0.0e+00  }
0x224: {  	vm0 =	vmor vm9, vm8  }
0x225: {  	v5 =	vsel vm0, $0x3F800000, v2  }
0x226: {  	[tilespmem:s8+$0x11C20] =	vst v5  }
0x227: {  	v5 =	vld [tilespmem:s6+$0x0];
	_ =	sdelay $0x4  }
0x228: {  	vm10 =	vlt.f32 v5, $0.0e+00;
	vm11 =	vgt.f32 v5, $0.0e+00  }
0x229: {  	vm0 =	vmor vm11, vm10  }
0x22a: {  	v5 =	vsel vm0, $0x3F800000, v2  }
0x22b: {  	[tilespmem:s8+$0x11C30] =	vst v5  }
0x22c: {  	v5 =	vld [tilespmem:s6+$0x10];
	_ =	sdelay $0x4  }
0x22d: {  	vm12 =	vlt.f32 v5, $0.0e+00;
	vm13 =	vgt.f32 v5, $0.0e+00  }
0x22e: {  	vm0 =	vmor vm13, vm12  }
0x22f: {  	v5 =	vsel vm0, $0x3F800000, v2  }
0x230: {  	[tilespmem:s8+$0x11C40] =	vst v5  }
0x231: {  	v5 =	vld [tilespmem:s6+$0x20];
	_ =	sdelay $0x4  }
0x232: {  	vm14 =	vlt.f32 v5, $0.0e+00;
	vm15 =	vgt.f32 v5, $0.0e+00  }
0x233: {  	vm0 =	vmor vm15, vm14  }
0x234: {  	v5 =	vsel vm0, $0x3F800000, v2  }
0x235: {  	[tilespmem:s8+$0x11C50] =	vst v5  }
0x236: {  	[spmem:s2] =	stream.indirect.scatter.add.f32 [tilespmem:s22], [sflag:$0x8], $0x60, s29, s17, $0xb8;
	[tilespmem:$0x1DC80] =	vst v63  }
0x237: {  	_ =	swait.ge [sflag:s15], $0x2A00  }
0x238: {  	[sflag:s15] =	ssyncset.done $0x0  }
.Ltmp13:
0x239: {  	[sflag:s15] =	ssyncadd.s32 $0xFFFFD600;
	(pc) =	sbr.rel .LBB2_16-.Ltmp13, $4  }
0x23a: {  	[spmem:s2] =	stream.indirect.scatter.add.f32 [tilespmem:s23], [sflag:$0x8], $0x60, s28, s17, $0xb8;
	[tilespmem:$0x1DC80] =	vst v63  }
0x23b: {  	_ =	swait.ge [sflag:s15], $0x2A00  }
0x23c: {  	[sflag:s15] =	ssyncset.done $0x0  }
0x23d: {  	[sflag:s15] =	ssyncadd.s32 $0xFFFFD600  }
.LBB2_17:
0x23e: {  	_ =	swait.ge [sflag:s19], $0x2A00;
	p2 =	slt.s32 s6, $0x1  }
.Ltmp14:
0x23f: {  	[sflag:s19] =	ssyncset.done $0x0;
	(pc) =	sbr.rel @p2 .LBB2_21-.Ltmp14, $4  }
0x240: {  	[sflag:s19] =	ssyncadd.s32 $0xFFFFD600  }
0x241: {  	_ =	swait.ge [sflag:s20], $0x2A00  }
0x242: {  	[sflag:s20] =	ssyncset.done $0x0  }
0x243: {  	[sflag:s20] =	ssyncadd.s32 $0xFFFFD600  }
0x244: {  	s1 =	sadd.s32 s26, s1  }
0x245: {  	p2 =	sne.s32 s1, $0x1  }
.Ltmp15:
0x246: {  	_ = 	snop;
	(pc) =	sbr.rel @!p2 .LBB2_20-.Ltmp15, $3  }
0x247: {  	_ =	sdelay $0x1  }
0x248: {  	_ =	swait.ge [sflag:s21], $0x2A00  }
0x249: {  	s1 =	sadd.s32 $0xFFFFFFFF, s1;
	[sflag:s21] =	ssyncset.done $0x0  }
.LBB2_19:
0x24a: {  	p2 =	sne.s32 s1, $0x1;
	s1 =	sadd.s32 $0xFFFFFFFF, s1;
	[sflag:s21] =	ssyncadd.s32 $0xFFFFD600  }
.Ltmp16:
0x24b: {  	(pc) =	sbr.rel @p2 .LBB2_19-.Ltmp16, $3  }
0x24c: {  	_ =	sdelay $0x1  }
0x24d: {  	_ =	swait.ge [sflag:s21], $0x2A00  }
0x24e: {  	[sflag:s21] =	ssyncset.done $0x0  }
.Ltmp17:
0x24f: {  	_ = 	snop;
	(pc) =	sbr.rel .LBB2_20-.Ltmp17, $1  }
0x250: {  	_ =	sdelay $0x3  }
.LBB2_22:
0x251: {  	_ =	sfence.sel $0x180000  }
0x252: {  	[bflag:$0x0] =	sbarrier.arrive $0xFFFF  }
0x253: {  	_ =	strace $0x90000047  }
0x254: {  	[bflag:$0x2] =	sbarrier.arrive $0xFFFF  }
0x255: {  	s0 =	rddreg [dreg:$0x4]  }
0x256: {  	s0 =	sadd.s32 @!p1 $0x100000, s0  }
0x257: {  	[sflag:s0] =	ssyncadd.tile.s32 @!p1 $0x1;
	_ =	shalt  }
.Lfunc_end2:
_tile_overlayer_lowered:
.L_overlay_start_2:
0x258: {  	(tag) =	ssettag $0x2  }
0x259: {  	s0 =	rddreg [dreg:$0x0];
	s2 =	stileid.u32  }
0x25a: {  	s1 =	rddreg [dreg:$0x1];
	p0 =	sne.s32 s2, $0x0  }
0x25b: {  	s3 =	rddreg [dreg:$0x2];
	[bflag:$0x3] =	sbarrier.arrive $0xFFFF;
	s2 =	simm.s32 @!p0 $0x1C08  }
0x25c: {  	[timem:s3], [sflag:s2] =	dma.local @!p0 [hbm:s0], s1  }
0x25d: {  	s0 =	simm.s32 @!p0 $0x8  }
0x25e: {  	_ =	swait.ge @!p0 [sflag:s0], s1  }
0x25f: {  	s1 =	ssub.s32 @!p0 $0x0, s1;
	[sflag:s0] =	ssyncset.done @!p0 $0x0  }
0x260: {  	[sflag:s0] =	ssyncadd.s32 @!p0 s1  }
0x261: {  	[bflag:$0x3] =	sbarrier.arrive $0xFFFF  }
0x262: {  	_ =	shalt  }

</sc_bundles>
